<compile_context>
chip_gen: v7x
topology: tpu7x:2x2x1
jax: 0.10.2.dev20260603
libtpu: 0.0.44.dev20260713+nightly
codegen_flags: <defaults>
</compile_context>

<pallas_src>
import functools

import jax
import jax.numpy as jnp
import numpy as np
from jax import lax
from jax.experimental import pallas as pl
from jax.experimental.pallas import tpu as pltpu
from jax.experimental.pallas import tpu_sc as plsc

N = 16384
G = 1024
K = 64
L = 16
NC = 2
NS = 16
NW = NC * NS
GPW = G // NW
GRP = 16
NGRP = N // (L * GRP)
PEND = 288
PEND_ALLOC = 384

_INF = np.float32(np.inf)
_BIGI = np.int32(0x7FFFFFFF)


def _rne_bf16(v):
    u = lax.bitcast_convert_type(v, jnp.uint32)
    r = (u + np.uint32(0x7FFF) + ((u >> 16) & np.uint32(1))) & np.uint32(0xFFFF0000)
    return lax.bitcast_convert_type(r, jnp.float32)


def _splat(ref, j):
    return plsc.load_gather(ref, [jnp.full((L,), j, jnp.int32)])


def _cascade(accd, acci, rd, ri):
    cd, ci = rd, ri
    for b in range(4):
        bd = accd[pl.ds(b * L, L)]
        bi = acci[pl.ds(b * L, L)]
        rcd = lax.rev(cd, (0,))
        rci = lax.rev(ci, (0,))
        less = (bd < rcd) | ((bd == rcd) & (bi < rci))
        lod = jnp.where(less, bd, rcd)
        loi = jnp.where(less, bi, rci)
        lod, loi = plsc.sort_key_val(lod, loi)
        accd[pl.ds(b * L, L)] = lod
        acci[pl.ds(b * L, L)] = loi
        if b < 3:
            hid = jnp.where(less, rcd, bd)
            hii = jnp.where(less, rci, bi)
            cd, ci = plsc.sort_key_val(hid, hii)


def _sc_group_kernel(x_hbm, y_hbm, z_hbm, sidx_hbm,
                     nbh_hbm, ctr_hbm, oidx_hbm,
                     xv, yv, zv, qv, xb, yb, zb, sidx_v,
                     accd, acci, pendd, pendi,
                     nbh_buf, ctr_buf, oidx_buf):
    wid = lax.axis_index("s") * NC + lax.axis_index("c")

    pltpu.sync_copy(x_hbm, xv)
    pltpu.sync_copy(y_hbm, yv)
    pltpu.sync_copy(z_hbm, zv)
    pltpu.sync_copy(sidx_hbm.at[pl.ds(wid * GPW, GPW)], sidx_v.at[pl.ds(0, GPW)])

    ii = lax.iota(jnp.int32, L)

    def _qbody(i, _):
        b = i * L
        xc = xv[pl.ds(b, L)]
        yc = yv[pl.ds(b, L)]
        zc = zv[pl.ds(b, L)]
        qv[pl.ds(b, L)] = (xc * xc + yc * yc) + zc * zc
        xb[pl.ds(b, L)] = _rne_bf16(xc)
        yb[pl.ds(b, L)] = _rne_bf16(yc)
        zb[pl.ds(b, L)] = _rne_bf16(zc)
        return 0

    lax.fori_loop(0, N // L, _qbody, 0)

    def _center(j, _):
        sj = _splat(sidx_v, j)
        cx = plsc.load_gather(xv, [sj])
        cy = plsc.load_gather(yv, [sj])
        cz = plsc.load_gather(zv, [sj])
        cx = jnp.where(cx != cx, np.float32(0), cx)
        cy = jnp.where(cy != cy, np.float32(0), cy)
        cz = jnp.where(cz != cz, np.float32(0), cz)
        cq = (cx * cx + cz * cz) + cy * cy
        cbx = _rne_bf16(cx)
        cby = _rne_bf16(cy)
        cbz = _rne_bf16(cz)

        for b in range(4):
            accd[pl.ds(b * L, L)] = jnp.full((L,), _INF)
            acci[pl.ds(b * L, L)] = jnp.full((L,), _BIGI)

        def _drain_cond(carry):
            cntv, _ = carry
            return jnp.any(cntv >= L)

        def _drain_body(carry):
            cntv, tv = carry
            rd = pendd[pl.ds(0, L)]
            ri = pendi[pl.ds(0, L)]
            rd, ri = plsc.sort_key_val(rd, ri)
            _cascade(accd, acci, rd, ri)
            for s in range(PEND // L - 1):
                pendd[pl.ds(s * L, L)] = pendd[pl.ds((s + 1) * L, L)]
                pendi[pl.ds(s * L, L)] = pendi[pl.ds((s + 1) * L, L)]
            tv = _splat(accd, 63)
            return cntv - L, tv

        def _group(g, carry):
            cntv, tv = carry
            for c in range(GRP):
                base = (g * GRP + c) * L
                xc = xb[pl.ds(base, L)]
                yc = yb[pl.ds(base, L)]
                zc = zb[pl.ds(base, L)]
                qc = qv[pl.ds(base, L)]
                dot = (cbx * xc + cby * yc) + cbz * zc
                d = (cq + qc) - np.float32(2) * dot
                m = d <= tv
                mi = m.astype(jnp.int32)
                pos = (cntv + plsc.cumsum(mi)) - 1
                plsc.store_scatter(pendd, [pos], d, mask=m)
                plsc.store_scatter(pendi, [pos], ii + base, mask=m)
                cntv = cntv + plsc.all_reduce_population_count(m)
            return lax.while_loop(_drain_cond, _drain_body, (cntv, tv))

        cnt0 = jnp.zeros((L,), jnp.int32)
        tv0 = jnp.full((L,), _INF)
        cntv, tv = lax.fori_loop(0, NGRP, _group, (cnt0, tv0))

        rd = pendd[pl.ds(0, L)]
        ri = pendi[pl.ds(0, L)]
        valid = ii < cntv
        rd = jnp.where(valid, rd, _INF)
        ri = jnp.where(valid, ri, _BIGI)
        rd, ri = plsc.sort_key_val(rd, ri)
        _cascade(accd, acci, rd, ri)

        for b in range(4):
            ids0 = acci[pl.ds(b * L, L)]
            dsb = accd[pl.ds(b * L, L)]
            nxt = jnp.minimum(b * L + ii + 1, 63)
            prv = jnp.maximum(b * L + ii - 1, 0)
            dn = plsc.load_gather(accd, [nxt])
            inx = plsc.load_gather(acci, [nxt])
            dp = plsc.load_gather(accd, [prv])
            ip = plsc.load_gather(acci, [prv])
            ids = jnp.where((dsb == dn) & (ids0 > inx), inx, ids0)
            ids = jnp.where((dsb == dp) & (ids0 < ip), ip, ids)
            gx = plsc.load_gather(xv, [ids]) - cx
            gy = plsc.load_gather(yv, [ids]) - cy
            gz = plsc.load_gather(zv, [ids]) - cz
            pos = (j * K + b * L + ii) * 3
            plsc.store_scatter(nbh_buf, [pos], gx)
            plsc.store_scatter(nbh_buf, [pos + 1], gy)
            plsc.store_scatter(nbh_buf, [pos + 2], gz)
            oidx_buf[pl.ds(j * K + b * L, L)] = ids
        lane0 = ii == 0
        plsc.store_scatter(ctr_buf, [jnp.full((L,), 3 * j, jnp.int32)], cx,
                           mask=lane0)
        plsc.store_scatter(ctr_buf, [jnp.full((L,), 3 * j + 1, jnp.int32)], cy,
                           mask=lane0)
        plsc.store_scatter(ctr_buf, [jnp.full((L,), 3 * j + 2, jnp.int32)], cz,
                           mask=lane0)
        return 0

    lax.fori_loop(0, GPW, _center, 0)

    pltpu.sync_copy(nbh_buf, nbh_hbm.at[pl.ds(wid * GPW * K * 3, GPW * K * 3)])
    pltpu.sync_copy(ctr_buf.at[pl.ds(0, GPW * 3)], ctr_hbm.at[pl.ds(wid * GPW * 3, GPW * 3)])
    pltpu.sync_copy(oidx_buf, oidx_hbm.at[pl.ds(wid * GPW * K, GPW * K)])


_sc_call = functools.partial(
    pl.kernel,
    out_type=(
        jax.ShapeDtypeStruct((G * K * 3,), jnp.float32),
        jax.ShapeDtypeStruct((G * 3,), jnp.float32),
        jax.ShapeDtypeStruct((G * K,), jnp.int32),
    ),
    mesh=plsc.VectorSubcoreMesh(core_axis_name="c", subcore_axis_name="s",
                                num_cores=NC, num_subcores=NS),
    compiler_params=pltpu.CompilerParams(needs_layout_passes=False),
    scratch_types=[
        pltpu.VMEM((N,), jnp.float32),
        pltpu.VMEM((N,), jnp.float32),
        pltpu.VMEM((N,), jnp.float32),
        pltpu.VMEM((N,), jnp.float32),
        pltpu.VMEM((N,), jnp.float32),
        pltpu.VMEM((N,), jnp.float32),
        pltpu.VMEM((N,), jnp.float32),
        pltpu.VMEM((128,), jnp.int32),
        pltpu.VMEM((128,), jnp.float32),
        pltpu.VMEM((128,), jnp.int32),
        pltpu.VMEM((PEND_ALLOC,), jnp.float32),
        pltpu.VMEM((PEND_ALLOC,), jnp.int32),
        pltpu.VMEM((GPW * K * 3,), jnp.float32),
        pltpu.VMEM((128,), jnp.float32),
        pltpu.VMEM((GPW * K,), jnp.int32),
    ],
)(_sc_group_kernel)


def kernel(xyz, sample_idx):
    B = xyz.shape[0]
    pts = xyz[0]
    x = pts[:, 0]
    y = pts[:, 1]
    z = pts[:, 2]
    sidx = sample_idx.astype(jnp.int32)
    nbh, ctr, oidx = _sc_call(x, y, z, sidx)
    center_idx = sidx.reshape(1, -1)
    return (
        nbh.reshape(B, G, K, 3),
        ctr.reshape(B, G, 3),
        oidx.reshape(B, G, K),
        center_idx,
    )

# --- scband reference (transcript-rebuilt; emitter-appended) ---
"""Pipeline reference for scband-group-84559316124286 (READ-ONLY COPY).

The authoritative reference and input builder live on the scoring server;
editing this copy changes nothing except your own understanding.
"""

import jax, jax.numpy as jnp
import numpy as np

NUM_GROUP = 1024
GROUP_SIZE = 64


def setup_inputs(seed: int = 0) -> dict:
    key = jax.random.key(seed)
    k1, k2 = jax.random.split(key)
    xyz = jax.random.normal(k1, (1, 16384, 3), dtype=jnp.float32)
    sample_idx = jax.random.randint(k2, (NUM_GROUP,), 0, 16384, dtype=jnp.int32)
    return {"xyz": xyz, "sample_idx": sample_idx}


def reference(xyz, sample_idx):
    B, N, _ = xyz.shape
    # center_idx = reshape(sample_idx, (1, G)) as in the torch code
    center_idx = sample_idx.astype(jnp.int32).reshape(1, -1)
    # gather_operation: pick center points from xyz -> (B, G, 3)
    center = jnp.take(xyz, center_idx[0], axis=1)
    center = jnp.where(jnp.isnan(center), jnp.zeros_like(center), center)
    # brute-force KNN: squared distances (B, G, N) via |c|^2 + |x|^2 - 2 c.x
    d = (jnp.sum(center ** 2, axis=-1)[:, :, None]
         + jnp.sum(xyz ** 2, axis=-1)[:, None, :]
         - 2.0 * jnp.einsum('bgd,bnd->bgn', center, xyz))
    _, idx = jax.lax.top_k(-d, GROUP_SIZE)  # (B, G, k) indices of k nearest points
    ori_idx = idx
    idx_base = jnp.arange(B, dtype=idx.dtype).reshape(-1, 1, 1) * N
    flat_idx = (idx + idx_base).reshape(-1)
    neighborhood = xyz.reshape(B * N, 3)[flat_idx, :]
    neighborhood = neighborhood.reshape(B, ori_idx.shape[1], ori_idx.shape[2], 3)
    neighborhood = neighborhood - center[:, :, None, :]
    return (neighborhood, center, ori_idx, center_idx)

if __name__ == "__main__":
    import jax
    _d = setup_inputs()
    print(jax.jit(kernel)(*tuple(_d.values())))

</pallas_src>

<mosaic_0001>
#map = affine_map<(d0, d1) -> (0)>
module attributes {stable_mosaic.version = 14 : i64} {
  func.func @_sc_group_kernel(%arg0: i32, %arg1: i32, %arg2: memref<16384xf32, #tpu.memory_space<hbm>>, %arg3: memref<16384xf32, #tpu.memory_space<hbm>>, %arg4: memref<16384xf32, #tpu.memory_space<hbm>>, %arg5: memref<1024xi32, #tpu.memory_space<hbm>>, %arg6: memref<196608xf32, #tpu.memory_space<hbm>>, %arg7: memref<3072xf32, #tpu.memory_space<hbm>>, %arg8: memref<65536xi32, #tpu.memory_space<hbm>>, %arg9: memref<16384xf32, #tpu.memory_space<vmem>>, %arg10: memref<16384xf32, #tpu.memory_space<vmem>>, %arg11: memref<16384xf32, #tpu.memory_space<vmem>>, %arg12: memref<16384xf32, #tpu.memory_space<vmem>>, %arg13: memref<16384xf32, #tpu.memory_space<vmem>>, %arg14: memref<16384xf32, #tpu.memory_space<vmem>>, %arg15: memref<16384xf32, #tpu.memory_space<vmem>>, %arg16: memref<128xi32, #tpu.memory_space<vmem>>, %arg17: memref<128xf32, #tpu.memory_space<vmem>>, %arg18: memref<128xi32, #tpu.memory_space<vmem>>, %arg19: memref<384xf32, #tpu.memory_space<vmem>>, %arg20: memref<384xi32, #tpu.memory_space<vmem>>, %arg21: memref<6144xf32, #tpu.memory_space<vmem>>, %arg22: memref<128xf32, #tpu.memory_space<vmem>>, %arg23: memref<2048xi32, #tpu.memory_space<vmem>>) attributes {dimension_semantics = [#tpu.dimension_semantics<core_parallel>, #tpu.dimension_semantics<subcore_parallel>], iteration_bounds = array<i64: 2, 16>, scalar_prefetch = 0 : i64, scratch_operands = 15 : i64, tpu.core_type = #tpu.core_type<sc_vector_subcore>, window_params = [{transform_indices = #map}, {transform_indices = #map}, {transform_indices = #map}, {transform_indices = #map}, {transform_indices = #map}, {transform_indices = #map}, {transform_indices = #map}]} {
    %mul3A = arith.constant 2 : i32
    %mul3A_0 = arith.muli %arg1, %mul3A : i32
    %add3A = arith.addi %mul3A_0, %arg0 : i32
    "tpu.region"() ({
      %run_scoped3A = tpu.sem_alloc : memref<!tpu.dma_semaphore, #tpu.memory_space<semaphore_mem>>
      tpu.enqueue_dma source(%arg2 : memref<16384xf32, #tpu.memory_space<hbm>>) target(%arg9 : memref<16384xf32, #tpu.memory_space<vmem>>) target_semaphore(%run_scoped3A : memref<!tpu.dma_semaphore, #tpu.memory_space<semaphore_mem>>)
      tpu.wait_dma2 semaphore(%run_scoped3A : memref<!tpu.dma_semaphore, #tpu.memory_space<semaphore_mem>>) src(%arg2 : memref<16384xf32, #tpu.memory_space<hbm>>) dst(%arg9 : memref<16384xf32, #tpu.memory_space<vmem>>)
      tpu.yield
    }) : () -> ()
    "tpu.region"() ({
      %run_scoped3A = tpu.sem_alloc : memref<!tpu.dma_semaphore, #tpu.memory_space<semaphore_mem>>
      tpu.enqueue_dma source(%arg3 : memref<16384xf32, #tpu.memory_space<hbm>>) target(%arg10 : memref<16384xf32, #tpu.memory_space<vmem>>) target_semaphore(%run_scoped3A : memref<!tpu.dma_semaphore, #tpu.memory_space<semaphore_mem>>)
      tpu.wait_dma2 semaphore(%run_scoped3A : memref<!tpu.dma_semaphore, #tpu.memory_space<semaphore_mem>>) src(%arg3 : memref<16384xf32, #tpu.memory_space<hbm>>) dst(%arg10 : memref<16384xf32, #tpu.memory_space<vmem>>)
      tpu.yield
    }) : () -> ()
    "tpu.region"() ({
      %run_scoped3A = tpu.sem_alloc : memref<!tpu.dma_semaphore, #tpu.memory_space<semaphore_mem>>
      tpu.enqueue_dma source(%arg4 : memref<16384xf32, #tpu.memory_space<hbm>>) target(%arg11 : memref<16384xf32, #tpu.memory_space<vmem>>) target_semaphore(%run_scoped3A : memref<!tpu.dma_semaphore, #tpu.memory_space<semaphore_mem>>)
      tpu.wait_dma2 semaphore(%run_scoped3A : memref<!tpu.dma_semaphore, #tpu.memory_space<semaphore_mem>>) src(%arg4 : memref<16384xf32, #tpu.memory_space<hbm>>) dst(%arg11 : memref<16384xf32, #tpu.memory_space<vmem>>)
      tpu.yield
    }) : () -> ()
    %mul3A_1 = arith.constant 32 : i32
    %mul3A_2 = arith.muli %add3A, %mul3A_1 : i32
    "tpu.region"() ({
      %run_scoped3A = tpu.sem_alloc : memref<!tpu.dma_semaphore, #tpu.memory_space<semaphore_mem>>
      %dma_start3A = arith.constant 0 : i32
      %dma_start3A_30 = tpu.memref_slice %arg16[%dma_start3A] : memref<128xi32, #tpu.memory_space<vmem>> -> memref<32xi32, #tpu.memory_space<vmem>>
      %dma_start3A_31 = tpu.memref_slice %arg5[%mul3A_2] : memref<1024xi32, #tpu.memory_space<hbm>> -> memref<32xi32, #tpu.memory_space<hbm>>
      %dma_start3A_32 = arith.constant 0 : i32
      %dma_start3A_33 = tpu.memref_slice %arg16[%dma_start3A_32] : memref<128xi32, #tpu.memory_space<vmem>> -> memref<32xi32, #tpu.memory_space<vmem>>
      %dma_start3A_34 = tpu.memref_slice %arg5[%mul3A_2] : memref<1024xi32, #tpu.memory_space<hbm>> -> memref<32xi32, #tpu.memory_space<hbm>>
      tpu.enqueue_dma source(%dma_start3A_34 : memref<32xi32, #tpu.memory_space<hbm>>) target(%dma_start3A_33 : memref<32xi32, #tpu.memory_space<vmem>>) target_semaphore(%run_scoped3A : memref<!tpu.dma_semaphore, #tpu.memory_space<semaphore_mem>>)
      %dma_wait3A = arith.constant 0 : i32
      %dma_wait3A_35 = tpu.memref_slice %arg16[%dma_wait3A] : memref<128xi32, #tpu.memory_space<vmem>> -> memref<32xi32, #tpu.memory_space<vmem>>
      %dma_wait3A_36 = tpu.memref_slice %arg5[%mul3A_2] : memref<1024xi32, #tpu.memory_space<hbm>> -> memref<32xi32, #tpu.memory_space<hbm>>
      %dma_wait3A_37 = arith.constant 0 : i32
      %dma_wait3A_38 = tpu.memref_slice %arg16[%dma_wait3A_37] : memref<128xi32, #tpu.memory_space<vmem>> -> memref<32xi32, #tpu.memory_space<vmem>>
      %dma_wait3A_39 = tpu.memref_slice %arg5[%mul3A_2] : memref<1024xi32, #tpu.memory_space<hbm>> -> memref<32xi32, #tpu.memory_space<hbm>>
      tpu.wait_dma2 semaphore(%run_scoped3A : memref<!tpu.dma_semaphore, #tpu.memory_space<semaphore_mem>>) src(%dma_wait3A_39 : memref<32xi32, #tpu.memory_space<hbm>>) dst(%dma_wait3A_38 : memref<32xi32, #tpu.memory_space<vmem>>)
      tpu.yield
    }) : () -> ()
    %iota3A = tpu.iota {dimensions = array<i32: 0>} : vector<16xi32>
    %scan3A = arith.constant 0 : i32
    %scan3A_3 = arith.constant 0 : i32
    %scan3A_4 = arith.constant 1024 : i32
    %scan3A_5 = arith.addi %scan3A_3, %scan3A_4 : i32
    %scan3A_6 = arith.constant 1 : i32
    %scan3A_7 = scf.for %scan3A_30 = %scan3A_3 to %scan3A_5 step %scan3A_6 iter_args(%scan3A_31 = %scan3A) -> (i32)  : i32 {
      %mul3A_32 = arith.constant 16 : i32
      %mul3A_33 = arith.muli %scan3A_30, %mul3A_32 : i32
      %get3A = arith.index_cast %mul3A_33 : i32 to index
      %get3A_34 = tpu.vector_load %arg9[%get3A] {strides = array<i32>} : memref<16384xf32, #tpu.memory_space<vmem>>, vector<16xf32>,
      %get3A_35 = arith.index_cast %mul3A_33 : i32 to index
      %get3A_36 = tpu.vector_load %arg10[%get3A_35] {strides = array<i32>} : memref<16384xf32, #tpu.memory_space<vmem>>, vector<16xf32>,
      %get3A_37 = arith.index_cast %mul3A_33 : i32 to index
      %get3A_38 = tpu.vector_load %arg11[%get3A_37] {strides = array<i32>} : memref<16384xf32, #tpu.memory_space<vmem>>, vector<16xf32>,
      %mul3A_39 = arith.mulf %get3A_34, %get3A_34 : vector<16xf32>
      %mul3A_40 = arith.mulf %get3A_36, %get3A_36 : vector<16xf32>
      %add3A_41 = arith.addf %mul3A_39, %mul3A_40 : vector<16xf32>
      %mul3A_42 = arith.mulf %get3A_38, %get3A_38 : vector<16xf32>
      %add3A_43 = arith.addf %add3A_41, %mul3A_42 : vector<16xf32>
      %swap3A = arith.index_cast %mul3A_33 : i32 to index
      %swap3A_44 = tpu.vector_load %arg12[%swap3A] {strides = array<i32>} : memref<16384xf32, #tpu.memory_space<vmem>>, vector<16xf32>,
      tpu.vector_store %arg12[%swap3A], %add3A_43 {strides = array<i32>} : memref<16384xf32, #tpu.memory_space<vmem>>, vector<16xf32>,
      %bitcast_convert_type3A = tpu.bitcast %get3A_34 : vector<16xf32> -> vector<16xi32>
      %add3A_45 = arith.constant 32767 : i32
      %add3A_46 = vector.broadcast %add3A_45 : i32 to vector<16xi32>
      %add3A_47 = arith.addi %bitcast_convert_type3A, %add3A_46 : vector<16xi32>
      %shift_right_logical3A = arith.constant 16 : i32
      %shift_right_logical3A_48 = vector.broadcast %shift_right_logical3A : i32 to vector<16xi32>
      %shift_right_logical3A_49 = arith.shrui %bitcast_convert_type3A, %shift_right_logical3A_48 : vector<16xi32>
      %and3A = arith.constant 1 : i32
      %and3A_50 = vector.broadcast %and3A : i32 to vector<16xi32>
      %and3A_51 = arith.andi %shift_right_logical3A_49, %and3A_50 : vector<16xi32>
      %add3A_52 = arith.addi %add3A_47, %and3A_51 : vector<16xi32>
      %and3A_53 = arith.constant -65536 : i32
      %and3A_54 = vector.broadcast %and3A_53 : i32 to vector<16xi32>
      %and3A_55 = arith.andi %add3A_52, %and3A_54 : vector<16xi32>
      %bitcast_convert_type3A_56 = tpu.bitcast %and3A_55 : vector<16xi32> -> vector<16xf32>
      %swap3A_57 = arith.index_cast %mul3A_33 : i32 to index
      %swap3A_58 = tpu.vector_load %arg13[%swap3A_57] {strides = array<i32>} : memref<16384xf32, #tpu.memory_space<vmem>>, vector<16xf32>,
      tpu.vector_store %arg13[%swap3A_57], %bitcast_convert_type3A_56 {strides = array<i32>} : memref<16384xf32, #tpu.memory_space<vmem>>, vector<16xf32>,
      %bitcast_convert_type3A_59 = tpu.bitcast %get3A_36 : vector<16xf32> -> vector<16xi32>
      %add3A_60 = arith.constant 32767 : i32
      %add3A_61 = vector.broadcast %add3A_60 : i32 to vector<16xi32>
      %add3A_62 = arith.addi %bitcast_convert_type3A_59, %add3A_61 : vector<16xi32>
      %shift_right_logical3A_63 = arith.constant 16 : i32
      %shift_right_logical3A_64 = vector.broadcast %shift_right_logical3A_63 : i32 to vector<16xi32>
      %shift_right_logical3A_65 = arith.shrui %bitcast_convert_type3A_59, %shift_right_logical3A_64 : vector<16xi32>
      %and3A_66 = arith.constant 1 : i32
      %and3A_67 = vector.broadcast %and3A_66 : i32 to vector<16xi32>
      %and3A_68 = arith.andi %shift_right_logical3A_65, %and3A_67 : vector<16xi32>
      %add3A_69 = arith.addi %add3A_62, %and3A_68 : vector<16xi32>
      %and3A_70 = arith.constant -65536 : i32
      %and3A_71 = vector.broadcast %and3A_70 : i32 to vector<16xi32>
      %and3A_72 = arith.andi %add3A_69, %and3A_71 : vector<16xi32>
      %bitcast_convert_type3A_73 = tpu.bitcast %and3A_72 : vector<16xi32> -> vector<16xf32>
      %swap3A_74 = arith.index_cast %mul3A_33 : i32 to index
      %swap3A_75 = tpu.vector_load %arg14[%swap3A_74] {strides = array<i32>} : memref<16384xf32, #tpu.memory_space<vmem>>, vector<16xf32>,
      tpu.vector_store %arg14[%swap3A_74], %bitcast_convert_type3A_73 {strides = array<i32>} : memref<16384xf32, #tpu.memory_space<vmem>>, vector<16xf32>,
      %bitcast_convert_type3A_76 = tpu.bitcast %get3A_38 : vector<16xf32> -> vector<16xi32>
      %add3A_77 = arith.constant 32767 : i32
      %add3A_78 = vector.broadcast %add3A_77 : i32 to vector<16xi32>
      %add3A_79 = arith.addi %bitcast_convert_type3A_76, %add3A_78 : vector<16xi32>
      %shift_right_logical3A_80 = arith.constant 16 : i32
      %shift_right_logical3A_81 = vector.broadcast %shift_right_logical3A_80 : i32 to vector<16xi32>
      %shift_right_logical3A_82 = arith.shrui %bitcast_convert_type3A_76, %shift_right_logical3A_81 : vector<16xi32>
      %and3A_83 = arith.constant 1 : i32
      %and3A_84 = vector.broadcast %and3A_83 : i32 to vector<16xi32>
      %and3A_85 = arith.andi %shift_right_logical3A_82, %and3A_84 : vector<16xi32>
      %add3A_86 = arith.addi %add3A_79, %and3A_85 : vector<16xi32>
      %and3A_87 = arith.constant -65536 : i32
      %and3A_88 = vector.broadcast %and3A_87 : i32 to vector<16xi32>
      %and3A_89 = arith.andi %add3A_86, %and3A_88 : vector<16xi32>
      %bitcast_convert_type3A_90 = tpu.bitcast %and3A_89 : vector<16xi32> -> vector<16xf32>
      %swap3A_91 = arith.index_cast %mul3A_33 : i32 to index
      %swap3A_92 = tpu.vector_load %arg15[%swap3A_91] {strides = array<i32>} : memref<16384xf32, #tpu.memory_space<vmem>>, vector<16xf32>,
      tpu.vector_store %arg15[%swap3A_91], %bitcast_convert_type3A_90 {strides = array<i32>} : memref<16384xf32, #tpu.memory_space<vmem>>, vector<16xf32>,
      %scan3A_93 = arith.constant 0 : i32
      scf.yield %scan3A_93 : i32
    }
    %scan3A_8 = arith.constant 1024 : i32
    %scan3A_9 = arith.constant 0 : i32
    %scan3A_10 = arith.constant 0 : i32
    %scan3A_11 = arith.constant 32 : i32
    %scan3A_12 = arith.addi %scan3A_10, %scan3A_11 : i32
    %scan3A_13 = arith.constant 1 : i32
    %scan3A_14 = scf.for %scan3A_30 = %scan3A_10 to %scan3A_12 step %scan3A_13 iter_args(%scan3A_31 = %scan3A_9) -> (i32)  : i32 {
      %broadcast_in_dim3A = vector.broadcast %scan3A_30 : i32 to vector<16xi32>
      %gather3A = tpu.vector_load_idx %arg16[%broadcast_in_dim3A] : memref<128xi32, #tpu.memory_space<vmem>>[vector<16xi32>], vector<16xi32>,
      %gather3A_32 = tpu.vector_load_idx %arg9[%gather3A] : memref<16384xf32, #tpu.memory_space<vmem>>[vector<16xi32>], vector<16xf32>,
      %gather3A_33 = tpu.vector_load_idx %arg10[%gather3A] : memref<16384xf32, #tpu.memory_space<vmem>>[vector<16xi32>], vector<16xf32>,
      %gather3A_34 = tpu.vector_load_idx %arg11[%gather3A] : memref<16384xf32, #tpu.memory_space<vmem>>[vector<16xi32>], vector<16xf32>,
      %ne3A = arith.cmpf one, %gather3A_32, %gather3A_32 : vector<16xf32>
      %jit3A = arith.constant 0.000000e+00 : f32
      %broadcast_in_dim3A_35 = vector.broadcast %jit3A : f32 to vector<16xf32>
      %select_n3A = arith.select %ne3A, %broadcast_in_dim3A_35, %gather3A_32 : vector<16xi1>, vector<16xf32>
      %ne3A_36 = arith.cmpf one, %gather3A_33, %gather3A_33 : vector<16xf32>
      %jit3A_37 = arith.constant 0.000000e+00 : f32
      %broadcast_in_dim3A_38 = vector.broadcast %jit3A_37 : f32 to vector<16xf32>
      %select_n3A_39 = arith.select %ne3A_36, %broadcast_in_dim3A_38, %gather3A_33 : vector<16xi1>, vector<16xf32>
      %ne3A_40 = arith.cmpf one, %gather3A_34, %gather3A_34 : vector<16xf32>
      %jit3A_41 = arith.constant 0.000000e+00 : f32
      %broadcast_in_dim3A_42 = vector.broadcast %jit3A_41 : f32 to vector<16xf32>
      %select_n3A_43 = arith.select %ne3A_40, %broadcast_in_dim3A_42, %gather3A_34 : vector<16xi1>, vector<16xf32>
      %mul3A_44 = arith.mulf %select_n3A, %select_n3A : vector<16xf32>
      %mul3A_45 = arith.mulf %select_n3A_43, %select_n3A_43 : vector<16xf32>
      %add3A_46 = arith.addf %mul3A_44, %mul3A_45 : vector<16xf32>
      %mul3A_47 = arith.mulf %select_n3A_39, %select_n3A_39 : vector<16xf32>
      %add3A_48 = arith.addf %add3A_46, %mul3A_47 : vector<16xf32>
      %bitcast_convert_type3A = tpu.bitcast %select_n3A : vector<16xf32> -> vector<16xi32>
      %add3A_49 = arith.constant 32767 : i32
      %add3A_50 = vector.broadcast %add3A_49 : i32 to vector<16xi32>
      %add3A_51 = arith.addi %bitcast_convert_type3A, %add3A_50 : vector<16xi32>
      %shift_right_logical3A = arith.constant 16 : i32
      %shift_right_logical3A_52 = vector.broadcast %shift_right_logical3A : i32 to vector<16xi32>
      %shift_right_logical3A_53 = arith.shrui %bitcast_convert_type3A, %shift_right_logical3A_52 : vector<16xi32>
      %and3A = arith.constant 1 : i32
      %and3A_54 = vector.broadcast %and3A : i32 to vector<16xi32>
      %and3A_55 = arith.andi %shift_right_logical3A_53, %and3A_54 : vector<16xi32>
      %add3A_56 = arith.addi %add3A_51, %and3A_55 : vector<16xi32>
      %and3A_57 = arith.constant -65536 : i32
      %and3A_58 = vector.broadcast %and3A_57 : i32 to vector<16xi32>
      %and3A_59 = arith.andi %add3A_56, %and3A_58 : vector<16xi32>
      %bitcast_convert_type3A_60 = tpu.bitcast %and3A_59 : vector<16xi32> -> vector<16xf32>
      %bitcast_convert_type3A_61 = tpu.bitcast %select_n3A_39 : vector<16xf32> -> vector<16xi32>
      %add3A_62 = arith.constant 32767 : i32
      %add3A_63 = vector.broadcast %add3A_62 : i32 to vector<16xi32>
      %add3A_64 = arith.addi %bitcast_convert_type3A_61, %add3A_63 : vector<16xi32>
      %shift_right_logical3A_65 = arith.constant 16 : i32
      %shift_right_logical3A_66 = vector.broadcast %shift_right_logical3A_65 : i32 to vector<16xi32>
      %shift_right_logical3A_67 = arith.shrui %bitcast_convert_type3A_61, %shift_right_logical3A_66 : vector<16xi32>
      %and3A_68 = arith.constant 1 : i32
      %and3A_69 = vector.broadcast %and3A_68 : i32 to vector<16xi32>
      %and3A_70 = arith.andi %shift_right_logical3A_67, %and3A_69 : vector<16xi32>
      %add3A_71 = arith.addi %add3A_64, %and3A_70 : vector<16xi32>
      %and3A_72 = arith.constant -65536 : i32
      %and3A_73 = vector.broadcast %and3A_72 : i32 to vector<16xi32>
      %and3A_74 = arith.andi %add3A_71, %and3A_73 : vector<16xi32>
      %bitcast_convert_type3A_75 = tpu.bitcast %and3A_74 : vector<16xi32> -> vector<16xf32>
      %bitcast_convert_type3A_76 = tpu.bitcast %select_n3A_43 : vector<16xf32> -> vector<16xi32>
      %add3A_77 = arith.constant 32767 : i32
      %add3A_78 = vector.broadcast %add3A_77 : i32 to vector<16xi32>
      %add3A_79 = arith.addi %bitcast_convert_type3A_76, %add3A_78 : vector<16xi32>
      %shift_right_logical3A_80 = arith.constant 16 : i32
      %shift_right_logical3A_81 = vector.broadcast %shift_right_logical3A_80 : i32 to vector<16xi32>
      %shift_right_logical3A_82 = arith.shrui %bitcast_convert_type3A_76, %shift_right_logical3A_81 : vector<16xi32>
      %and3A_83 = arith.constant 1 : i32
      %and3A_84 = vector.broadcast %and3A_83 : i32 to vector<16xi32>
      %and3A_85 = arith.andi %shift_right_logical3A_82, %and3A_84 : vector<16xi32>
      %add3A_86 = arith.addi %add3A_79, %and3A_85 : vector<16xi32>
      %and3A_87 = arith.constant -65536 : i32
      %and3A_88 = vector.broadcast %and3A_87 : i32 to vector<16xi32>
      %and3A_89 = arith.andi %add3A_86, %and3A_88 : vector<16xi32>
      %bitcast_convert_type3A_90 = tpu.bitcast %and3A_89 : vector<16xi32> -> vector<16xf32>
      %broadcast_in_dim3A_91 = arith.constant 0x7F800000 : f32
      %broadcast_in_dim3A_92 = vector.broadcast %broadcast_in_dim3A_91 : f32 to vector<16xf32>
      %swap3A = arith.constant 0 : index
      %swap3A_93 = tpu.vector_load %arg17[%swap3A] {strides = array<i32>} : memref<128xf32, #tpu.memory_space<vmem>>, vector<16xf32>,
      tpu.vector_store %arg17[%swap3A], %broadcast_in_dim3A_92 {strides = array<i32>} : memref<128xf32, #tpu.memory_space<vmem>>, vector<16xf32>,
      %broadcast_in_dim3A_94 = arith.constant 2147483647 : i32
      %broadcast_in_dim3A_95 = vector.broadcast %broadcast_in_dim3A_94 : i32 to vector<16xi32>
      %swap3A_96 = arith.constant 0 : index
      %swap3A_97 = tpu.vector_load %arg18[%swap3A_96] {strides = array<i32>} : memref<128xi32, #tpu.memory_space<vmem>>, vector<16xi32>,
      tpu.vector_store %arg18[%swap3A_96], %broadcast_in_dim3A_95 {strides = array<i32>} : memref<128xi32, #tpu.memory_space<vmem>>, vector<16xi32>,
      %broadcast_in_dim3A_98 = arith.constant 0x7F800000 : f32
      %broadcast_in_dim3A_99 = vector.broadcast %broadcast_in_dim3A_98 : f32 to vector<16xf32>
      %swap3A_100 = arith.constant 16 : index
      %swap3A_101 = tpu.vector_load %arg17[%swap3A_100] {strides = array<i32>} : memref<128xf32, #tpu.memory_space<vmem>>, vector<16xf32>,
      tpu.vector_store %arg17[%swap3A_100], %broadcast_in_dim3A_99 {strides = array<i32>} : memref<128xf32, #tpu.memory_space<vmem>>, vector<16xf32>,
      %broadcast_in_dim3A_102 = arith.constant 2147483647 : i32
      %broadcast_in_dim3A_103 = vector.broadcast %broadcast_in_dim3A_102 : i32 to vector<16xi32>
      %swap3A_104 = arith.constant 16 : index
      %swap3A_105 = tpu.vector_load %arg18[%swap3A_104] {strides = array<i32>} : memref<128xi32, #tpu.memory_space<vmem>>, vector<16xi32>,
      tpu.vector_store %arg18[%swap3A_104], %broadcast_in_dim3A_103 {strides = array<i32>} : memref<128xi32, #tpu.memory_space<vmem>>, vector<16xi32>,
      %broadcast_in_dim3A_106 = arith.constant 0x7F800000 : f32
      %broadcast_in_dim3A_107 = vector.broadcast %broadcast_in_dim3A_106 : f32 to vector<16xf32>
      %swap3A_108 = arith.constant 32 : index
      %swap3A_109 = tpu.vector_load %arg17[%swap3A_108] {strides = array<i32>} : memref<128xf32, #tpu.memory_space<vmem>>, vector<16xf32>,
      tpu.vector_store %arg17[%swap3A_108], %broadcast_in_dim3A_107 {strides = array<i32>} : memref<128xf32, #tpu.memory_space<vmem>>, vector<16xf32>,
      %broadcast_in_dim3A_110 = arith.constant 2147483647 : i32
      %broadcast_in_dim3A_111 = vector.broadcast %broadcast_in_dim3A_110 : i32 to vector<16xi32>
      %swap3A_112 = arith.constant 32 : index
      %swap3A_113 = tpu.vector_load %arg18[%swap3A_112] {strides = array<i32>} : memref<128xi32, #tpu.memory_space<vmem>>, vector<16xi32>,
      tpu.vector_store %arg18[%swap3A_112], %broadcast_in_dim3A_111 {strides = array<i32>} : memref<128xi32, #tpu.memory_space<vmem>>, vector<16xi32>,
      %broadcast_in_dim3A_114 = arith.constant 0x7F800000 : f32
      %broadcast_in_dim3A_115 = vector.broadcast %broadcast_in_dim3A_114 : f32 to vector<16xf32>
      %swap3A_116 = arith.constant 48 : index
      %swap3A_117 = tpu.vector_load %arg17[%swap3A_116] {strides = array<i32>} : memref<128xf32, #tpu.memory_space<vmem>>, vector<16xf32>,
      tpu.vector_store %arg17[%swap3A_116], %broadcast_in_dim3A_115 {strides = array<i32>} : memref<128xf32, #tpu.memory_space<vmem>>, vector<16xf32>,
      %broadcast_in_dim3A_118 = arith.constant 2147483647 : i32
      %broadcast_in_dim3A_119 = vector.broadcast %broadcast_in_dim3A_118 : i32 to vector<16xi32>
      %swap3A_120 = arith.constant 48 : index
      %swap3A_121 = tpu.vector_load %arg18[%swap3A_120] {strides = array<i32>} : memref<128xi32, #tpu.memory_space<vmem>>, vector<16xi32>,
      tpu.vector_store %arg18[%swap3A_120], %broadcast_in_dim3A_119 {strides = array<i32>} : memref<128xi32, #tpu.memory_space<vmem>>, vector<16xi32>,
      %broadcast_in_dim3A_122 = arith.constant 0 : i32
      %broadcast_in_dim3A_123 = vector.broadcast %broadcast_in_dim3A_122 : i32 to vector<16xi32>
      %broadcast_in_dim3A_124 = arith.constant 0x7F800000 : f32
      %broadcast_in_dim3A_125 = vector.broadcast %broadcast_in_dim3A_124 : f32 to vector<16xf32>
      %scan3A_126 = arith.constant 0 : i32
      %scan3A_127 = arith.constant 64 : i32
      %scan3A_128 = arith.addi %scan3A_126, %scan3A_127 : i32
      %scan3A_129 = arith.constant 1 : i32
      %scan3A_130:2 = scf.for %scan3A_532 = %scan3A_126 to %scan3A_128 step %scan3A_129 iter_args(%scan3A_533 = %broadcast_in_dim3A_123, %scan3A_534 = %broadcast_in_dim3A_125) -> (vector<16xi32>, vector<16xf32>)  : i32 {
        %mul3A_535 = arith.constant 16 : i32
        %mul3A_536 = arith.muli %scan3A_532, %mul3A_535 : i32
        %add3A_537 = arith.constant 0 : i32
        %add3A_538 = arith.addi %mul3A_536, %add3A_537 : i32
        %mul3A_539 = arith.constant 16 : i32
        %mul3A_540 = arith.muli %add3A_538, %mul3A_539 : i32
        %get3A_541 = arith.index_cast %mul3A_540 : i32 to index
        %get3A_542 = tpu.vector_load %arg13[%get3A_541] {strides = array<i32>} : memref<16384xf32, #tpu.memory_space<vmem>>, vector<16xf32>,
        %get3A_543 = arith.index_cast %mul3A_540 : i32 to index
        %get3A_544 = tpu.vector_load %arg14[%get3A_543] {strides = array<i32>} : memref<16384xf32, #tpu.memory_space<vmem>>, vector<16xf32>,
        %get3A_545 = arith.index_cast %mul3A_540 : i32 to index
        %get3A_546 = tpu.vector_load %arg15[%get3A_545] {strides = array<i32>} : memref<16384xf32, #tpu.memory_space<vmem>>, vector<16xf32>,
        %get3A_547 = arith.index_cast %mul3A_540 : i32 to index
        %get3A_548 = tpu.vector_load %arg12[%get3A_547] {strides = array<i32>} : memref<16384xf32, #tpu.memory_space<vmem>>, vector<16xf32>,
        %mul3A_549 = arith.mulf %bitcast_convert_type3A_60, %get3A_542 : vector<16xf32>
        %mul3A_550 = arith.mulf %bitcast_convert_type3A_75, %get3A_544 : vector<16xf32>
        %add3A_551 = arith.addf %mul3A_549, %mul3A_550 : vector<16xf32>
        %mul3A_552 = arith.mulf %bitcast_convert_type3A_90, %get3A_546 : vector<16xf32>
        %add3A_553 = arith.addf %add3A_551, %mul3A_552 : vector<16xf32>
        %add3A_554 = arith.addf %add3A_48, %get3A_548 : vector<16xf32>
        %mul3A_555 = arith.constant 2.000000e+00 : f32
        %mul3A_556 = vector.broadcast %mul3A_555 : f32 to vector<16xf32>
        %mul3A_557 = arith.mulf %mul3A_556, %add3A_553 : vector<16xf32>
        %sub3A_558 = arith.subf %add3A_554, %mul3A_557 : vector<16xf32>
        %le3A = arith.cmpf ole, %sub3A_558, %scan3A_534 : vector<16xf32>
        %convert_element_type3A = arith.extui %le3A : vector<16xi1> to vector<16xi32>
        %broadcast_in_dim3A_559 = arith.constant true
        %broadcast_in_dim3A_560 = vector.broadcast %broadcast_in_dim3A_559 : i1 to vector<16xi1>
        %masked_cumsum3A = tpu.scan <sum>, %convert_element_type3A masked %broadcast_in_dim3A_560 : vector<16xi32>, vector<16xi1> -> vector<16xi32>
        %add3A_561 = arith.addi %scan3A_533, %masked_cumsum3A : vector<16xi32>
        %sub3A_562 = arith.constant 1 : i32
        %sub3A_563 = vector.broadcast %sub3A_562 : i32 to vector<16xi32>
        %sub3A_564 = arith.subi %add3A_561, %sub3A_563 : vector<16xi32>
        tpu.vector_store_idx %arg19[%sub3A_564], %sub3A_558 masked %le3A : memref<384xf32, #tpu.memory_space<vmem>>[vector<16xi32>], vector<16xf32>, vector<16xi1>
        %add3A_565 = vector.broadcast %mul3A_540 : i32 to vector<16xi32>
        %add3A_566 = arith.addi %iota3A, %add3A_565 : vector<16xi32>
        tpu.vector_store_idx %arg20[%sub3A_564], %add3A_566 masked %le3A : memref<384xi32, #tpu.memory_space<vmem>>[vector<16xi32>], vector<16xi32>, vector<16xi1>
        %all_reduce_population_count3A = tpu.all_reduce %le3A {dim = 0 : i64, kind = #tpu.reduction_kind<sum>} : vector<16xi1> -> vector<16xi32>
        %add3A_567 = arith.addi %scan3A_533, %all_reduce_population_count3A : vector<16xi32>
        %mul3A_568 = arith.constant 16 : i32
        %mul3A_569 = arith.muli %scan3A_532, %mul3A_568 : i32
        %add3A_570 = arith.constant 1 : i32
        %add3A_571 = arith.addi %mul3A_569, %add3A_570 : i32
        %mul3A_572 = arith.constant 16 : i32
        %mul3A_573 = arith.muli %add3A_571, %mul3A_572 : i32
        %get3A_574 = arith.index_cast %mul3A_573 : i32 to index
        %get3A_575 = tpu.vector_load %arg13[%get3A_574] {strides = array<i32>} : memref<16384xf32, #tpu.memory_space<vmem>>, vector<16xf32>,
        %get3A_576 = arith.index_cast %mul3A_573 : i32 to index
        %get3A_577 = tpu.vector_load %arg14[%get3A_576] {strides = array<i32>} : memref<16384xf32, #tpu.memory_space<vmem>>, vector<16xf32>,
        %get3A_578 = arith.index_cast %mul3A_573 : i32 to index
        %get3A_579 = tpu.vector_load %arg15[%get3A_578] {strides = array<i32>} : memref<16384xf32, #tpu.memory_space<vmem>>, vector<16xf32>,
        %get3A_580 = arith.index_cast %mul3A_573 : i32 to index
        %get3A_581 = tpu.vector_load %arg12[%get3A_580] {strides = array<i32>} : memref<16384xf32, #tpu.memory_space<vmem>>, vector<16xf32>,
        %mul3A_582 = arith.mulf %bitcast_convert_type3A_60, %get3A_575 : vector<16xf32>
        %mul3A_583 = arith.mulf %bitcast_convert_type3A_75, %get3A_577 : vector<16xf32>
        %add3A_584 = arith.addf %mul3A_582, %mul3A_583 : vector<16xf32>
        %mul3A_585 = arith.mulf %bitcast_convert_type3A_90, %get3A_579 : vector<16xf32>
        %add3A_586 = arith.addf %add3A_584, %mul3A_585 : vector<16xf32>
        %add3A_587 = arith.addf %add3A_48, %get3A_581 : vector<16xf32>
        %mul3A_588 = arith.constant 2.000000e+00 : f32
        %mul3A_589 = vector.broadcast %mul3A_588 : f32 to vector<16xf32>
        %mul3A_590 = arith.mulf %mul3A_589, %add3A_586 : vector<16xf32>
        %sub3A_591 = arith.subf %add3A_587, %mul3A_590 : vector<16xf32>
        %le3A_592 = arith.cmpf ole, %sub3A_591, %scan3A_534 : vector<16xf32>
        %convert_element_type3A_593 = arith.extui %le3A_592 : vector<16xi1> to vector<16xi32>
        %broadcast_in_dim3A_594 = arith.constant true
        %broadcast_in_dim3A_595 = vector.broadcast %broadcast_in_dim3A_594 : i1 to vector<16xi1>
        %masked_cumsum3A_596 = tpu.scan <sum>, %convert_element_type3A_593 masked %broadcast_in_dim3A_595 : vector<16xi32>, vector<16xi1> -> vector<16xi32>
        %add3A_597 = arith.addi %add3A_567, %masked_cumsum3A_596 : vector<16xi32>
        %sub3A_598 = arith.constant 1 : i32
        %sub3A_599 = vector.broadcast %sub3A_598 : i32 to vector<16xi32>
        %sub3A_600 = arith.subi %add3A_597, %sub3A_599 : vector<16xi32>
        tpu.vector_store_idx %arg19[%sub3A_600], %sub3A_591 masked %le3A_592 : memref<384xf32, #tpu.memory_space<vmem>>[vector<16xi32>], vector<16xf32>, vector<16xi1>
        %add3A_601 = vector.broadcast %mul3A_573 : i32 to vector<16xi32>
        %add3A_602 = arith.addi %iota3A, %add3A_601 : vector<16xi32>
        tpu.vector_store_idx %arg20[%sub3A_600], %add3A_602 masked %le3A_592 : memref<384xi32, #tpu.memory_space<vmem>>[vector<16xi32>], vector<16xi32>, vector<16xi1>
        %all_reduce_population_count3A_603 = tpu.all_reduce %le3A_592 {dim = 0 : i64, kind = #tpu.reduction_kind<sum>} : vector<16xi1> -> vector<16xi32>
        %add3A_604 = arith.addi %add3A_567, %all_reduce_population_count3A_603 : vector<16xi32>
        %mul3A_605 = arith.constant 16 : i32
        %mul3A_606 = arith.muli %scan3A_532, %mul3A_605 : i32
        %add3A_607 = arith.constant 2 : i32
        %add3A_608 = arith.addi %mul3A_606, %add3A_607 : i32
        %mul3A_609 = arith.constant 16 : i32
        %mul3A_610 = arith.muli %add3A_608, %mul3A_609 : i32
        %get3A_611 = arith.index_cast %mul3A_610 : i32 to index
        %get3A_612 = tpu.vector_load %arg13[%get3A_611] {strides = array<i32>} : memref<16384xf32, #tpu.memory_space<vmem>>, vector<16xf32>,
        %get3A_613 = arith.index_cast %mul3A_610 : i32 to index
        %get3A_614 = tpu.vector_load %arg14[%get3A_613] {strides = array<i32>} : memref<16384xf32, #tpu.memory_space<vmem>>, vector<16xf32>,
        %get3A_615 = arith.index_cast %mul3A_610 : i32 to index
        %get3A_616 = tpu.vector_load %arg15[%get3A_615] {strides = array<i32>} : memref<16384xf32, #tpu.memory_space<vmem>>, vector<16xf32>,
        %get3A_617 = arith.index_cast %mul3A_610 : i32 to index
        %get3A_618 = tpu.vector_load %arg12[%get3A_617] {strides = array<i32>} : memref<16384xf32, #tpu.memory_space<vmem>>, vector<16xf32>,
        %mul3A_619 = arith.mulf %bitcast_convert_type3A_60, %get3A_612 : vector<16xf32>
        %mul3A_620 = arith.mulf %bitcast_convert_type3A_75, %get3A_614 : vector<16xf32>
        %add3A_621 = arith.addf %mul3A_619, %mul3A_620 : vector<16xf32>
        %mul3A_622 = arith.mulf %bitcast_convert_type3A_90, %get3A_616 : vector<16xf32>
        %add3A_623 = arith.addf %add3A_621, %mul3A_622 : vector<16xf32>
        %add3A_624 = arith.addf %add3A_48, %get3A_618 : vector<16xf32>
        %mul3A_625 = arith.constant 2.000000e+00 : f32
        %mul3A_626 = vector.broadcast %mul3A_625 : f32 to vector<16xf32>
        %mul3A_627 = arith.mulf %mul3A_626, %add3A_623 : vector<16xf32>
        %sub3A_628 = arith.subf %add3A_624, %mul3A_627 : vector<16xf32>
        %le3A_629 = arith.cmpf ole, %sub3A_628, %scan3A_534 : vector<16xf32>
        %convert_element_type3A_630 = arith.extui %le3A_629 : vector<16xi1> to vector<16xi32>
        %broadcast_in_dim3A_631 = arith.constant true
        %broadcast_in_dim3A_632 = vector.broadcast %broadcast_in_dim3A_631 : i1 to vector<16xi1>
        %masked_cumsum3A_633 = tpu.scan <sum>, %convert_element_type3A_630 masked %broadcast_in_dim3A_632 : vector<16xi32>, vector<16xi1> -> vector<16xi32>
        %add3A_634 = arith.addi %add3A_604, %masked_cumsum3A_633 : vector<16xi32>
        %sub3A_635 = arith.constant 1 : i32
        %sub3A_636 = vector.broadcast %sub3A_635 : i32 to vector<16xi32>
        %sub3A_637 = arith.subi %add3A_634, %sub3A_636 : vector<16xi32>
        tpu.vector_store_idx %arg19[%sub3A_637], %sub3A_628 masked %le3A_629 : memref<384xf32, #tpu.memory_space<vmem>>[vector<16xi32>], vector<16xf32>, vector<16xi1>
        %add3A_638 = vector.broadcast %mul3A_610 : i32 to vector<16xi32>
        %add3A_639 = arith.addi %iota3A, %add3A_638 : vector<16xi32>
        tpu.vector_store_idx %arg20[%sub3A_637], %add3A_639 masked %le3A_629 : memref<384xi32, #tpu.memory_space<vmem>>[vector<16xi32>], vector<16xi32>, vector<16xi1>
        %all_reduce_population_count3A_640 = tpu.all_reduce %le3A_629 {dim = 0 : i64, kind = #tpu.reduction_kind<sum>} : vector<16xi1> -> vector<16xi32>
        %add3A_641 = arith.addi %add3A_604, %all_reduce_population_count3A_640 : vector<16xi32>
        %mul3A_642 = arith.constant 16 : i32
        %mul3A_643 = arith.muli %scan3A_532, %mul3A_642 : i32
        %add3A_644 = arith.constant 3 : i32
        %add3A_645 = arith.addi %mul3A_643, %add3A_644 : i32
        %mul3A_646 = arith.constant 16 : i32
        %mul3A_647 = arith.muli %add3A_645, %mul3A_646 : i32
        %get3A_648 = arith.index_cast %mul3A_647 : i32 to index
        %get3A_649 = tpu.vector_load %arg13[%get3A_648] {strides = array<i32>} : memref<16384xf32, #tpu.memory_space<vmem>>, vector<16xf32>,
        %get3A_650 = arith.index_cast %mul3A_647 : i32 to index
        %get3A_651 = tpu.vector_load %arg14[%get3A_650] {strides = array<i32>} : memref<16384xf32, #tpu.memory_space<vmem>>, vector<16xf32>,
        %get3A_652 = arith.index_cast %mul3A_647 : i32 to index
        %get3A_653 = tpu.vector_load %arg15[%get3A_652] {strides = array<i32>} : memref<16384xf32, #tpu.memory_space<vmem>>, vector<16xf32>,
        %get3A_654 = arith.index_cast %mul3A_647 : i32 to index
        %get3A_655 = tpu.vector_load %arg12[%get3A_654] {strides = array<i32>} : memref<16384xf32, #tpu.memory_space<vmem>>, vector<16xf32>,
        %mul3A_656 = arith.mulf %bitcast_convert_type3A_60, %get3A_649 : vector<16xf32>
        %mul3A_657 = arith.mulf %bitcast_convert_type3A_75, %get3A_651 : vector<16xf32>
        %add3A_658 = arith.addf %mul3A_656, %mul3A_657 : vector<16xf32>
        %mul3A_659 = arith.mulf %bitcast_convert_type3A_90, %get3A_653 : vector<16xf32>
        %add3A_660 = arith.addf %add3A_658, %mul3A_659 : vector<16xf32>
        %add3A_661 = arith.addf %add3A_48, %get3A_655 : vector<16xf32>
        %mul3A_662 = arith.constant 2.000000e+00 : f32
        %mul3A_663 = vector.broadcast %mul3A_662 : f32 to vector<16xf32>
        %mul3A_664 = arith.mulf %mul3A_663, %add3A_660 : vector<16xf32>
        %sub3A_665 = arith.subf %add3A_661, %mul3A_664 : vector<16xf32>
        %le3A_666 = arith.cmpf ole, %sub3A_665, %scan3A_534 : vector<16xf32>
        %convert_element_type3A_667 = arith.extui %le3A_666 : vector<16xi1> to vector<16xi32>
        %broadcast_in_dim3A_668 = arith.constant true
        %broadcast_in_dim3A_669 = vector.broadcast %broadcast_in_dim3A_668 : i1 to vector<16xi1>
        %masked_cumsum3A_670 = tpu.scan <sum>, %convert_element_type3A_667 masked %broadcast_in_dim3A_669 : vector<16xi32>, vector<16xi1> -> vector<16xi32>
        %add3A_671 = arith.addi %add3A_641, %masked_cumsum3A_670 : vector<16xi32>
        %sub3A_672 = arith.constant 1 : i32
        %sub3A_673 = vector.broadcast %sub3A_672 : i32 to vector<16xi32>
        %sub3A_674 = arith.subi %add3A_671, %sub3A_673 : vector<16xi32>
        tpu.vector_store_idx %arg19[%sub3A_674], %sub3A_665 masked %le3A_666 : memref<384xf32, #tpu.memory_space<vmem>>[vector<16xi32>], vector<16xf32>, vector<16xi1>
        %add3A_675 = vector.broadcast %mul3A_647 : i32 to vector<16xi32>
        %add3A_676 = arith.addi %iota3A, %add3A_675 : vector<16xi32>
        tpu.vector_store_idx %arg20[%sub3A_674], %add3A_676 masked %le3A_666 : memref<384xi32, #tpu.memory_space<vmem>>[vector<16xi32>], vector<16xi32>, vector<16xi1>
        %all_reduce_population_count3A_677 = tpu.all_reduce %le3A_666 {dim = 0 : i64, kind = #tpu.reduction_kind<sum>} : vector<16xi1> -> vector<16xi32>
        %add3A_678 = arith.addi %add3A_641, %all_reduce_population_count3A_677 : vector<16xi32>
        %mul3A_679 = arith.constant 16 : i32
        %mul3A_680 = arith.muli %scan3A_532, %mul3A_679 : i32
        %add3A_681 = arith.constant 4 : i32
        %add3A_682 = arith.addi %mul3A_680, %add3A_681 : i32
        %mul3A_683 = arith.constant 16 : i32
        %mul3A_684 = arith.muli %add3A_682, %mul3A_683 : i32
        %get3A_685 = arith.index_cast %mul3A_684 : i32 to index
        %get3A_686 = tpu.vector_load %arg13[%get3A_685] {strides = array<i32>} : memref<16384xf32, #tpu.memory_space<vmem>>, vector<16xf32>,
        %get3A_687 = arith.index_cast %mul3A_684 : i32 to index
        %get3A_688 = tpu.vector_load %arg14[%get3A_687] {strides = array<i32>} : memref<16384xf32, #tpu.memory_space<vmem>>, vector<16xf32>,
        %get3A_689 = arith.index_cast %mul3A_684 : i32 to index
        %get3A_690 = tpu.vector_load %arg15[%get3A_689] {strides = array<i32>} : memref<16384xf32, #tpu.memory_space<vmem>>, vector<16xf32>,
        %get3A_691 = arith.index_cast %mul3A_684 : i32 to index
        %get3A_692 = tpu.vector_load %arg12[%get3A_691] {strides = array<i32>} : memref<16384xf32, #tpu.memory_space<vmem>>, vector<16xf32>,
        %mul3A_693 = arith.mulf %bitcast_convert_type3A_60, %get3A_686 : vector<16xf32>
        %mul3A_694 = arith.mulf %bitcast_convert_type3A_75, %get3A_688 : vector<16xf32>
        %add3A_695 = arith.addf %mul3A_693, %mul3A_694 : vector<16xf32>
        %mul3A_696 = arith.mulf %bitcast_convert_type3A_90, %get3A_690 : vector<16xf32>
        %add3A_697 = arith.addf %add3A_695, %mul3A_696 : vector<16xf32>
        %add3A_698 = arith.addf %add3A_48, %get3A_692 : vector<16xf32>
        %mul3A_699 = arith.constant 2.000000e+00 : f32
        %mul3A_700 = vector.broadcast %mul3A_699 : f32 to vector<16xf32>
        %mul3A_701 = arith.mulf %mul3A_700, %add3A_697 : vector<16xf32>
        %sub3A_702 = arith.subf %add3A_698, %mul3A_701 : vector<16xf32>
        %le3A_703 = arith.cmpf ole, %sub3A_702, %scan3A_534 : vector<16xf32>
        %convert_element_type3A_704 = arith.extui %le3A_703 : vector<16xi1> to vector<16xi32>
        %broadcast_in_dim3A_705 = arith.constant true
        %broadcast_in_dim3A_706 = vector.broadcast %broadcast_in_dim3A_705 : i1 to vector<16xi1>
        %masked_cumsum3A_707 = tpu.scan <sum>, %convert_element_type3A_704 masked %broadcast_in_dim3A_706 : vector<16xi32>, vector<16xi1> -> vector<16xi32>
        %add3A_708 = arith.addi %add3A_678, %masked_cumsum3A_707 : vector<16xi32>
        %sub3A_709 = arith.constant 1 : i32
        %sub3A_710 = vector.broadcast %sub3A_709 : i32 to vector<16xi32>
        %sub3A_711 = arith.subi %add3A_708, %sub3A_710 : vector<16xi32>
        tpu.vector_store_idx %arg19[%sub3A_711], %sub3A_702 masked %le3A_703 : memref<384xf32, #tpu.memory_space<vmem>>[vector<16xi32>], vector<16xf32>, vector<16xi1>
        %add3A_712 = vector.broadcast %mul3A_684 : i32 to vector<16xi32>
        %add3A_713 = arith.addi %iota3A, %add3A_712 : vector<16xi32>
        tpu.vector_store_idx %arg20[%sub3A_711], %add3A_713 masked %le3A_703 : memref<384xi32, #tpu.memory_space<vmem>>[vector<16xi32>], vector<16xi32>, vector<16xi1>
        %all_reduce_population_count3A_714 = tpu.all_reduce %le3A_703 {dim = 0 : i64, kind = #tpu.reduction_kind<sum>} : vector<16xi1> -> vector<16xi32>
        %add3A_715 = arith.addi %add3A_678, %all_reduce_population_count3A_714 : vector<16xi32>
        %mul3A_716 = arith.constant 16 : i32
        %mul3A_717 = arith.muli %scan3A_532, %mul3A_716 : i32
        %add3A_718 = arith.constant 5 : i32
        %add3A_719 = arith.addi %mul3A_717, %add3A_718 : i32
        %mul3A_720 = arith.constant 16 : i32
        %mul3A_721 = arith.muli %add3A_719, %mul3A_720 : i32
        %get3A_722 = arith.index_cast %mul3A_721 : i32 to index
        %get3A_723 = tpu.vector_load %arg13[%get3A_722] {strides = array<i32>} : memref<16384xf32, #tpu.memory_space<vmem>>, vector<16xf32>,
        %get3A_724 = arith.index_cast %mul3A_721 : i32 to index
        %get3A_725 = tpu.vector_load %arg14[%get3A_724] {strides = array<i32>} : memref<16384xf32, #tpu.memory_space<vmem>>, vector<16xf32>,
        %get3A_726 = arith.index_cast %mul3A_721 : i32 to index
        %get3A_727 = tpu.vector_load %arg15[%get3A_726] {strides = array<i32>} : memref<16384xf32, #tpu.memory_space<vmem>>, vector<16xf32>,
        %get3A_728 = arith.index_cast %mul3A_721 : i32 to index
        %get3A_729 = tpu.vector_load %arg12[%get3A_728] {strides = array<i32>} : memref<16384xf32, #tpu.memory_space<vmem>>, vector<16xf32>,
        %mul3A_730 = arith.mulf %bitcast_convert_type3A_60, %get3A_723 : vector<16xf32>
        %mul3A_731 = arith.mulf %bitcast_convert_type3A_75, %get3A_725 : vector<16xf32>
        %add3A_732 = arith.addf %mul3A_730, %mul3A_731 : vector<16xf32>
        %mul3A_733 = arith.mulf %bitcast_convert_type3A_90, %get3A_727 : vector<16xf32>
        %add3A_734 = arith.addf %add3A_732, %mul3A_733 : vector<16xf32>
        %add3A_735 = arith.addf %add3A_48, %get3A_729 : vector<16xf32>
        %mul3A_736 = arith.constant 2.000000e+00 : f32
        %mul3A_737 = vector.broadcast %mul3A_736 : f32 to vector<16xf32>
        %mul3A_738 = arith.mulf %mul3A_737, %add3A_734 : vector<16xf32>
        %sub3A_739 = arith.subf %add3A_735, %mul3A_738 : vector<16xf32>
        %le3A_740 = arith.cmpf ole, %sub3A_739, %scan3A_534 : vector<16xf32>
        %convert_element_type3A_741 = arith.extui %le3A_740 : vector<16xi1> to vector<16xi32>
        %broadcast_in_dim3A_742 = arith.constant true
        %broadcast_in_dim3A_743 = vector.broadcast %broadcast_in_dim3A_742 : i1 to vector<16xi1>
        %masked_cumsum3A_744 = tpu.scan <sum>, %convert_element_type3A_741 masked %broadcast_in_dim3A_743 : vector<16xi32>, vector<16xi1> -> vector<16xi32>
        %add3A_745 = arith.addi %add3A_715, %masked_cumsum3A_744 : vector<16xi32>
        %sub3A_746 = arith.constant 1 : i32
        %sub3A_747 = vector.broadcast %sub3A_746 : i32 to vector<16xi32>
        %sub3A_748 = arith.subi %add3A_745, %sub3A_747 : vector<16xi32>
        tpu.vector_store_idx %arg19[%sub3A_748], %sub3A_739 masked %le3A_740 : memref<384xf32, #tpu.memory_space<vmem>>[vector<16xi32>], vector<16xf32>, vector<16xi1>
        %add3A_749 = vector.broadcast %mul3A_721 : i32 to vector<16xi32>
        %add3A_750 = arith.addi %iota3A, %add3A_749 : vector<16xi32>
        tpu.vector_store_idx %arg20[%sub3A_748], %add3A_750 masked %le3A_740 : memref<384xi32, #tpu.memory_space<vmem>>[vector<16xi32>], vector<16xi32>, vector<16xi1>
        %all_reduce_population_count3A_751 = tpu.all_reduce %le3A_740 {dim = 0 : i64, kind = #tpu.reduction_kind<sum>} : vector<16xi1> -> vector<16xi32>
        %add3A_752 = arith.addi %add3A_715, %all_reduce_population_count3A_751 : vector<16xi32>
        %mul3A_753 = arith.constant 16 : i32
        %mul3A_754 = arith.muli %scan3A_532, %mul3A_753 : i32
        %add3A_755 = arith.constant 6 : i32
        %add3A_756 = arith.addi %mul3A_754, %add3A_755 : i32
        %mul3A_757 = arith.constant 16 : i32
        %mul3A_758 = arith.muli %add3A_756, %mul3A_757 : i32
        %get3A_759 = arith.index_cast %mul3A_758 : i32 to index
        %get3A_760 = tpu.vector_load %arg13[%get3A_759] {strides = array<i32>} : memref<16384xf32, #tpu.memory_space<vmem>>, vector<16xf32>,
        %get3A_761 = arith.index_cast %mul3A_758 : i32 to index
        %get3A_762 = tpu.vector_load %arg14[%get3A_761] {strides = array<i32>} : memref<16384xf32, #tpu.memory_space<vmem>>, vector<16xf32>,
        %get3A_763 = arith.index_cast %mul3A_758 : i32 to index
        %get3A_764 = tpu.vector_load %arg15[%get3A_763] {strides = array<i32>} : memref<16384xf32, #tpu.memory_space<vmem>>, vector<16xf32>,
        %get3A_765 = arith.index_cast %mul3A_758 : i32 to index
        %get3A_766 = tpu.vector_load %arg12[%get3A_765] {strides = array<i32>} : memref<16384xf32, #tpu.memory_space<vmem>>, vector<16xf32>,
        %mul3A_767 = arith.mulf %bitcast_convert_type3A_60, %get3A_760 : vector<16xf32>
        %mul3A_768 = arith.mulf %bitcast_convert_type3A_75, %get3A_762 : vector<16xf32>
        %add3A_769 = arith.addf %mul3A_767, %mul3A_768 : vector<16xf32>
        %mul3A_770 = arith.mulf %bitcast_convert_type3A_90, %get3A_764 : vector<16xf32>
        %add3A_771 = arith.addf %add3A_769, %mul3A_770 : vector<16xf32>
        %add3A_772 = arith.addf %add3A_48, %get3A_766 : vector<16xf32>
        %mul3A_773 = arith.constant 2.000000e+00 : f32
        %mul3A_774 = vector.broadcast %mul3A_773 : f32 to vector<16xf32>
        %mul3A_775 = arith.mulf %mul3A_774, %add3A_771 : vector<16xf32>
        %sub3A_776 = arith.subf %add3A_772, %mul3A_775 : vector<16xf32>
        %le3A_777 = arith.cmpf ole, %sub3A_776, %scan3A_534 : vector<16xf32>
        %convert_element_type3A_778 = arith.extui %le3A_777 : vector<16xi1> to vector<16xi32>
        %broadcast_in_dim3A_779 = arith.constant true
        %broadcast_in_dim3A_780 = vector.broadcast %broadcast_in_dim3A_779 : i1 to vector<16xi1>
        %masked_cumsum3A_781 = tpu.scan <sum>, %convert_element_type3A_778 masked %broadcast_in_dim3A_780 : vector<16xi32>, vector<16xi1> -> vector<16xi32>
        %add3A_782 = arith.addi %add3A_752, %masked_cumsum3A_781 : vector<16xi32>
        %sub3A_783 = arith.constant 1 : i32
        %sub3A_784 = vector.broadcast %sub3A_783 : i32 to vector<16xi32>
        %sub3A_785 = arith.subi %add3A_782, %sub3A_784 : vector<16xi32>
        tpu.vector_store_idx %arg19[%sub3A_785], %sub3A_776 masked %le3A_777 : memref<384xf32, #tpu.memory_space<vmem>>[vector<16xi32>], vector<16xf32>, vector<16xi1>
        %add3A_786 = vector.broadcast %mul3A_758 : i32 to vector<16xi32>
        %add3A_787 = arith.addi %iota3A, %add3A_786 : vector<16xi32>
        tpu.vector_store_idx %arg20[%sub3A_785], %add3A_787 masked %le3A_777 : memref<384xi32, #tpu.memory_space<vmem>>[vector<16xi32>], vector<16xi32>, vector<16xi1>
        %all_reduce_population_count3A_788 = tpu.all_reduce %le3A_777 {dim = 0 : i64, kind = #tpu.reduction_kind<sum>} : vector<16xi1> -> vector<16xi32>
        %add3A_789 = arith.addi %add3A_752, %all_reduce_population_count3A_788 : vector<16xi32>
        %mul3A_790 = arith.constant 16 : i32
        %mul3A_791 = arith.muli %scan3A_532, %mul3A_790 : i32
        %add3A_792 = arith.constant 7 : i32
        %add3A_793 = arith.addi %mul3A_791, %add3A_792 : i32
        %mul3A_794 = arith.constant 16 : i32
        %mul3A_795 = arith.muli %add3A_793, %mul3A_794 : i32
        %get3A_796 = arith.index_cast %mul3A_795 : i32 to index
        %get3A_797 = tpu.vector_load %arg13[%get3A_796] {strides = array<i32>} : memref<16384xf32, #tpu.memory_space<vmem>>, vector<16xf32>,
        %get3A_798 = arith.index_cast %mul3A_795 : i32 to index
        %get3A_799 = tpu.vector_load %arg14[%get3A_798] {strides = array<i32>} : memref<16384xf32, #tpu.memory_space<vmem>>, vector<16xf32>,
        %get3A_800 = arith.index_cast %mul3A_795 : i32 to index
        %get3A_801 = tpu.vector_load %arg15[%get3A_800] {strides = array<i32>} : memref<16384xf32, #tpu.memory_space<vmem>>, vector<16xf32>,
        %get3A_802 = arith.index_cast %mul3A_795 : i32 to index
        %get3A_803 = tpu.vector_load %arg12[%get3A_802] {strides = array<i32>} : memref<16384xf32, #tpu.memory_space<vmem>>, vector<16xf32>,
        %mul3A_804 = arith.mulf %bitcast_convert_type3A_60, %get3A_797 : vector<16xf32>
        %mul3A_805 = arith.mulf %bitcast_convert_type3A_75, %get3A_799 : vector<16xf32>
        %add3A_806 = arith.addf %mul3A_804, %mul3A_805 : vector<16xf32>
        %mul3A_807 = arith.mulf %bitcast_convert_type3A_90, %get3A_801 : vector<16xf32>
        %add3A_808 = arith.addf %add3A_806, %mul3A_807 : vector<16xf32>
        %add3A_809 = arith.addf %add3A_48, %get3A_803 : vector<16xf32>
        %mul3A_810 = arith.constant 2.000000e+00 : f32
        %mul3A_811 = vector.broadcast %mul3A_810 : f32 to vector<16xf32>
        %mul3A_812 = arith.mulf %mul3A_811, %add3A_808 : vector<16xf32>
        %sub3A_813 = arith.subf %add3A_809, %mul3A_812 : vector<16xf32>
        %le3A_814 = arith.cmpf ole, %sub3A_813, %scan3A_534 : vector<16xf32>
        %convert_element_type3A_815 = arith.extui %le3A_814 : vector<16xi1> to vector<16xi32>
        %broadcast_in_dim3A_816 = arith.constant true
        %broadcast_in_dim3A_817 = vector.broadcast %broadcast_in_dim3A_816 : i1 to vector<16xi1>
        %masked_cumsum3A_818 = tpu.scan <sum>, %convert_element_type3A_815 masked %broadcast_in_dim3A_817 : vector<16xi32>, vector<16xi1> -> vector<16xi32>
        %add3A_819 = arith.addi %add3A_789, %masked_cumsum3A_818 : vector<16xi32>
        %sub3A_820 = arith.constant 1 : i32
        %sub3A_821 = vector.broadcast %sub3A_820 : i32 to vector<16xi32>
        %sub3A_822 = arith.subi %add3A_819, %sub3A_821 : vector<16xi32>
        tpu.vector_store_idx %arg19[%sub3A_822], %sub3A_813 masked %le3A_814 : memref<384xf32, #tpu.memory_space<vmem>>[vector<16xi32>], vector<16xf32>, vector<16xi1>
        %add3A_823 = vector.broadcast %mul3A_795 : i32 to vector<16xi32>
        %add3A_824 = arith.addi %iota3A, %add3A_823 : vector<16xi32>
        tpu.vector_store_idx %arg20[%sub3A_822], %add3A_824 masked %le3A_814 : memref<384xi32, #tpu.memory_space<vmem>>[vector<16xi32>], vector<16xi32>, vector<16xi1>
        %all_reduce_population_count3A_825 = tpu.all_reduce %le3A_814 {dim = 0 : i64, kind = #tpu.reduction_kind<sum>} : vector<16xi1> -> vector<16xi32>
        %add3A_826 = arith.addi %add3A_789, %all_reduce_population_count3A_825 : vector<16xi32>
        %mul3A_827 = arith.constant 16 : i32
        %mul3A_828 = arith.muli %scan3A_532, %mul3A_827 : i32
        %add3A_829 = arith.constant 8 : i32
        %add3A_830 = arith.addi %mul3A_828, %add3A_829 : i32
        %mul3A_831 = arith.constant 16 : i32
        %mul3A_832 = arith.muli %add3A_830, %mul3A_831 : i32
        %get3A_833 = arith.index_cast %mul3A_832 : i32 to index
        %get3A_834 = tpu.vector_load %arg13[%get3A_833] {strides = array<i32>} : memref<16384xf32, #tpu.memory_space<vmem>>, vector<16xf32>,
        %get3A_835 = arith.index_cast %mul3A_832 : i32 to index
        %get3A_836 = tpu.vector_load %arg14[%get3A_835] {strides = array<i32>} : memref<16384xf32, #tpu.memory_space<vmem>>, vector<16xf32>,
        %get3A_837 = arith.index_cast %mul3A_832 : i32 to index
        %get3A_838 = tpu.vector_load %arg15[%get3A_837] {strides = array<i32>} : memref<16384xf32, #tpu.memory_space<vmem>>, vector<16xf32>,
        %get3A_839 = arith.index_cast %mul3A_832 : i32 to index
        %get3A_840 = tpu.vector_load %arg12[%get3A_839] {strides = array<i32>} : memref<16384xf32, #tpu.memory_space<vmem>>, vector<16xf32>,
        %mul3A_841 = arith.mulf %bitcast_convert_type3A_60, %get3A_834 : vector<16xf32>
        %mul3A_842 = arith.mulf %bitcast_convert_type3A_75, %get3A_836 : vector<16xf32>
        %add3A_843 = arith.addf %mul3A_841, %mul3A_842 : vector<16xf32>
        %mul3A_844 = arith.mulf %bitcast_convert_type3A_90, %get3A_838 : vector<16xf32>
        %add3A_845 = arith.addf %add3A_843, %mul3A_844 : vector<16xf32>
        %add3A_846 = arith.addf %add3A_48, %get3A_840 : vector<16xf32>
        %mul3A_847 = arith.constant 2.000000e+00 : f32
        %mul3A_848 = vector.broadcast %mul3A_847 : f32 to vector<16xf32>
        %mul3A_849 = arith.mulf %mul3A_848, %add3A_845 : vector<16xf32>
        %sub3A_850 = arith.subf %add3A_846, %mul3A_849 : vector<16xf32>
        %le3A_851 = arith.cmpf ole, %sub3A_850, %scan3A_534 : vector<16xf32>
        %convert_element_type3A_852 = arith.extui %le3A_851 : vector<16xi1> to vector<16xi32>
        %broadcast_in_dim3A_853 = arith.constant true
        %broadcast_in_dim3A_854 = vector.broadcast %broadcast_in_dim3A_853 : i1 to vector<16xi1>
        %masked_cumsum3A_855 = tpu.scan <sum>, %convert_element_type3A_852 masked %broadcast_in_dim3A_854 : vector<16xi32>, vector<16xi1> -> vector<16xi32>
        %add3A_856 = arith.addi %add3A_826, %masked_cumsum3A_855 : vector<16xi32>
        %sub3A_857 = arith.constant 1 : i32
        %sub3A_858 = vector.broadcast %sub3A_857 : i32 to vector<16xi32>
        %sub3A_859 = arith.subi %add3A_856, %sub3A_858 : vector<16xi32>
        tpu.vector_store_idx %arg19[%sub3A_859], %sub3A_850 masked %le3A_851 : memref<384xf32, #tpu.memory_space<vmem>>[vector<16xi32>], vector<16xf32>, vector<16xi1>
        %add3A_860 = vector.broadcast %mul3A_832 : i32 to vector<16xi32>
        %add3A_861 = arith.addi %iota3A, %add3A_860 : vector<16xi32>
        tpu.vector_store_idx %arg20[%sub3A_859], %add3A_861 masked %le3A_851 : memref<384xi32, #tpu.memory_space<vmem>>[vector<16xi32>], vector<16xi32>, vector<16xi1>
        %all_reduce_population_count3A_862 = tpu.all_reduce %le3A_851 {dim = 0 : i64, kind = #tpu.reduction_kind<sum>} : vector<16xi1> -> vector<16xi32>
        %add3A_863 = arith.addi %add3A_826, %all_reduce_population_count3A_862 : vector<16xi32>
        %mul3A_864 = arith.constant 16 : i32
        %mul3A_865 = arith.muli %scan3A_532, %mul3A_864 : i32
        %add3A_866 = arith.constant 9 : i32
        %add3A_867 = arith.addi %mul3A_865, %add3A_866 : i32
        %mul3A_868 = arith.constant 16 : i32
        %mul3A_869 = arith.muli %add3A_867, %mul3A_868 : i32
        %get3A_870 = arith.index_cast %mul3A_869 : i32 to index
        %get3A_871 = tpu.vector_load %arg13[%get3A_870] {strides = array<i32>} : memref<16384xf32, #tpu.memory_space<vmem>>, vector<16xf32>,
        %get3A_872 = arith.index_cast %mul3A_869 : i32 to index
        %get3A_873 = tpu.vector_load %arg14[%get3A_872] {strides = array<i32>} : memref<16384xf32, #tpu.memory_space<vmem>>, vector<16xf32>,
        %get3A_874 = arith.index_cast %mul3A_869 : i32 to index
        %get3A_875 = tpu.vector_load %arg15[%get3A_874] {strides = array<i32>} : memref<16384xf32, #tpu.memory_space<vmem>>, vector<16xf32>,
        %get3A_876 = arith.index_cast %mul3A_869 : i32 to index
        %get3A_877 = tpu.vector_load %arg12[%get3A_876] {strides = array<i32>} : memref<16384xf32, #tpu.memory_space<vmem>>, vector<16xf32>,
        %mul3A_878 = arith.mulf %bitcast_convert_type3A_60, %get3A_871 : vector<16xf32>
        %mul3A_879 = arith.mulf %bitcast_convert_type3A_75, %get3A_873 : vector<16xf32>
        %add3A_880 = arith.addf %mul3A_878, %mul3A_879 : vector<16xf32>
        %mul3A_881 = arith.mulf %bitcast_convert_type3A_90, %get3A_875 : vector<16xf32>
        %add3A_882 = arith.addf %add3A_880, %mul3A_881 : vector<16xf32>
        %add3A_883 = arith.addf %add3A_48, %get3A_877 : vector<16xf32>
        %mul3A_884 = arith.constant 2.000000e+00 : f32
        %mul3A_885 = vector.broadcast %mul3A_884 : f32 to vector<16xf32>
        %mul3A_886 = arith.mulf %mul3A_885, %add3A_882 : vector<16xf32>
        %sub3A_887 = arith.subf %add3A_883, %mul3A_886 : vector<16xf32>
        %le3A_888 = arith.cmpf ole, %sub3A_887, %scan3A_534 : vector<16xf32>
        %convert_element_type3A_889 = arith.extui %le3A_888 : vector<16xi1> to vector<16xi32>
        %broadcast_in_dim3A_890 = arith.constant true
        %broadcast_in_dim3A_891 = vector.broadcast %broadcast_in_dim3A_890 : i1 to vector<16xi1>
        %masked_cumsum3A_892 = tpu.scan <sum>, %convert_element_type3A_889 masked %broadcast_in_dim3A_891 : vector<16xi32>, vector<16xi1> -> vector<16xi32>
        %add3A_893 = arith.addi %add3A_863, %masked_cumsum3A_892 : vector<16xi32>
        %sub3A_894 = arith.constant 1 : i32
        %sub3A_895 = vector.broadcast %sub3A_894 : i32 to vector<16xi32>
        %sub3A_896 = arith.subi %add3A_893, %sub3A_895 : vector<16xi32>
        tpu.vector_store_idx %arg19[%sub3A_896], %sub3A_887 masked %le3A_888 : memref<384xf32, #tpu.memory_space<vmem>>[vector<16xi32>], vector<16xf32>, vector<16xi1>
        %add3A_897 = vector.broadcast %mul3A_869 : i32 to vector<16xi32>
        %add3A_898 = arith.addi %iota3A, %add3A_897 : vector<16xi32>
        tpu.vector_store_idx %arg20[%sub3A_896], %add3A_898 masked %le3A_888 : memref<384xi32, #tpu.memory_space<vmem>>[vector<16xi32>], vector<16xi32>, vector<16xi1>
        %all_reduce_population_count3A_899 = tpu.all_reduce %le3A_888 {dim = 0 : i64, kind = #tpu.reduction_kind<sum>} : vector<16xi1> -> vector<16xi32>
        %add3A_900 = arith.addi %add3A_863, %all_reduce_population_count3A_899 : vector<16xi32>
        %mul3A_901 = arith.constant 16 : i32
        %mul3A_902 = arith.muli %scan3A_532, %mul3A_901 : i32
        %add3A_903 = arith.constant 10 : i32
        %add3A_904 = arith.addi %mul3A_902, %add3A_903 : i32
        %mul3A_905 = arith.constant 16 : i32
        %mul3A_906 = arith.muli %add3A_904, %mul3A_905 : i32
        %get3A_907 = arith.index_cast %mul3A_906 : i32 to index
        %get3A_908 = tpu.vector_load %arg13[%get3A_907] {strides = array<i32>} : memref<16384xf32, #tpu.memory_space<vmem>>, vector<16xf32>,
        %get3A_909 = arith.index_cast %mul3A_906 : i32 to index
        %get3A_910 = tpu.vector_load %arg14[%get3A_909] {strides = array<i32>} : memref<16384xf32, #tpu.memory_space<vmem>>, vector<16xf32>,
        %get3A_911 = arith.index_cast %mul3A_906 : i32 to index
        %get3A_912 = tpu.vector_load %arg15[%get3A_911] {strides = array<i32>} : memref<16384xf32, #tpu.memory_space<vmem>>, vector<16xf32>,
        %get3A_913 = arith.index_cast %mul3A_906 : i32 to index
        %get3A_914 = tpu.vector_load %arg12[%get3A_913] {strides = array<i32>} : memref<16384xf32, #tpu.memory_space<vmem>>, vector<16xf32>,
        %mul3A_915 = arith.mulf %bitcast_convert_type3A_60, %get3A_908 : vector<16xf32>
        %mul3A_916 = arith.mulf %bitcast_convert_type3A_75, %get3A_910 : vector<16xf32>
        %add3A_917 = arith.addf %mul3A_915, %mul3A_916 : vector<16xf32>
        %mul3A_918 = arith.mulf %bitcast_convert_type3A_90, %get3A_912 : vector<16xf32>
        %add3A_919 = arith.addf %add3A_917, %mul3A_918 : vector<16xf32>
        %add3A_920 = arith.addf %add3A_48, %get3A_914 : vector<16xf32>
        %mul3A_921 = arith.constant 2.000000e+00 : f32
        %mul3A_922 = vector.broadcast %mul3A_921 : f32 to vector<16xf32>
        %mul3A_923 = arith.mulf %mul3A_922, %add3A_919 : vector<16xf32>
        %sub3A_924 = arith.subf %add3A_920, %mul3A_923 : vector<16xf32>
        %le3A_925 = arith.cmpf ole, %sub3A_924, %scan3A_534 : vector<16xf32>
        %convert_element_type3A_926 = arith.extui %le3A_925 : vector<16xi1> to vector<16xi32>
        %broadcast_in_dim3A_927 = arith.constant true
        %broadcast_in_dim3A_928 = vector.broadcast %broadcast_in_dim3A_927 : i1 to vector<16xi1>
        %masked_cumsum3A_929 = tpu.scan <sum>, %convert_element_type3A_926 masked %broadcast_in_dim3A_928 : vector<16xi32>, vector<16xi1> -> vector<16xi32>
        %add3A_930 = arith.addi %add3A_900, %masked_cumsum3A_929 : vector<16xi32>
        %sub3A_931 = arith.constant 1 : i32
        %sub3A_932 = vector.broadcast %sub3A_931 : i32 to vector<16xi32>
        %sub3A_933 = arith.subi %add3A_930, %sub3A_932 : vector<16xi32>
        tpu.vector_store_idx %arg19[%sub3A_933], %sub3A_924 masked %le3A_925 : memref<384xf32, #tpu.memory_space<vmem>>[vector<16xi32>], vector<16xf32>, vector<16xi1>
        %add3A_934 = vector.broadcast %mul3A_906 : i32 to vector<16xi32>
        %add3A_935 = arith.addi %iota3A, %add3A_934 : vector<16xi32>
        tpu.vector_store_idx %arg20[%sub3A_933], %add3A_935 masked %le3A_925 : memref<384xi32, #tpu.memory_space<vmem>>[vector<16xi32>], vector<16xi32>, vector<16xi1>
        %all_reduce_population_count3A_936 = tpu.all_reduce %le3A_925 {dim = 0 : i64, kind = #tpu.reduction_kind<sum>} : vector<16xi1> -> vector<16xi32>
        %add3A_937 = arith.addi %add3A_900, %all_reduce_population_count3A_936 : vector<16xi32>
        %mul3A_938 = arith.constant 16 : i32
        %mul3A_939 = arith.muli %scan3A_532, %mul3A_938 : i32
        %add3A_940 = arith.constant 11 : i32
        %add3A_941 = arith.addi %mul3A_939, %add3A_940 : i32
        %mul3A_942 = arith.constant 16 : i32
        %mul3A_943 = arith.muli %add3A_941, %mul3A_942 : i32
        %get3A_944 = arith.index_cast %mul3A_943 : i32 to index
        %get3A_945 = tpu.vector_load %arg13[%get3A_944] {strides = array<i32>} : memref<16384xf32, #tpu.memory_space<vmem>>, vector<16xf32>,
        %get3A_946 = arith.index_cast %mul3A_943 : i32 to index
        %get3A_947 = tpu.vector_load %arg14[%get3A_946] {strides = array<i32>} : memref<16384xf32, #tpu.memory_space<vmem>>, vector<16xf32>,
        %get3A_948 = arith.index_cast %mul3A_943 : i32 to index
        %get3A_949 = tpu.vector_load %arg15[%get3A_948] {strides = array<i32>} : memref<16384xf32, #tpu.memory_space<vmem>>, vector<16xf32>,
        %get3A_950 = arith.index_cast %mul3A_943 : i32 to index
        %get3A_951 = tpu.vector_load %arg12[%get3A_950] {strides = array<i32>} : memref<16384xf32, #tpu.memory_space<vmem>>, vector<16xf32>,
        %mul3A_952 = arith.mulf %bitcast_convert_type3A_60, %get3A_945 : vector<16xf32>
        %mul3A_953 = arith.mulf %bitcast_convert_type3A_75, %get3A_947 : vector<16xf32>
        %add3A_954 = arith.addf %mul3A_952, %mul3A_953 : vector<16xf32>
        %mul3A_955 = arith.mulf %bitcast_convert_type3A_90, %get3A_949 : vector<16xf32>
        %add3A_956 = arith.addf %add3A_954, %mul3A_955 : vector<16xf32>
        %add3A_957 = arith.addf %add3A_48, %get3A_951 : vector<16xf32>
        %mul3A_958 = arith.constant 2.000000e+00 : f32
        %mul3A_959 = vector.broadcast %mul3A_958 : f32 to vector<16xf32>
        %mul3A_960 = arith.mulf %mul3A_959, %add3A_956 : vector<16xf32>
        %sub3A_961 = arith.subf %add3A_957, %mul3A_960 : vector<16xf32>
        %le3A_962 = arith.cmpf ole, %sub3A_961, %scan3A_534 : vector<16xf32>
        %convert_element_type3A_963 = arith.extui %le3A_962 : vector<16xi1> to vector<16xi32>
        %broadcast_in_dim3A_964 = arith.constant true
        %broadcast_in_dim3A_965 = vector.broadcast %broadcast_in_dim3A_964 : i1 to vector<16xi1>
        %masked_cumsum3A_966 = tpu.scan <sum>, %convert_element_type3A_963 masked %broadcast_in_dim3A_965 : vector<16xi32>, vector<16xi1> -> vector<16xi32>
        %add3A_967 = arith.addi %add3A_937, %masked_cumsum3A_966 : vector<16xi32>
        %sub3A_968 = arith.constant 1 : i32
        %sub3A_969 = vector.broadcast %sub3A_968 : i32 to vector<16xi32>
        %sub3A_970 = arith.subi %add3A_967, %sub3A_969 : vector<16xi32>
        tpu.vector_store_idx %arg19[%sub3A_970], %sub3A_961 masked %le3A_962 : memref<384xf32, #tpu.memory_space<vmem>>[vector<16xi32>], vector<16xf32>, vector<16xi1>
        %add3A_971 = vector.broadcast %mul3A_943 : i32 to vector<16xi32>
        %add3A_972 = arith.addi %iota3A, %add3A_971 : vector<16xi32>
        tpu.vector_store_idx %arg20[%sub3A_970], %add3A_972 masked %le3A_962 : memref<384xi32, #tpu.memory_space<vmem>>[vector<16xi32>], vector<16xi32>, vector<16xi1>
        %all_reduce_population_count3A_973 = tpu.all_reduce %le3A_962 {dim = 0 : i64, kind = #tpu.reduction_kind<sum>} : vector<16xi1> -> vector<16xi32>
        %add3A_974 = arith.addi %add3A_937, %all_reduce_population_count3A_973 : vector<16xi32>
        %mul3A_975 = arith.constant 16 : i32
        %mul3A_976 = arith.muli %scan3A_532, %mul3A_975 : i32
        %add3A_977 = arith.constant 12 : i32
        %add3A_978 = arith.addi %mul3A_976, %add3A_977 : i32
        %mul3A_979 = arith.constant 16 : i32
        %mul3A_980 = arith.muli %add3A_978, %mul3A_979 : i32
        %get3A_981 = arith.index_cast %mul3A_980 : i32 to index
        %get3A_982 = tpu.vector_load %arg13[%get3A_981] {strides = array<i32>} : memref<16384xf32, #tpu.memory_space<vmem>>, vector<16xf32>,
        %get3A_983 = arith.index_cast %mul3A_980 : i32 to index
        %get3A_984 = tpu.vector_load %arg14[%get3A_983] {strides = array<i32>} : memref<16384xf32, #tpu.memory_space<vmem>>, vector<16xf32>,
        %get3A_985 = arith.index_cast %mul3A_980 : i32 to index
        %get3A_986 = tpu.vector_load %arg15[%get3A_985] {strides = array<i32>} : memref<16384xf32, #tpu.memory_space<vmem>>, vector<16xf32>,
        %get3A_987 = arith.index_cast %mul3A_980 : i32 to index
        %get3A_988 = tpu.vector_load %arg12[%get3A_987] {strides = array<i32>} : memref<16384xf32, #tpu.memory_space<vmem>>, vector<16xf32>,
        %mul3A_989 = arith.mulf %bitcast_convert_type3A_60, %get3A_982 : vector<16xf32>
        %mul3A_990 = arith.mulf %bitcast_convert_type3A_75, %get3A_984 : vector<16xf32>
        %add3A_991 = arith.addf %mul3A_989, %mul3A_990 : vector<16xf32>
        %mul3A_992 = arith.mulf %bitcast_convert_type3A_90, %get3A_986 : vector<16xf32>
        %add3A_993 = arith.addf %add3A_991, %mul3A_992 : vector<16xf32>
        %add3A_994 = arith.addf %add3A_48, %get3A_988 : vector<16xf32>
        %mul3A_995 = arith.constant 2.000000e+00 : f32
        %mul3A_996 = vector.broadcast %mul3A_995 : f32 to vector<16xf32>
        %mul3A_997 = arith.mulf %mul3A_996, %add3A_993 : vector<16xf32>
        %sub3A_998 = arith.subf %add3A_994, %mul3A_997 : vector<16xf32>
        %le3A_999 = arith.cmpf ole, %sub3A_998, %scan3A_534 : vector<16xf32>
        %convert_element_type3A_1000 = arith.extui %le3A_999 : vector<16xi1> to vector<16xi32>
        %broadcast_in_dim3A_1001 = arith.constant true
        %broadcast_in_dim3A_1002 = vector.broadcast %broadcast_in_dim3A_1001 : i1 to vector<16xi1>
        %masked_cumsum3A_1003 = tpu.scan <sum>, %convert_element_type3A_1000 masked %broadcast_in_dim3A_1002 : vector<16xi32>, vector<16xi1> -> vector<16xi32>
        %add3A_1004 = arith.addi %add3A_974, %masked_cumsum3A_1003 : vector<16xi32>
        %sub3A_1005 = arith.constant 1 : i32
        %sub3A_1006 = vector.broadcast %sub3A_1005 : i32 to vector<16xi32>
        %sub3A_1007 = arith.subi %add3A_1004, %sub3A_1006 : vector<16xi32>
        tpu.vector_store_idx %arg19[%sub3A_1007], %sub3A_998 masked %le3A_999 : memref<384xf32, #tpu.memory_space<vmem>>[vector<16xi32>], vector<16xf32>, vector<16xi1>
        %add3A_1008 = vector.broadcast %mul3A_980 : i32 to vector<16xi32>
        %add3A_1009 = arith.addi %iota3A, %add3A_1008 : vector<16xi32>
        tpu.vector_store_idx %arg20[%sub3A_1007], %add3A_1009 masked %le3A_999 : memref<384xi32, #tpu.memory_space<vmem>>[vector<16xi32>], vector<16xi32>, vector<16xi1>
        %all_reduce_population_count3A_1010 = tpu.all_reduce %le3A_999 {dim = 0 : i64, kind = #tpu.reduction_kind<sum>} : vector<16xi1> -> vector<16xi32>
        %add3A_1011 = arith.addi %add3A_974, %all_reduce_population_count3A_1010 : vector<16xi32>
        %mul3A_1012 = arith.constant 16 : i32
        %mul3A_1013 = arith.muli %scan3A_532, %mul3A_1012 : i32
        %add3A_1014 = arith.constant 13 : i32
        %add3A_1015 = arith.addi %mul3A_1013, %add3A_1014 : i32
        %mul3A_1016 = arith.constant 16 : i32
        %mul3A_1017 = arith.muli %add3A_1015, %mul3A_1016 : i32
        %get3A_1018 = arith.index_cast %mul3A_1017 : i32 to index
        %get3A_1019 = tpu.vector_load %arg13[%get3A_1018] {strides = array<i32>} : memref<16384xf32, #tpu.memory_space<vmem>>, vector<16xf32>,
        %get3A_1020 = arith.index_cast %mul3A_1017 : i32 to index
        %get3A_1021 = tpu.vector_load %arg14[%get3A_1020] {strides = array<i32>} : memref<16384xf32, #tpu.memory_space<vmem>>, vector<16xf32>,
        %get3A_1022 = arith.index_cast %mul3A_1017 : i32 to index
        %get3A_1023 = tpu.vector_load %arg15[%get3A_1022] {strides = array<i32>} : memref<16384xf32, #tpu.memory_space<vmem>>, vector<16xf32>,
        %get3A_1024 = arith.index_cast %mul3A_1017 : i32 to index
        %get3A_1025 = tpu.vector_load %arg12[%get3A_1024] {strides = array<i32>} : memref<16384xf32, #tpu.memory_space<vmem>>, vector<16xf32>,
        %mul3A_1026 = arith.mulf %bitcast_convert_type3A_60, %get3A_1019 : vector<16xf32>
        %mul3A_1027 = arith.mulf %bitcast_convert_type3A_75, %get3A_1021 : vector<16xf32>
        %add3A_1028 = arith.addf %mul3A_1026, %mul3A_1027 : vector<16xf32>
        %mul3A_1029 = arith.mulf %bitcast_convert_type3A_90, %get3A_1023 : vector<16xf32>
        %add3A_1030 = arith.addf %add3A_1028, %mul3A_1029 : vector<16xf32>
        %add3A_1031 = arith.addf %add3A_48, %get3A_1025 : vector<16xf32>
        %mul3A_1032 = arith.constant 2.000000e+00 : f32
        %mul3A_1033 = vector.broadcast %mul3A_1032 : f32 to vector<16xf32>
        %mul3A_1034 = arith.mulf %mul3A_1033, %add3A_1030 : vector<16xf32>
        %sub3A_1035 = arith.subf %add3A_1031, %mul3A_1034 : vector<16xf32>
        %le3A_1036 = arith.cmpf ole, %sub3A_1035, %scan3A_534 : vector<16xf32>
        %convert_element_type3A_1037 = arith.extui %le3A_1036 : vector<16xi1> to vector<16xi32>
        %broadcast_in_dim3A_1038 = arith.constant true
        %broadcast_in_dim3A_1039 = vector.broadcast %broadcast_in_dim3A_1038 : i1 to vector<16xi1>
        %masked_cumsum3A_1040 = tpu.scan <sum>, %convert_element_type3A_1037 masked %broadcast_in_dim3A_1039 : vector<16xi32>, vector<16xi1> -> vector<16xi32>
        %add3A_1041 = arith.addi %add3A_1011, %masked_cumsum3A_1040 : vector<16xi32>
        %sub3A_1042 = arith.constant 1 : i32
        %sub3A_1043 = vector.broadcast %sub3A_1042 : i32 to vector<16xi32>
        %sub3A_1044 = arith.subi %add3A_1041, %sub3A_1043 : vector<16xi32>
        tpu.vector_store_idx %arg19[%sub3A_1044], %sub3A_1035 masked %le3A_1036 : memref<384xf32, #tpu.memory_space<vmem>>[vector<16xi32>], vector<16xf32>, vector<16xi1>
        %add3A_1045 = vector.broadcast %mul3A_1017 : i32 to vector<16xi32>
        %add3A_1046 = arith.addi %iota3A, %add3A_1045 : vector<16xi32>
        tpu.vector_store_idx %arg20[%sub3A_1044], %add3A_1046 masked %le3A_1036 : memref<384xi32, #tpu.memory_space<vmem>>[vector<16xi32>], vector<16xi32>, vector<16xi1>
        %all_reduce_population_count3A_1047 = tpu.all_reduce %le3A_1036 {dim = 0 : i64, kind = #tpu.reduction_kind<sum>} : vector<16xi1> -> vector<16xi32>
        %add3A_1048 = arith.addi %add3A_1011, %all_reduce_population_count3A_1047 : vector<16xi32>
        %mul3A_1049 = arith.constant 16 : i32
        %mul3A_1050 = arith.muli %scan3A_532, %mul3A_1049 : i32
        %add3A_1051 = arith.constant 14 : i32
        %add3A_1052 = arith.addi %mul3A_1050, %add3A_1051 : i32
        %mul3A_1053 = arith.constant 16 : i32
        %mul3A_1054 = arith.muli %add3A_1052, %mul3A_1053 : i32
        %get3A_1055 = arith.index_cast %mul3A_1054 : i32 to index
        %get3A_1056 = tpu.vector_load %arg13[%get3A_1055] {strides = array<i32>} : memref<16384xf32, #tpu.memory_space<vmem>>, vector<16xf32>,
        %get3A_1057 = arith.index_cast %mul3A_1054 : i32 to index
        %get3A_1058 = tpu.vector_load %arg14[%get3A_1057] {strides = array<i32>} : memref<16384xf32, #tpu.memory_space<vmem>>, vector<16xf32>,
        %get3A_1059 = arith.index_cast %mul3A_1054 : i32 to index
        %get3A_1060 = tpu.vector_load %arg15[%get3A_1059] {strides = array<i32>} : memref<16384xf32, #tpu.memory_space<vmem>>, vector<16xf32>,
        %get3A_1061 = arith.index_cast %mul3A_1054 : i32 to index
        %get3A_1062 = tpu.vector_load %arg12[%get3A_1061] {strides = array<i32>} : memref<16384xf32, #tpu.memory_space<vmem>>, vector<16xf32>,
        %mul3A_1063 = arith.mulf %bitcast_convert_type3A_60, %get3A_1056 : vector<16xf32>
        %mul3A_1064 = arith.mulf %bitcast_convert_type3A_75, %get3A_1058 : vector<16xf32>
        %add3A_1065 = arith.addf %mul3A_1063, %mul3A_1064 : vector<16xf32>
        %mul3A_1066 = arith.mulf %bitcast_convert_type3A_90, %get3A_1060 : vector<16xf32>
        %add3A_1067 = arith.addf %add3A_1065, %mul3A_1066 : vector<16xf32>
        %add3A_1068 = arith.addf %add3A_48, %get3A_1062 : vector<16xf32>
        %mul3A_1069 = arith.constant 2.000000e+00 : f32
        %mul3A_1070 = vector.broadcast %mul3A_1069 : f32 to vector<16xf32>
        %mul3A_1071 = arith.mulf %mul3A_1070, %add3A_1067 : vector<16xf32>
        %sub3A_1072 = arith.subf %add3A_1068, %mul3A_1071 : vector<16xf32>
        %le3A_1073 = arith.cmpf ole, %sub3A_1072, %scan3A_534 : vector<16xf32>
        %convert_element_type3A_1074 = arith.extui %le3A_1073 : vector<16xi1> to vector<16xi32>
        %broadcast_in_dim3A_1075 = arith.constant true
        %broadcast_in_dim3A_1076 = vector.broadcast %broadcast_in_dim3A_1075 : i1 to vector<16xi1>
        %masked_cumsum3A_1077 = tpu.scan <sum>, %convert_element_type3A_1074 masked %broadcast_in_dim3A_1076 : vector<16xi32>, vector<16xi1> -> vector<16xi32>
        %add3A_1078 = arith.addi %add3A_1048, %masked_cumsum3A_1077 : vector<16xi32>
        %sub3A_1079 = arith.constant 1 : i32
        %sub3A_1080 = vector.broadcast %sub3A_1079 : i32 to vector<16xi32>
        %sub3A_1081 = arith.subi %add3A_1078, %sub3A_1080 : vector<16xi32>
        tpu.vector_store_idx %arg19[%sub3A_1081], %sub3A_1072 masked %le3A_1073 : memref<384xf32, #tpu.memory_space<vmem>>[vector<16xi32>], vector<16xf32>, vector<16xi1>
        %add3A_1082 = vector.broadcast %mul3A_1054 : i32 to vector<16xi32>
        %add3A_1083 = arith.addi %iota3A, %add3A_1082 : vector<16xi32>
        tpu.vector_store_idx %arg20[%sub3A_1081], %add3A_1083 masked %le3A_1073 : memref<384xi32, #tpu.memory_space<vmem>>[vector<16xi32>], vector<16xi32>, vector<16xi1>
        %all_reduce_population_count3A_1084 = tpu.all_reduce %le3A_1073 {dim = 0 : i64, kind = #tpu.reduction_kind<sum>} : vector<16xi1> -> vector<16xi32>
        %add3A_1085 = arith.addi %add3A_1048, %all_reduce_population_count3A_1084 : vector<16xi32>
        %mul3A_1086 = arith.constant 16 : i32
        %mul3A_1087 = arith.muli %scan3A_532, %mul3A_1086 : i32
        %add3A_1088 = arith.constant 15 : i32
        %add3A_1089 = arith.addi %mul3A_1087, %add3A_1088 : i32
        %mul3A_1090 = arith.constant 16 : i32
        %mul3A_1091 = arith.muli %add3A_1089, %mul3A_1090 : i32
        %get3A_1092 = arith.index_cast %mul3A_1091 : i32 to index
        %get3A_1093 = tpu.vector_load %arg13[%get3A_1092] {strides = array<i32>} : memref<16384xf32, #tpu.memory_space<vmem>>, vector<16xf32>,
        %get3A_1094 = arith.index_cast %mul3A_1091 : i32 to index
        %get3A_1095 = tpu.vector_load %arg14[%get3A_1094] {strides = array<i32>} : memref<16384xf32, #tpu.memory_space<vmem>>, vector<16xf32>,
        %get3A_1096 = arith.index_cast %mul3A_1091 : i32 to index
        %get3A_1097 = tpu.vector_load %arg15[%get3A_1096] {strides = array<i32>} : memref<16384xf32, #tpu.memory_space<vmem>>, vector<16xf32>,
        %get3A_1098 = arith.index_cast %mul3A_1091 : i32 to index
        %get3A_1099 = tpu.vector_load %arg12[%get3A_1098] {strides = array<i32>} : memref<16384xf32, #tpu.memory_space<vmem>>, vector<16xf32>,
        %mul3A_1100 = arith.mulf %bitcast_convert_type3A_60, %get3A_1093 : vector<16xf32>
        %mul3A_1101 = arith.mulf %bitcast_convert_type3A_75, %get3A_1095 : vector<16xf32>
        %add3A_1102 = arith.addf %mul3A_1100, %mul3A_1101 : vector<16xf32>
        %mul3A_1103 = arith.mulf %bitcast_convert_type3A_90, %get3A_1097 : vector<16xf32>
        %add3A_1104 = arith.addf %add3A_1102, %mul3A_1103 : vector<16xf32>
        %add3A_1105 = arith.addf %add3A_48, %get3A_1099 : vector<16xf32>
        %mul3A_1106 = arith.constant 2.000000e+00 : f32
        %mul3A_1107 = vector.broadcast %mul3A_1106 : f32 to vector<16xf32>
        %mul3A_1108 = arith.mulf %mul3A_1107, %add3A_1104 : vector<16xf32>
        %sub3A_1109 = arith.subf %add3A_1105, %mul3A_1108 : vector<16xf32>
        %le3A_1110 = arith.cmpf ole, %sub3A_1109, %scan3A_534 : vector<16xf32>
        %convert_element_type3A_1111 = arith.extui %le3A_1110 : vector<16xi1> to vector<16xi32>
        %broadcast_in_dim3A_1112 = arith.constant true
        %broadcast_in_dim3A_1113 = vector.broadcast %broadcast_in_dim3A_1112 : i1 to vector<16xi1>
        %masked_cumsum3A_1114 = tpu.scan <sum>, %convert_element_type3A_1111 masked %broadcast_in_dim3A_1113 : vector<16xi32>, vector<16xi1> -> vector<16xi32>
        %add3A_1115 = arith.addi %add3A_1085, %masked_cumsum3A_1114 : vector<16xi32>
        %sub3A_1116 = arith.constant 1 : i32
        %sub3A_1117 = vector.broadcast %sub3A_1116 : i32 to vector<16xi32>
        %sub3A_1118 = arith.subi %add3A_1115, %sub3A_1117 : vector<16xi32>
        tpu.vector_store_idx %arg19[%sub3A_1118], %sub3A_1109 masked %le3A_1110 : memref<384xf32, #tpu.memory_space<vmem>>[vector<16xi32>], vector<16xf32>, vector<16xi1>
        %add3A_1119 = vector.broadcast %mul3A_1091 : i32 to vector<16xi32>
        %add3A_1120 = arith.addi %iota3A, %add3A_1119 : vector<16xi32>
        tpu.vector_store_idx %arg20[%sub3A_1118], %add3A_1120 masked %le3A_1110 : memref<384xi32, #tpu.memory_space<vmem>>[vector<16xi32>], vector<16xi32>, vector<16xi1>
        %all_reduce_population_count3A_1121 = tpu.all_reduce %le3A_1110 {dim = 0 : i64, kind = #tpu.reduction_kind<sum>} : vector<16xi1> -> vector<16xi32>
        %add3A_1122 = arith.addi %add3A_1085, %all_reduce_population_count3A_1121 : vector<16xi32>
        %while3A:2 = scf.while (%while3A_1123 = %add3A_1122, %while3A_1124 = %scan3A_534) : (vector<16xi32>, vector<16xf32>) -> (vector<16xi32>, vector<16xf32>) {
          %ge3A = arith.constant 16 : i32
          %ge3A_1125 = vector.broadcast %ge3A : i32 to vector<16xi32>
          %ge3A_1126 = arith.cmpi sge, %while3A_1123, %ge3A_1125 : vector<16xi32>
          %reduce_or3A = arith.constant 1.000000e+00 : f32
          %reduce_or3A_1127 = arith.constant 0.000000e+00 : f32
          %reduce_or3A_1128 = vector.broadcast %reduce_or3A : f32 to vector<16xf32>
          %reduce_or3A_1129 = vector.broadcast %reduce_or3A_1127 : f32 to vector<16xf32>
          %reduce_or3A_1130 = arith.select %ge3A_1126, %reduce_or3A_1128, %reduce_or3A_1129 : vector<16xi1>, vector<16xf32>
          %reduce_or3A_1131 = arith.constant true
          %reduce_or3A_1132 = vector.broadcast %reduce_or3A_1131 : i1 to vector<16xi1>
          %reduce_or3A_1133 = tpu.scan <max>, %reduce_or3A_1130 masked %reduce_or3A_1132 : vector<16xf32>, vector<16xi1> -> vector<16xf32>
          %reduce_or3A_1134 = vector.extract %reduce_or3A_1133[15] : f32 from vector<16xf32>
          %reduce_or3A_1135 = arith.constant 0.000000e+00 : f32
          %reduce_or3A_1136 = arith.cmpf ogt, %reduce_or3A_1134, %reduce_or3A_1135 : f32
          scf.condition(%reduce_or3A_1136) %while3A_1123, %while3A_1124 : vector<16xi32>, vector<16xf32>
        } do {
        ^bb0(%while3A_1123: vector<16xi32>, %while3A_1124: vector<16xf32>):
          %get3A_1125 = arith.constant 0 : index
          %get3A_1126 = tpu.vector_load %arg19[%get3A_1125] {strides = array<i32>} : memref<384xf32, #tpu.memory_space<vmem>>, vector<16xf32>,
          %get3A_1127 = arith.constant 0 : index
          %get3A_1128 = tpu.vector_load %arg20[%get3A_1127] {strides = array<i32>} : memref<384xi32, #tpu.memory_space<vmem>>, vector<16xi32>,
          %masked_sort3A_1129 = arith.constant dense<true> : vector<16xi1>
          %masked_sort3A_1130, %masked_sort3A_1131, %masked_sort3A_1132 = tpu.sort %get3A_1126, %get3A_1128 masked %masked_sort3A_1129 : (vector<16xf32>, vector<16xi32>, vector<16xi1>) -> (vector<16xi1>, vector<16xf32>, vector<16xi32>)
          %get3A_1133 = arith.constant 0 : index
          %get3A_1134 = tpu.vector_load %arg17[%get3A_1133] {strides = array<i32>} : memref<128xf32, #tpu.memory_space<vmem>>, vector<16xf32>,
          %get3A_1135 = arith.constant 0 : index
          %get3A_1136 = tpu.vector_load %arg18[%get3A_1135] {strides = array<i32>} : memref<128xi32, #tpu.memory_space<vmem>>, vector<16xi32>,
          %rev3A_1137 = arith.constant 15 : i32
          %rev3A_1138 = vector.broadcast %rev3A_1137 : i32 to vector<16xi32>
          %rev3A_1139 = tpu.iota {dimensions = array<i32: 0>} : vector<16xi32>
          %rev3A_1140 = arith.subi %rev3A_1138, %rev3A_1139 : vector<16xi32>
          %rev3A_1141 = tpu.dynamic_gather %masked_sort3A_1131[%rev3A_1140] in [0] : vector<16xf32>, vector<16xi32> -> vector<16xf32>
          %rev3A_1142 = arith.constant 15 : i32
          %rev3A_1143 = vector.broadcast %rev3A_1142 : i32 to vector<16xi32>
          %rev3A_1144 = tpu.iota {dimensions = array<i32: 0>} : vector<16xi32>
          %rev3A_1145 = arith.subi %rev3A_1143, %rev3A_1144 : vector<16xi32>
          %rev3A_1146 = tpu.dynamic_gather %masked_sort3A_1132[%rev3A_1145] in [0] : vector<16xi32>, vector<16xi32> -> vector<16xi32>
          %lt3A_1147 = arith.cmpf olt, %get3A_1134, %rev3A_1141 : vector<16xf32>
          %eq3A_1148 = arith.cmpf oeq, %get3A_1134, %rev3A_1141 : vector<16xf32>
          %lt3A_1149 = arith.cmpi slt, %get3A_1136, %rev3A_1146 : vector<16xi32>
          %and3A_1150 = arith.andi %eq3A_1148, %lt3A_1149 : vector<16xi1>
          %or3A_1151 = arith.ori %lt3A_1147, %and3A_1150 : vector<16xi1>
          %select_n3A_1152 = arith.select %or3A_1151, %get3A_1134, %rev3A_1141 : vector<16xi1>, vector<16xf32>
          %select_n3A_1153 = arith.select %or3A_1151, %get3A_1136, %rev3A_1146 : vector<16xi1>, vector<16xi32>
          %masked_sort3A_1154 = arith.constant dense<true> : vector<16xi1>
          %masked_sort3A_1155, %masked_sort3A_1156, %masked_sort3A_1157 = tpu.sort %select_n3A_1152, %select_n3A_1153 masked %masked_sort3A_1154 : (vector<16xf32>, vector<16xi32>, vector<16xi1>) -> (vector<16xi1>, vector<16xf32>, vector<16xi32>)
          %swap3A_1158 = arith.constant 0 : index
          %swap3A_1159 = tpu.vector_load %arg17[%swap3A_1158] {strides = array<i32>} : memref<128xf32, #tpu.memory_space<vmem>>, vector<16xf32>,
          tpu.vector_store %arg17[%swap3A_1158], %masked_sort3A_1156 {strides = array<i32>} : memref<128xf32, #tpu.memory_space<vmem>>, vector<16xf32>,
          %swap3A_1160 = arith.constant 0 : index
          %swap3A_1161 = tpu.vector_load %arg18[%swap3A_1160] {strides = array<i32>} : memref<128xi32, #tpu.memory_space<vmem>>, vector<16xi32>,
          tpu.vector_store %arg18[%swap3A_1160], %masked_sort3A_1157 {strides = array<i32>} : memref<128xi32, #tpu.memory_space<vmem>>, vector<16xi32>,
          %select_n3A_1162 = arith.select %or3A_1151, %rev3A_1141, %get3A_1134 : vector<16xi1>, vector<16xf32>
          %select_n3A_1163 = arith.select %or3A_1151, %rev3A_1146, %get3A_1136 : vector<16xi1>, vector<16xi32>
          %masked_sort3A_1164 = arith.constant dense<true> : vector<16xi1>
          %masked_sort3A_1165, %masked_sort3A_1166, %masked_sort3A_1167 = tpu.sort %select_n3A_1162, %select_n3A_1163 masked %masked_sort3A_1164 : (vector<16xf32>, vector<16xi32>, vector<16xi1>) -> (vector<16xi1>, vector<16xf32>, vector<16xi32>)
          %get3A_1168 = arith.constant 16 : index
          %get3A_1169 = tpu.vector_load %arg17[%get3A_1168] {strides = array<i32>} : memref<128xf32, #tpu.memory_space<vmem>>, vector<16xf32>,
          %get3A_1170 = arith.constant 16 : index
          %get3A_1171 = tpu.vector_load %arg18[%get3A_1170] {strides = array<i32>} : memref<128xi32, #tpu.memory_space<vmem>>, vector<16xi32>,
          %rev3A_1172 = arith.constant 15 : i32
          %rev3A_1173 = vector.broadcast %rev3A_1172 : i32 to vector<16xi32>
          %rev3A_1174 = tpu.iota {dimensions = array<i32: 0>} : vector<16xi32>
          %rev3A_1175 = arith.subi %rev3A_1173, %rev3A_1174 : vector<16xi32>
          %rev3A_1176 = tpu.dynamic_gather %masked_sort3A_1166[%rev3A_1175] in [0] : vector<16xf32>, vector<16xi32> -> vector<16xf32>
          %rev3A_1177 = arith.constant 15 : i32
          %rev3A_1178 = vector.broadcast %rev3A_1177 : i32 to vector<16xi32>
          %rev3A_1179 = tpu.iota {dimensions = array<i32: 0>} : vector<16xi32>
          %rev3A_1180 = arith.subi %rev3A_1178, %rev3A_1179 : vector<16xi32>
          %rev3A_1181 = tpu.dynamic_gather %masked_sort3A_1167[%rev3A_1180] in [0] : vector<16xi32>, vector<16xi32> -> vector<16xi32>
          %lt3A_1182 = arith.cmpf olt, %get3A_1169, %rev3A_1176 : vector<16xf32>
          %eq3A_1183 = arith.cmpf oeq, %get3A_1169, %rev3A_1176 : vector<16xf32>
          %lt3A_1184 = arith.cmpi slt, %get3A_1171, %rev3A_1181 : vector<16xi32>
          %and3A_1185 = arith.andi %eq3A_1183, %lt3A_1184 : vector<16xi1>
          %or3A_1186 = arith.ori %lt3A_1182, %and3A_1185 : vector<16xi1>
          %select_n3A_1187 = arith.select %or3A_1186, %get3A_1169, %rev3A_1176 : vector<16xi1>, vector<16xf32>
          %select_n3A_1188 = arith.select %or3A_1186, %get3A_1171, %rev3A_1181 : vector<16xi1>, vector<16xi32>
          %masked_sort3A_1189 = arith.constant dense<true> : vector<16xi1>
          %masked_sort3A_1190, %masked_sort3A_1191, %masked_sort3A_1192 = tpu.sort %select_n3A_1187, %select_n3A_1188 masked %masked_sort3A_1189 : (vector<16xf32>, vector<16xi32>, vector<16xi1>) -> (vector<16xi1>, vector<16xf32>, vector<16xi32>)
          %swap3A_1193 = arith.constant 16 : index
          %swap3A_1194 = tpu.vector_load %arg17[%swap3A_1193] {strides = array<i32>} : memref<128xf32, #tpu.memory_space<vmem>>, vector<16xf32>,
          tpu.vector_store %arg17[%swap3A_1193], %masked_sort3A_1191 {strides = array<i32>} : memref<128xf32, #tpu.memory_space<vmem>>, vector<16xf32>,
          %swap3A_1195 = arith.constant 16 : index
          %swap3A_1196 = tpu.vector_load %arg18[%swap3A_1195] {strides = array<i32>} : memref<128xi32, #tpu.memory_space<vmem>>, vector<16xi32>,
          tpu.vector_store %arg18[%swap3A_1195], %masked_sort3A_1192 {strides = array<i32>} : memref<128xi32, #tpu.memory_space<vmem>>, vector<16xi32>,
          %select_n3A_1197 = arith.select %or3A_1186, %rev3A_1176, %get3A_1169 : vector<16xi1>, vector<16xf32>
          %select_n3A_1198 = arith.select %or3A_1186, %rev3A_1181, %get3A_1171 : vector<16xi1>, vector<16xi32>
          %masked_sort3A_1199 = arith.constant dense<true> : vector<16xi1>
          %masked_sort3A_1200, %masked_sort3A_1201, %masked_sort3A_1202 = tpu.sort %select_n3A_1197, %select_n3A_1198 masked %masked_sort3A_1199 : (vector<16xf32>, vector<16xi32>, vector<16xi1>) -> (vector<16xi1>, vector<16xf32>, vector<16xi32>)
          %get3A_1203 = arith.constant 32 : index
          %get3A_1204 = tpu.vector_load %arg17[%get3A_1203] {strides = array<i32>} : memref<128xf32, #tpu.memory_space<vmem>>, vector<16xf32>,
          %get3A_1205 = arith.constant 32 : index
          %get3A_1206 = tpu.vector_load %arg18[%get3A_1205] {strides = array<i32>} : memref<128xi32, #tpu.memory_space<vmem>>, vector<16xi32>,
          %rev3A_1207 = arith.constant 15 : i32
          %rev3A_1208 = vector.broadcast %rev3A_1207 : i32 to vector<16xi32>
          %rev3A_1209 = tpu.iota {dimensions = array<i32: 0>} : vector<16xi32>
          %rev3A_1210 = arith.subi %rev3A_1208, %rev3A_1209 : vector<16xi32>
          %rev3A_1211 = tpu.dynamic_gather %masked_sort3A_1201[%rev3A_1210] in [0] : vector<16xf32>, vector<16xi32> -> vector<16xf32>
          %rev3A_1212 = arith.constant 15 : i32
          %rev3A_1213 = vector.broadcast %rev3A_1212 : i32 to vector<16xi32>
          %rev3A_1214 = tpu.iota {dimensions = array<i32: 0>} : vector<16xi32>
          %rev3A_1215 = arith.subi %rev3A_1213, %rev3A_1214 : vector<16xi32>
          %rev3A_1216 = tpu.dynamic_gather %masked_sort3A_1202[%rev3A_1215] in [0] : vector<16xi32>, vector<16xi32> -> vector<16xi32>
          %lt3A_1217 = arith.cmpf olt, %get3A_1204, %rev3A_1211 : vector<16xf32>
          %eq3A_1218 = arith.cmpf oeq, %get3A_1204, %rev3A_1211 : vector<16xf32>
          %lt3A_1219 = arith.cmpi slt, %get3A_1206, %rev3A_1216 : vector<16xi32>
          %and3A_1220 = arith.andi %eq3A_1218, %lt3A_1219 : vector<16xi1>
          %or3A_1221 = arith.ori %lt3A_1217, %and3A_1220 : vector<16xi1>
          %select_n3A_1222 = arith.select %or3A_1221, %get3A_1204, %rev3A_1211 : vector<16xi1>, vector<16xf32>
          %select_n3A_1223 = arith.select %or3A_1221, %get3A_1206, %rev3A_1216 : vector<16xi1>, vector<16xi32>
          %masked_sort3A_1224 = arith.constant dense<true> : vector<16xi1>
          %masked_sort3A_1225, %masked_sort3A_1226, %masked_sort3A_1227 = tpu.sort %select_n3A_1222, %select_n3A_1223 masked %masked_sort3A_1224 : (vector<16xf32>, vector<16xi32>, vector<16xi1>) -> (vector<16xi1>, vector<16xf32>, vector<16xi32>)
          %swap3A_1228 = arith.constant 32 : index
          %swap3A_1229 = tpu.vector_load %arg17[%swap3A_1228] {strides = array<i32>} : memref<128xf32, #tpu.memory_space<vmem>>, vector<16xf32>,
          tpu.vector_store %arg17[%swap3A_1228], %masked_sort3A_1226 {strides = array<i32>} : memref<128xf32, #tpu.memory_space<vmem>>, vector<16xf32>,
          %swap3A_1230 = arith.constant 32 : index
          %swap3A_1231 = tpu.vector_load %arg18[%swap3A_1230] {strides = array<i32>} : memref<128xi32, #tpu.memory_space<vmem>>, vector<16xi32>,
          tpu.vector_store %arg18[%swap3A_1230], %masked_sort3A_1227 {strides = array<i32>} : memref<128xi32, #tpu.memory_space<vmem>>, vector<16xi32>,
          %select_n3A_1232 = arith.select %or3A_1221, %rev3A_1211, %get3A_1204 : vector<16xi1>, vector<16xf32>
          %select_n3A_1233 = arith.select %or3A_1221, %rev3A_1216, %get3A_1206 : vector<16xi1>, vector<16xi32>
          %masked_sort3A_1234 = arith.constant dense<true> : vector<16xi1>
          %masked_sort3A_1235, %masked_sort3A_1236, %masked_sort3A_1237 = tpu.sort %select_n3A_1232, %select_n3A_1233 masked %masked_sort3A_1234 : (vector<16xf32>, vector<16xi32>, vector<16xi1>) -> (vector<16xi1>, vector<16xf32>, vector<16xi32>)
          %get3A_1238 = arith.constant 48 : index
          %get3A_1239 = tpu.vector_load %arg17[%get3A_1238] {strides = array<i32>} : memref<128xf32, #tpu.memory_space<vmem>>, vector<16xf32>,
          %get3A_1240 = arith.constant 48 : index
          %get3A_1241 = tpu.vector_load %arg18[%get3A_1240] {strides = array<i32>} : memref<128xi32, #tpu.memory_space<vmem>>, vector<16xi32>,
          %rev3A_1242 = arith.constant 15 : i32
          %rev3A_1243 = vector.broadcast %rev3A_1242 : i32 to vector<16xi32>
          %rev3A_1244 = tpu.iota {dimensions = array<i32: 0>} : vector<16xi32>
          %rev3A_1245 = arith.subi %rev3A_1243, %rev3A_1244 : vector<16xi32>
          %rev3A_1246 = tpu.dynamic_gather %masked_sort3A_1236[%rev3A_1245] in [0] : vector<16xf32>, vector<16xi32> -> vector<16xf32>
          %rev3A_1247 = arith.constant 15 : i32
          %rev3A_1248 = vector.broadcast %rev3A_1247 : i32 to vector<16xi32>
          %rev3A_1249 = tpu.iota {dimensions = array<i32: 0>} : vector<16xi32>
          %rev3A_1250 = arith.subi %rev3A_1248, %rev3A_1249 : vector<16xi32>
          %rev3A_1251 = tpu.dynamic_gather %masked_sort3A_1237[%rev3A_1250] in [0] : vector<16xi32>, vector<16xi32> -> vector<16xi32>
          %lt3A_1252 = arith.cmpf olt, %get3A_1239, %rev3A_1246 : vector<16xf32>
          %eq3A_1253 = arith.cmpf oeq, %get3A_1239, %rev3A_1246 : vector<16xf32>
          %lt3A_1254 = arith.cmpi slt, %get3A_1241, %rev3A_1251 : vector<16xi32>
          %and3A_1255 = arith.andi %eq3A_1253, %lt3A_1254 : vector<16xi1>
          %or3A_1256 = arith.ori %lt3A_1252, %and3A_1255 : vector<16xi1>
          %select_n3A_1257 = arith.select %or3A_1256, %get3A_1239, %rev3A_1246 : vector<16xi1>, vector<16xf32>
          %select_n3A_1258 = arith.select %or3A_1256, %get3A_1241, %rev3A_1251 : vector<16xi1>, vector<16xi32>
          %masked_sort3A_1259 = arith.constant dense<true> : vector<16xi1>
          %masked_sort3A_1260, %masked_sort3A_1261, %masked_sort3A_1262 = tpu.sort %select_n3A_1257, %select_n3A_1258 masked %masked_sort3A_1259 : (vector<16xf32>, vector<16xi32>, vector<16xi1>) -> (vector<16xi1>, vector<16xf32>, vector<16xi32>)
          %swap3A_1263 = arith.constant 48 : index
          %swap3A_1264 = tpu.vector_load %arg17[%swap3A_1263] {strides = array<i32>} : memref<128xf32, #tpu.memory_space<vmem>>, vector<16xf32>,
          tpu.vector_store %arg17[%swap3A_1263], %masked_sort3A_1261 {strides = array<i32>} : memref<128xf32, #tpu.memory_space<vmem>>, vector<16xf32>,
          %swap3A_1265 = arith.constant 48 : index
          %swap3A_1266 = tpu.vector_load %arg18[%swap3A_1265] {strides = array<i32>} : memref<128xi32, #tpu.memory_space<vmem>>, vector<16xi32>,
          tpu.vector_store %arg18[%swap3A_1265], %masked_sort3A_1262 {strides = array<i32>} : memref<128xi32, #tpu.memory_space<vmem>>, vector<16xi32>,
          %get3A_1267 = arith.constant 16 : index
          %get3A_1268 = tpu.vector_load %arg19[%get3A_1267] {strides = array<i32>} : memref<384xf32, #tpu.memory_space<vmem>>, vector<16xf32>,
          %swap3A_1269 = arith.constant 0 : index
          %swap3A_1270 = tpu.vector_load %arg19[%swap3A_1269] {strides = array<i32>} : memref<384xf32, #tpu.memory_space<vmem>>, vector<16xf32>,
          tpu.vector_store %arg19[%swap3A_1269], %get3A_1268 {strides = array<i32>} : memref<384xf32, #tpu.memory_space<vmem>>, vector<16xf32>,
          %get3A_1271 = arith.constant 16 : index
          %get3A_1272 = tpu.vector_load %arg20[%get3A_1271] {strides = array<i32>} : memref<384xi32, #tpu.memory_space<vmem>>, vector<16xi32>,
          %swap3A_1273 = arith.constant 0 : index
          %swap3A_1274 = tpu.vector_load %arg20[%swap3A_1273] {strides = array<i32>} : memref<384xi32, #tpu.memory_space<vmem>>, vector<16xi32>,
          tpu.vector_store %arg20[%swap3A_1273], %get3A_1272 {strides = array<i32>} : memref<384xi32, #tpu.memory_space<vmem>>, vector<16xi32>,
          %get3A_1275 = arith.constant 32 : index
          %get3A_1276 = tpu.vector_load %arg19[%get3A_1275] {strides = array<i32>} : memref<384xf32, #tpu.memory_space<vmem>>, vector<16xf32>,
          %swap3A_1277 = arith.constant 16 : index
          %swap3A_1278 = tpu.vector_load %arg19[%swap3A_1277] {strides = array<i32>} : memref<384xf32, #tpu.memory_space<vmem>>, vector<16xf32>,
          tpu.vector_store %arg19[%swap3A_1277], %get3A_1276 {strides = array<i32>} : memref<384xf32, #tpu.memory_space<vmem>>, vector<16xf32>,
          %get3A_1279 = arith.constant 32 : index
          %get3A_1280 = tpu.vector_load %arg20[%get3A_1279] {strides = array<i32>} : memref<384xi32, #tpu.memory_space<vmem>>, vector<16xi32>,
          %swap3A_1281 = arith.constant 16 : index
          %swap3A_1282 = tpu.vector_load %arg20[%swap3A_1281] {strides = array<i32>} : memref<384xi32, #tpu.memory_space<vmem>>, vector<16xi32>,
          tpu.vector_store %arg20[%swap3A_1281], %get3A_1280 {strides = array<i32>} : memref<384xi32, #tpu.memory_space<vmem>>, vector<16xi32>,
          %get3A_1283 = arith.constant 48 : index
          %get3A_1284 = tpu.vector_load %arg19[%get3A_1283] {strides = array<i32>} : memref<384xf32, #tpu.memory_space<vmem>>, vector<16xf32>,
          %swap3A_1285 = arith.constant 32 : index
          %swap3A_1286 = tpu.vector_load %arg19[%swap3A_1285] {strides = array<i32>} : memref<384xf32, #tpu.memory_space<vmem>>, vector<16xf32>,
          tpu.vector_store %arg19[%swap3A_1285], %get3A_1284 {strides = array<i32>} : memref<384xf32, #tpu.memory_space<vmem>>, vector<16xf32>,
          %get3A_1287 = arith.constant 48 : index
          %get3A_1288 = tpu.vector_load %arg20[%get3A_1287] {strides = array<i32>} : memref<384xi32, #tpu.memory_space<vmem>>, vector<16xi32>,
          %swap3A_1289 = arith.constant 32 : index
          %swap3A_1290 = tpu.vector_load %arg20[%swap3A_1289] {strides = array<i32>} : memref<384xi32, #tpu.memory_space<vmem>>, vector<16xi32>,
          tpu.vector_store %arg20[%swap3A_1289], %get3A_1288 {strides = array<i32>} : memref<384xi32, #tpu.memory_space<vmem>>, vector<16xi32>,
          %get3A_1291 = arith.constant 64 : index
          %get3A_1292 = tpu.vector_load %arg19[%get3A_1291] {strides = array<i32>} : memref<384xf32, #tpu.memory_space<vmem>>, vector<16xf32>,
          %swap3A_1293 = arith.constant 48 : index
          %swap3A_1294 = tpu.vector_load %arg19[%swap3A_1293] {strides = array<i32>} : memref<384xf32, #tpu.memory_space<vmem>>, vector<16xf32>,
          tpu.vector_store %arg19[%swap3A_1293], %get3A_1292 {strides = array<i32>} : memref<384xf32, #tpu.memory_space<vmem>>, vector<16xf32>,
          %get3A_1295 = arith.constant 64 : index
          %get3A_1296 = tpu.vector_load %arg20[%get3A_1295] {strides = array<i32>} : memref<384xi32, #tpu.memory_space<vmem>>, vector<16xi32>,
          %swap3A_1297 = arith.constant 48 : index
          %swap3A_1298 = tpu.vector_load %arg20[%swap3A_1297] {strides = array<i32>} : memref<384xi32, #tpu.memory_space<vmem>>, vector<16xi32>,
          tpu.vector_store %arg20[%swap3A_1297], %get3A_1296 {strides = array<i32>} : memref<384xi32, #tpu.memory_space<vmem>>, vector<16xi32>,
          %get3A_1299 = arith.constant 80 : index
          %get3A_1300 = tpu.vector_load %arg19[%get3A_1299] {strides = array<i32>} : memref<384xf32, #tpu.memory_space<vmem>>, vector<16xf32>,
          %swap3A_1301 = arith.constant 64 : index
          %swap3A_1302 = tpu.vector_load %arg19[%swap3A_1301] {strides = array<i32>} : memref<384xf32, #tpu.memory_space<vmem>>, vector<16xf32>,
          tpu.vector_store %arg19[%swap3A_1301], %get3A_1300 {strides = array<i32>} : memref<384xf32, #tpu.memory_space<vmem>>, vector<16xf32>,
          %get3A_1303 = arith.constant 80 : index
          %get3A_1304 = tpu.vector_load %arg20[%get3A_1303] {strides = array<i32>} : memref<384xi32, #tpu.memory_space<vmem>>, vector<16xi32>,
          %swap3A_1305 = arith.constant 64 : index
          %swap3A_1306 = tpu.vector_load %arg20[%swap3A_1305] {strides = array<i32>} : memref<384xi32, #tpu.memory_space<vmem>>, vector<16xi32>,
          tpu.vector_store %arg20[%swap3A_1305], %get3A_1304 {strides = array<i32>} : memref<384xi32, #tpu.memory_space<vmem>>, vector<16xi32>,
          %get3A_1307 = arith.constant 96 : index
          %get3A_1308 = tpu.vector_load %arg19[%get3A_1307] {strides = array<i32>} : memref<384xf32, #tpu.memory_space<vmem>>, vector<16xf32>,
          %swap3A_1309 = arith.constant 80 : index
          %swap3A_1310 = tpu.vector_load %arg19[%swap3A_1309] {strides = array<i32>} : memref<384xf32, #tpu.memory_space<vmem>>, vector<16xf32>,
          tpu.vector_store %arg19[%swap3A_1309], %get3A_1308 {strides = array<i32>} : memref<384xf32, #tpu.memory_space<vmem>>, vector<16xf32>,
          %get3A_1311 = arith.constant 96 : index
          %get3A_1312 = tpu.vector_load %arg20[%get3A_1311] {strides = array<i32>} : memref<384xi32, #tpu.memory_space<vmem>>, vector<16xi32>,
          %swap3A_1313 = arith.constant 80 : index
          %swap3A_1314 = tpu.vector_load %arg20[%swap3A_1313] {strides = array<i32>} : memref<384xi32, #tpu.memory_space<vmem>>, vector<16xi32>,
          tpu.vector_store %arg20[%swap3A_1313], %get3A_1312 {strides = array<i32>} : memref<384xi32, #tpu.memory_space<vmem>>, vector<16xi32>,
          %get3A_1315 = arith.constant 112 : index
          %get3A_1316 = tpu.vector_load %arg19[%get3A_1315] {strides = array<i32>} : memref<384xf32, #tpu.memory_space<vmem>>, vector<16xf32>,
          %swap3A_1317 = arith.constant 96 : index
          %swap3A_1318 = tpu.vector_load %arg19[%swap3A_1317] {strides = array<i32>} : memref<384xf32, #tpu.memory_space<vmem>>, vector<16xf32>,
          tpu.vector_store %arg19[%swap3A_1317], %get3A_1316 {strides = array<i32>} : memref<384xf32, #tpu.memory_space<vmem>>, vector<16xf32>,
          %get3A_1319 = arith.constant 112 : index
          %get3A_1320 = tpu.vector_load %arg20[%get3A_1319] {strides = array<i32>} : memref<384xi32, #tpu.memory_space<vmem>>, vector<16xi32>,
          %swap3A_1321 = arith.constant 96 : index
          %swap3A_1322 = tpu.vector_load %arg20[%swap3A_1321] {strides = array<i32>} : memref<384xi32, #tpu.memory_space<vmem>>, vector<16xi32>,
          tpu.vector_store %arg20[%swap3A_1321], %get3A_1320 {strides = array<i32>} : memref<384xi32, #tpu.memory_space<vmem>>, vector<16xi32>,
          %get3A_1323 = arith.constant 128 : index
          %get3A_1324 = tpu.vector_load %arg19[%get3A_1323] {strides = array<i32>} : memref<384xf32, #tpu.memory_space<vmem>>, vector<16xf32>,
          %swap3A_1325 = arith.constant 112 : index
          %swap3A_1326 = tpu.vector_load %arg19[%swap3A_1325] {strides = array<i32>} : memref<384xf32, #tpu.memory_space<vmem>>, vector<16xf32>,
          tpu.vector_store %arg19[%swap3A_1325], %get3A_1324 {strides = array<i32>} : memref<384xf32, #tpu.memory_space<vmem>>, vector<16xf32>,
          %get3A_1327 = arith.constant 128 : index
          %get3A_1328 = tpu.vector_load %arg20[%get3A_1327] {strides = array<i32>} : memref<384xi32, #tpu.memory_space<vmem>>, vector<16xi32>,
          %swap3A_1329 = arith.constant 112 : index
          %swap3A_1330 = tpu.vector_load %arg20[%swap3A_1329] {strides = array<i32>} : memref<384xi32, #tpu.memory_space<vmem>>, vector<16xi32>,
          tpu.vector_store %arg20[%swap3A_1329], %get3A_1328 {strides = array<i32>} : memref<384xi32, #tpu.memory_space<vmem>>, vector<16xi32>,
          %get3A_1331 = arith.constant 144 : index
          %get3A_1332 = tpu.vector_load %arg19[%get3A_1331] {strides = array<i32>} : memref<384xf32, #tpu.memory_space<vmem>>, vector<16xf32>,
          %swap3A_1333 = arith.constant 128 : index
          %swap3A_1334 = tpu.vector_load %arg19[%swap3A_1333] {strides = array<i32>} : memref<384xf32, #tpu.memory_space<vmem>>, vector<16xf32>,
          tpu.vector_store %arg19[%swap3A_1333], %get3A_1332 {strides = array<i32>} : memref<384xf32, #tpu.memory_space<vmem>>, vector<16xf32>,
          %get3A_1335 = arith.constant 144 : index
          %get3A_1336 = tpu.vector_load %arg20[%get3A_1335] {strides = array<i32>} : memref<384xi32, #tpu.memory_space<vmem>>, vector<16xi32>,
          %swap3A_1337 = arith.constant 128 : index
          %swap3A_1338 = tpu.vector_load %arg20[%swap3A_1337] {strides = array<i32>} : memref<384xi32, #tpu.memory_space<vmem>>, vector<16xi32>,
          tpu.vector_store %arg20[%swap3A_1337], %get3A_1336 {strides = array<i32>} : memref<384xi32, #tpu.memory_space<vmem>>, vector<16xi32>,
          %get3A_1339 = arith.constant 160 : index
          %get3A_1340 = tpu.vector_load %arg19[%get3A_1339] {strides = array<i32>} : memref<384xf32, #tpu.memory_space<vmem>>, vector<16xf32>,
          %swap3A_1341 = arith.constant 144 : index
          %swap3A_1342 = tpu.vector_load %arg19[%swap3A_1341] {strides = array<i32>} : memref<384xf32, #tpu.memory_space<vmem>>, vector<16xf32>,
          tpu.vector_store %arg19[%swap3A_1341], %get3A_1340 {strides = array<i32>} : memref<384xf32, #tpu.memory_space<vmem>>, vector<16xf32>,
          %get3A_1343 = arith.constant 160 : index
          %get3A_1344 = tpu.vector_load %arg20[%get3A_1343] {strides = array<i32>} : memref<384xi32, #tpu.memory_space<vmem>>, vector<16xi32>,
          %swap3A_1345 = arith.constant 144 : index
          %swap3A_1346 = tpu.vector_load %arg20[%swap3A_1345] {strides = array<i32>} : memref<384xi32, #tpu.memory_space<vmem>>, vector<16xi32>,
          tpu.vector_store %arg20[%swap3A_1345], %get3A_1344 {strides = array<i32>} : memref<384xi32, #tpu.memory_space<vmem>>, vector<16xi32>,
          %get3A_1347 = arith.constant 176 : index
          %get3A_1348 = tpu.vector_load %arg19[%get3A_1347] {strides = array<i32>} : memref<384xf32, #tpu.memory_space<vmem>>, vector<16xf32>,
          %swap3A_1349 = arith.constant 160 : index
          %swap3A_1350 = tpu.vector_load %arg19[%swap3A_1349] {strides = array<i32>} : memref<384xf32, #tpu.memory_space<vmem>>, vector<16xf32>,
          tpu.vector_store %arg19[%swap3A_1349], %get3A_1348 {strides = array<i32>} : memref<384xf32, #tpu.memory_space<vmem>>, vector<16xf32>,
          %get3A_1351 = arith.constant 176 : index
          %get3A_1352 = tpu.vector_load %arg20[%get3A_1351] {strides = array<i32>} : memref<384xi32, #tpu.memory_space<vmem>>, vector<16xi32>,
          %swap3A_1353 = arith.constant 160 : index
          %swap3A_1354 = tpu.vector_load %arg20[%swap3A_1353] {strides = array<i32>} : memref<384xi32, #tpu.memory_space<vmem>>, vector<16xi32>,
          tpu.vector_store %arg20[%swap3A_1353], %get3A_1352 {strides = array<i32>} : memref<384xi32, #tpu.memory_space<vmem>>, vector<16xi32>,
          %get3A_1355 = arith.constant 192 : index
          %get3A_1356 = tpu.vector_load %arg19[%get3A_1355] {strides = array<i32>} : memref<384xf32, #tpu.memory_space<vmem>>, vector<16xf32>,
          %swap3A_1357 = arith.constant 176 : index
          %swap3A_1358 = tpu.vector_load %arg19[%swap3A_1357] {strides = array<i32>} : memref<384xf32, #tpu.memory_space<vmem>>, vector<16xf32>,
          tpu.vector_store %arg19[%swap3A_1357], %get3A_1356 {strides = array<i32>} : memref<384xf32, #tpu.memory_space<vmem>>, vector<16xf32>,
          %get3A_1359 = arith.constant 192 : index
          %get3A_1360 = tpu.vector_load %arg20[%get3A_1359] {strides = array<i32>} : memref<384xi32, #tpu.memory_space<vmem>>, vector<16xi32>,
          %swap3A_1361 = arith.constant 176 : index
          %swap3A_1362 = tpu.vector_load %arg20[%swap3A_1361] {strides = array<i32>} : memref<384xi32, #tpu.memory_space<vmem>>, vector<16xi32>,
          tpu.vector_store %arg20[%swap3A_1361], %get3A_1360 {strides = array<i32>} : memref<384xi32, #tpu.memory_space<vmem>>, vector<16xi32>,
          %get3A_1363 = arith.constant 208 : index
          %get3A_1364 = tpu.vector_load %arg19[%get3A_1363] {strides = array<i32>} : memref<384xf32, #tpu.memory_space<vmem>>, vector<16xf32>,
          %swap3A_1365 = arith.constant 192 : index
          %swap3A_1366 = tpu.vector_load %arg19[%swap3A_1365] {strides = array<i32>} : memref<384xf32, #tpu.memory_space<vmem>>, vector<16xf32>,
          tpu.vector_store %arg19[%swap3A_1365], %get3A_1364 {strides = array<i32>} : memref<384xf32, #tpu.memory_space<vmem>>, vector<16xf32>,
          %get3A_1367 = arith.constant 208 : index
          %get3A_1368 = tpu.vector_load %arg20[%get3A_1367] {strides = array<i32>} : memref<384xi32, #tpu.memory_space<vmem>>, vector<16xi32>,
          %swap3A_1369 = arith.constant 192 : index
          %swap3A_1370 = tpu.vector_load %arg20[%swap3A_1369] {strides = array<i32>} : memref<384xi32, #tpu.memory_space<vmem>>, vector<16xi32>,
          tpu.vector_store %arg20[%swap3A_1369], %get3A_1368 {strides = array<i32>} : memref<384xi32, #tpu.memory_space<vmem>>, vector<16xi32>,
          %get3A_1371 = arith.constant 224 : index
          %get3A_1372 = tpu.vector_load %arg19[%get3A_1371] {strides = array<i32>} : memref<384xf32, #tpu.memory_space<vmem>>, vector<16xf32>,
          %swap3A_1373 = arith.constant 208 : index
          %swap3A_1374 = tpu.vector_load %arg19[%swap3A_1373] {strides = array<i32>} : memref<384xf32, #tpu.memory_space<vmem>>, vector<16xf32>,
          tpu.vector_store %arg19[%swap3A_1373], %get3A_1372 {strides = array<i32>} : memref<384xf32, #tpu.memory_space<vmem>>, vector<16xf32>,
          %get3A_1375 = arith.constant 224 : index
          %get3A_1376 = tpu.vector_load %arg20[%get3A_1375] {strides = array<i32>} : memref<384xi32, #tpu.memory_space<vmem>>, vector<16xi32>,
          %swap3A_1377 = arith.constant 208 : index
          %swap3A_1378 = tpu.vector_load %arg20[%swap3A_1377] {strides = array<i32>} : memref<384xi32, #tpu.memory_space<vmem>>, vector<16xi32>,
          tpu.vector_store %arg20[%swap3A_1377], %get3A_1376 {strides = array<i32>} : memref<384xi32, #tpu.memory_space<vmem>>, vector<16xi32>,
          %get3A_1379 = arith.constant 240 : index
          %get3A_1380 = tpu.vector_load %arg19[%get3A_1379] {strides = array<i32>} : memref<384xf32, #tpu.memory_space<vmem>>, vector<16xf32>,
          %swap3A_1381 = arith.constant 224 : index
          %swap3A_1382 = tpu.vector_load %arg19[%swap3A_1381] {strides = array<i32>} : memref<384xf32, #tpu.memory_space<vmem>>, vector<16xf32>,
          tpu.vector_store %arg19[%swap3A_1381], %get3A_1380 {strides = array<i32>} : memref<384xf32, #tpu.memory_space<vmem>>, vector<16xf32>,
          %get3A_1383 = arith.constant 240 : index
          %get3A_1384 = tpu.vector_load %arg20[%get3A_1383] {strides = array<i32>} : memref<384xi32, #tpu.memory_space<vmem>>, vector<16xi32>,
          %swap3A_1385 = arith.constant 224 : index
          %swap3A_1386 = tpu.vector_load %arg20[%swap3A_1385] {strides = array<i32>} : memref<384xi32, #tpu.memory_space<vmem>>, vector<16xi32>,
          tpu.vector_store %arg20[%swap3A_1385], %get3A_1384 {strides = array<i32>} : memref<384xi32, #tpu.memory_space<vmem>>, vector<16xi32>,
          %get3A_1387 = arith.constant 256 : index
          %get3A_1388 = tpu.vector_load %arg19[%get3A_1387] {strides = array<i32>} : memref<384xf32, #tpu.memory_space<vmem>>, vector<16xf32>,
          %swap3A_1389 = arith.constant 240 : index
          %swap3A_1390 = tpu.vector_load %arg19[%swap3A_1389] {strides = array<i32>} : memref<384xf32, #tpu.memory_space<vmem>>, vector<16xf32>,
          tpu.vector_store %arg19[%swap3A_1389], %get3A_1388 {strides = array<i32>} : memref<384xf32, #tpu.memory_space<vmem>>, vector<16xf32>,
          %get3A_1391 = arith.constant 256 : index
          %get3A_1392 = tpu.vector_load %arg20[%get3A_1391] {strides = array<i32>} : memref<384xi32, #tpu.memory_space<vmem>>, vector<16xi32>,
          %swap3A_1393 = arith.constant 240 : index
          %swap3A_1394 = tpu.vector_load %arg20[%swap3A_1393] {strides = array<i32>} : memref<384xi32, #tpu.memory_space<vmem>>, vector<16xi32>,
          tpu.vector_store %arg20[%swap3A_1393], %get3A_1392 {strides = array<i32>} : memref<384xi32, #tpu.memory_space<vmem>>, vector<16xi32>,
          %get3A_1395 = arith.constant 272 : index
          %get3A_1396 = tpu.vector_load %arg19[%get3A_1395] {strides = array<i32>} : memref<384xf32, #tpu.memory_space<vmem>>, vector<16xf32>,
          %swap3A_1397 = arith.constant 256 : index
          %swap3A_1398 = tpu.vector_load %arg19[%swap3A_1397] {strides = array<i32>} : memref<384xf32, #tpu.memory_space<vmem>>, vector<16xf32>,
          tpu.vector_store %arg19[%swap3A_1397], %get3A_1396 {strides = array<i32>} : memref<384xf32, #tpu.memory_space<vmem>>, vector<16xf32>,
          %get3A_1399 = arith.constant 272 : index
          %get3A_1400 = tpu.vector_load %arg20[%get3A_1399] {strides = array<i32>} : memref<384xi32, #tpu.memory_space<vmem>>, vector<16xi32>,
          %swap3A_1401 = arith.constant 256 : index
          %swap3A_1402 = tpu.vector_load %arg20[%swap3A_1401] {strides = array<i32>} : memref<384xi32, #tpu.memory_space<vmem>>, vector<16xi32>,
          tpu.vector_store %arg20[%swap3A_1401], %get3A_1400 {strides = array<i32>} : memref<384xi32, #tpu.memory_space<vmem>>, vector<16xi32>,
          %broadcast_in_dim3A_1403 = arith.constant 63 : i32
          %broadcast_in_dim3A_1404 = vector.broadcast %broadcast_in_dim3A_1403 : i32 to vector<16xi32>
          %gather3A_1405 = tpu.vector_load_idx %arg17[%broadcast_in_dim3A_1404] : memref<128xf32, #tpu.memory_space<vmem>>[vector<16xi32>], vector<16xf32>,
          %sub3A_1406 = arith.constant 16 : i32
          %sub3A_1407 = vector.broadcast %sub3A_1406 : i32 to vector<16xi32>
          %sub3A_1408 = arith.subi %while3A_1123, %sub3A_1407 : vector<16xi32>
          scf.yield %sub3A_1408, %gather3A_1405 : vector<16xi32>, vector<16xf32>
        }
        scf.yield %while3A#0, %while3A#1 : vector<16xi32>, vector<16xf32>
      }
      %scan3A_131 = arith.constant 64 : i32
      %get3A = arith.constant 0 : index
      %get3A_132 = tpu.vector_load %arg19[%get3A] {strides = array<i32>} : memref<384xf32, #tpu.memory_space<vmem>>, vector<16xf32>,
      %get3A_133 = arith.constant 0 : index
      %get3A_134 = tpu.vector_load %arg20[%get3A_133] {strides = array<i32>} : memref<384xi32, #tpu.memory_space<vmem>>, vector<16xi32>,
      %lt3A = arith.cmpi slt, %iota3A, %scan3A_130#0 : vector<16xi32>
      %jit3A_135 = arith.constant 0x7F800000 : f32
      %broadcast_in_dim3A_136 = vector.broadcast %jit3A_135 : f32 to vector<16xf32>
      %select_n3A_137 = arith.select %lt3A, %get3A_132, %broadcast_in_dim3A_136 : vector<16xi1>, vector<16xf32>
      %jit3A_138 = arith.constant 2147483647 : i32
      %broadcast_in_dim3A_139 = vector.broadcast %jit3A_138 : i32 to vector<16xi32>
      %select_n3A_140 = arith.select %lt3A, %get3A_134, %broadcast_in_dim3A_139 : vector<16xi1>, vector<16xi32>
      %masked_sort3A = arith.constant dense<true> : vector<16xi1>
      %masked_sort3A_141, %masked_sort3A_142, %masked_sort3A_143 = tpu.sort %select_n3A_137, %select_n3A_140 masked %masked_sort3A : (vector<16xf32>, vector<16xi32>, vector<16xi1>) -> (vector<16xi1>, vector<16xf32>, vector<16xi32>)
      %get3A_144 = arith.constant 0 : index
      %get3A_145 = tpu.vector_load %arg17[%get3A_144] {strides = array<i32>} : memref<128xf32, #tpu.memory_space<vmem>>, vector<16xf32>,
      %get3A_146 = arith.constant 0 : index
      %get3A_147 = tpu.vector_load %arg18[%get3A_146] {strides = array<i32>} : memref<128xi32, #tpu.memory_space<vmem>>, vector<16xi32>,
      %rev3A = arith.constant 15 : i32
      %rev3A_148 = vector.broadcast %rev3A : i32 to vector<16xi32>
      %rev3A_149 = tpu.iota {dimensions = array<i32: 0>} : vector<16xi32>
      %rev3A_150 = arith.subi %rev3A_148, %rev3A_149 : vector<16xi32>
      %rev3A_151 = tpu.dynamic_gather %masked_sort3A_142[%rev3A_150] in [0] : vector<16xf32>, vector<16xi32> -> vector<16xf32>
      %rev3A_152 = arith.constant 15 : i32
      %rev3A_153 = vector.broadcast %rev3A_152 : i32 to vector<16xi32>
      %rev3A_154 = tpu.iota {dimensions = array<i32: 0>} : vector<16xi32>
      %rev3A_155 = arith.subi %rev3A_153, %rev3A_154 : vector<16xi32>
      %rev3A_156 = tpu.dynamic_gather %masked_sort3A_143[%rev3A_155] in [0] : vector<16xi32>, vector<16xi32> -> vector<16xi32>
      %lt3A_157 = arith.cmpf olt, %get3A_145, %rev3A_151 : vector<16xf32>
      %eq3A = arith.cmpf oeq, %get3A_145, %rev3A_151 : vector<16xf32>
      %lt3A_158 = arith.cmpi slt, %get3A_147, %rev3A_156 : vector<16xi32>
      %and3A_159 = arith.andi %eq3A, %lt3A_158 : vector<16xi1>
      %or3A = arith.ori %lt3A_157, %and3A_159 : vector<16xi1>
      %select_n3A_160 = arith.select %or3A, %get3A_145, %rev3A_151 : vector<16xi1>, vector<16xf32>
      %select_n3A_161 = arith.select %or3A, %get3A_147, %rev3A_156 : vector<16xi1>, vector<16xi32>
      %masked_sort3A_162 = arith.constant dense<true> : vector<16xi1>
      %masked_sort3A_163, %masked_sort3A_164, %masked_sort3A_165 = tpu.sort %select_n3A_160, %select_n3A_161 masked %masked_sort3A_162 : (vector<16xf32>, vector<16xi32>, vector<16xi1>) -> (vector<16xi1>, vector<16xf32>, vector<16xi32>)
      %swap3A_166 = arith.constant 0 : index
      %swap3A_167 = tpu.vector_load %arg17[%swap3A_166] {strides = array<i32>} : memref<128xf32, #tpu.memory_space<vmem>>, vector<16xf32>,
      tpu.vector_store %arg17[%swap3A_166], %masked_sort3A_164 {strides = array<i32>} : memref<128xf32, #tpu.memory_space<vmem>>, vector<16xf32>,
      %swap3A_168 = arith.constant 0 : index
      %swap3A_169 = tpu.vector_load %arg18[%swap3A_168] {strides = array<i32>} : memref<128xi32, #tpu.memory_space<vmem>>, vector<16xi32>,
      tpu.vector_store %arg18[%swap3A_168], %masked_sort3A_165 {strides = array<i32>} : memref<128xi32, #tpu.memory_space<vmem>>, vector<16xi32>,
      %select_n3A_170 = arith.select %or3A, %rev3A_151, %get3A_145 : vector<16xi1>, vector<16xf32>
      %select_n3A_171 = arith.select %or3A, %rev3A_156, %get3A_147 : vector<16xi1>, vector<16xi32>
      %masked_sort3A_172 = arith.constant dense<true> : vector<16xi1>
      %masked_sort3A_173, %masked_sort3A_174, %masked_sort3A_175 = tpu.sort %select_n3A_170, %select_n3A_171 masked %masked_sort3A_172 : (vector<16xf32>, vector<16xi32>, vector<16xi1>) -> (vector<16xi1>, vector<16xf32>, vector<16xi32>)
      %get3A_176 = arith.constant 16 : index
      %get3A_177 = tpu.vector_load %arg17[%get3A_176] {strides = array<i32>} : memref<128xf32, #tpu.memory_space<vmem>>, vector<16xf32>,
      %get3A_178 = arith.constant 16 : index
      %get3A_179 = tpu.vector_load %arg18[%get3A_178] {strides = array<i32>} : memref<128xi32, #tpu.memory_space<vmem>>, vector<16xi32>,
      %rev3A_180 = arith.constant 15 : i32
      %rev3A_181 = vector.broadcast %rev3A_180 : i32 to vector<16xi32>
      %rev3A_182 = tpu.iota {dimensions = array<i32: 0>} : vector<16xi32>
      %rev3A_183 = arith.subi %rev3A_181, %rev3A_182 : vector<16xi32>
      %rev3A_184 = tpu.dynamic_gather %masked_sort3A_174[%rev3A_183] in [0] : vector<16xf32>, vector<16xi32> -> vector<16xf32>
      %rev3A_185 = arith.constant 15 : i32
      %rev3A_186 = vector.broadcast %rev3A_185 : i32 to vector<16xi32>
      %rev3A_187 = tpu.iota {dimensions = array<i32: 0>} : vector<16xi32>
      %rev3A_188 = arith.subi %rev3A_186, %rev3A_187 : vector<16xi32>
      %rev3A_189 = tpu.dynamic_gather %masked_sort3A_175[%rev3A_188] in [0] : vector<16xi32>, vector<16xi32> -> vector<16xi32>
      %lt3A_190 = arith.cmpf olt, %get3A_177, %rev3A_184 : vector<16xf32>
      %eq3A_191 = arith.cmpf oeq, %get3A_177, %rev3A_184 : vector<16xf32>
      %lt3A_192 = arith.cmpi slt, %get3A_179, %rev3A_189 : vector<16xi32>
      %and3A_193 = arith.andi %eq3A_191, %lt3A_192 : vector<16xi1>
      %or3A_194 = arith.ori %lt3A_190, %and3A_193 : vector<16xi1>
      %select_n3A_195 = arith.select %or3A_194, %get3A_177, %rev3A_184 : vector<16xi1>, vector<16xf32>
      %select_n3A_196 = arith.select %or3A_194, %get3A_179, %rev3A_189 : vector<16xi1>, vector<16xi32>
      %masked_sort3A_197 = arith.constant dense<true> : vector<16xi1>
      %masked_sort3A_198, %masked_sort3A_199, %masked_sort3A_200 = tpu.sort %select_n3A_195, %select_n3A_196 masked %masked_sort3A_197 : (vector<16xf32>, vector<16xi32>, vector<16xi1>) -> (vector<16xi1>, vector<16xf32>, vector<16xi32>)
      %swap3A_201 = arith.constant 16 : index
      %swap3A_202 = tpu.vector_load %arg17[%swap3A_201] {strides = array<i32>} : memref<128xf32, #tpu.memory_space<vmem>>, vector<16xf32>,
      tpu.vector_store %arg17[%swap3A_201], %masked_sort3A_199 {strides = array<i32>} : memref<128xf32, #tpu.memory_space<vmem>>, vector<16xf32>,
      %swap3A_203 = arith.constant 16 : index
      %swap3A_204 = tpu.vector_load %arg18[%swap3A_203] {strides = array<i32>} : memref<128xi32, #tpu.memory_space<vmem>>, vector<16xi32>,
      tpu.vector_store %arg18[%swap3A_203], %masked_sort3A_200 {strides = array<i32>} : memref<128xi32, #tpu.memory_space<vmem>>, vector<16xi32>,
      %select_n3A_205 = arith.select %or3A_194, %rev3A_184, %get3A_177 : vector<16xi1>, vector<16xf32>
      %select_n3A_206 = arith.select %or3A_194, %rev3A_189, %get3A_179 : vector<16xi1>, vector<16xi32>
      %masked_sort3A_207 = arith.constant dense<true> : vector<16xi1>
      %masked_sort3A_208, %masked_sort3A_209, %masked_sort3A_210 = tpu.sort %select_n3A_205, %select_n3A_206 masked %masked_sort3A_207 : (vector<16xf32>, vector<16xi32>, vector<16xi1>) -> (vector<16xi1>, vector<16xf32>, vector<16xi32>)
      %get3A_211 = arith.constant 32 : index
      %get3A_212 = tpu.vector_load %arg17[%get3A_211] {strides = array<i32>} : memref<128xf32, #tpu.memory_space<vmem>>, vector<16xf32>,
      %get3A_213 = arith.constant 32 : index
      %get3A_214 = tpu.vector_load %arg18[%get3A_213] {strides = array<i32>} : memref<128xi32, #tpu.memory_space<vmem>>, vector<16xi32>,
      %rev3A_215 = arith.constant 15 : i32
      %rev3A_216 = vector.broadcast %rev3A_215 : i32 to vector<16xi32>
      %rev3A_217 = tpu.iota {dimensions = array<i32: 0>} : vector<16xi32>
      %rev3A_218 = arith.subi %rev3A_216, %rev3A_217 : vector<16xi32>
      %rev3A_219 = tpu.dynamic_gather %masked_sort3A_209[%rev3A_218] in [0] : vector<16xf32>, vector<16xi32> -> vector<16xf32>
      %rev3A_220 = arith.constant 15 : i32
      %rev3A_221 = vector.broadcast %rev3A_220 : i32 to vector<16xi32>
      %rev3A_222 = tpu.iota {dimensions = array<i32: 0>} : vector<16xi32>
      %rev3A_223 = arith.subi %rev3A_221, %rev3A_222 : vector<16xi32>
      %rev3A_224 = tpu.dynamic_gather %masked_sort3A_210[%rev3A_223] in [0] : vector<16xi32>, vector<16xi32> -> vector<16xi32>
      %lt3A_225 = arith.cmpf olt, %get3A_212, %rev3A_219 : vector<16xf32>
      %eq3A_226 = arith.cmpf oeq, %get3A_212, %rev3A_219 : vector<16xf32>
      %lt3A_227 = arith.cmpi slt, %get3A_214, %rev3A_224 : vector<16xi32>
      %and3A_228 = arith.andi %eq3A_226, %lt3A_227 : vector<16xi1>
      %or3A_229 = arith.ori %lt3A_225, %and3A_228 : vector<16xi1>
      %select_n3A_230 = arith.select %or3A_229, %get3A_212, %rev3A_219 : vector<16xi1>, vector<16xf32>
      %select_n3A_231 = arith.select %or3A_229, %get3A_214, %rev3A_224 : vector<16xi1>, vector<16xi32>
      %masked_sort3A_232 = arith.constant dense<true> : vector<16xi1>
      %masked_sort3A_233, %masked_sort3A_234, %masked_sort3A_235 = tpu.sort %select_n3A_230, %select_n3A_231 masked %masked_sort3A_232 : (vector<16xf32>, vector<16xi32>, vector<16xi1>) -> (vector<16xi1>, vector<16xf32>, vector<16xi32>)
      %swap3A_236 = arith.constant 32 : index
      %swap3A_237 = tpu.vector_load %arg17[%swap3A_236] {strides = array<i32>} : memref<128xf32, #tpu.memory_space<vmem>>, vector<16xf32>,
      tpu.vector_store %arg17[%swap3A_236], %masked_sort3A_234 {strides = array<i32>} : memref<128xf32, #tpu.memory_space<vmem>>, vector<16xf32>,
      %swap3A_238 = arith.constant 32 : index
      %swap3A_239 = tpu.vector_load %arg18[%swap3A_238] {strides = array<i32>} : memref<128xi32, #tpu.memory_space<vmem>>, vector<16xi32>,
      tpu.vector_store %arg18[%swap3A_238], %masked_sort3A_235 {strides = array<i32>} : memref<128xi32, #tpu.memory_space<vmem>>, vector<16xi32>,
      %select_n3A_240 = arith.select %or3A_229, %rev3A_219, %get3A_212 : vector<16xi1>, vector<16xf32>
      %select_n3A_241 = arith.select %or3A_229, %rev3A_224, %get3A_214 : vector<16xi1>, vector<16xi32>
      %masked_sort3A_242 = arith.constant dense<true> : vector<16xi1>
      %masked_sort3A_243, %masked_sort3A_244, %masked_sort3A_245 = tpu.sort %select_n3A_240, %select_n3A_241 masked %masked_sort3A_242 : (vector<16xf32>, vector<16xi32>, vector<16xi1>) -> (vector<16xi1>, vector<16xf32>, vector<16xi32>)
      %get3A_246 = arith.constant 48 : index
      %get3A_247 = tpu.vector_load %arg17[%get3A_246] {strides = array<i32>} : memref<128xf32, #tpu.memory_space<vmem>>, vector<16xf32>,
      %get3A_248 = arith.constant 48 : index
      %get3A_249 = tpu.vector_load %arg18[%get3A_248] {strides = array<i32>} : memref<128xi32, #tpu.memory_space<vmem>>, vector<16xi32>,
      %rev3A_250 = arith.constant 15 : i32
      %rev3A_251 = vector.broadcast %rev3A_250 : i32 to vector<16xi32>
      %rev3A_252 = tpu.iota {dimensions = array<i32: 0>} : vector<16xi32>
      %rev3A_253 = arith.subi %rev3A_251, %rev3A_252 : vector<16xi32>
      %rev3A_254 = tpu.dynamic_gather %masked_sort3A_244[%rev3A_253] in [0] : vector<16xf32>, vector<16xi32> -> vector<16xf32>
      %rev3A_255 = arith.constant 15 : i32
      %rev3A_256 = vector.broadcast %rev3A_255 : i32 to vector<16xi32>
      %rev3A_257 = tpu.iota {dimensions = array<i32: 0>} : vector<16xi32>
      %rev3A_258 = arith.subi %rev3A_256, %rev3A_257 : vector<16xi32>
      %rev3A_259 = tpu.dynamic_gather %masked_sort3A_245[%rev3A_258] in [0] : vector<16xi32>, vector<16xi32> -> vector<16xi32>
      %lt3A_260 = arith.cmpf olt, %get3A_247, %rev3A_254 : vector<16xf32>
      %eq3A_261 = arith.cmpf oeq, %get3A_247, %rev3A_254 : vector<16xf32>
      %lt3A_262 = arith.cmpi slt, %get3A_249, %rev3A_259 : vector<16xi32>
      %and3A_263 = arith.andi %eq3A_261, %lt3A_262 : vector<16xi1>
      %or3A_264 = arith.ori %lt3A_260, %and3A_263 : vector<16xi1>
      %select_n3A_265 = arith.select %or3A_264, %get3A_247, %rev3A_254 : vector<16xi1>, vector<16xf32>
      %select_n3A_266 = arith.select %or3A_264, %get3A_249, %rev3A_259 : vector<16xi1>, vector<16xi32>
      %masked_sort3A_267 = arith.constant dense<true> : vector<16xi1>
      %masked_sort3A_268, %masked_sort3A_269, %masked_sort3A_270 = tpu.sort %select_n3A_265, %select_n3A_266 masked %masked_sort3A_267 : (vector<16xf32>, vector<16xi32>, vector<16xi1>) -> (vector<16xi1>, vector<16xf32>, vector<16xi32>)
      %swap3A_271 = arith.constant 48 : index
      %swap3A_272 = tpu.vector_load %arg17[%swap3A_271] {strides = array<i32>} : memref<128xf32, #tpu.memory_space<vmem>>, vector<16xf32>,
      tpu.vector_store %arg17[%swap3A_271], %masked_sort3A_269 {strides = array<i32>} : memref<128xf32, #tpu.memory_space<vmem>>, vector<16xf32>,
      %swap3A_273 = arith.constant 48 : index
      %swap3A_274 = tpu.vector_load %arg18[%swap3A_273] {strides = array<i32>} : memref<128xi32, #tpu.memory_space<vmem>>, vector<16xi32>,
      tpu.vector_store %arg18[%swap3A_273], %masked_sort3A_270 {strides = array<i32>} : memref<128xi32, #tpu.memory_space<vmem>>, vector<16xi32>,
      %get3A_275 = arith.constant 0 : index
      %get3A_276 = tpu.vector_load %arg18[%get3A_275] {strides = array<i32>} : memref<128xi32, #tpu.memory_space<vmem>>, vector<16xi32>,
      %get3A_277 = arith.constant 0 : index
      %get3A_278 = tpu.vector_load %arg17[%get3A_277] {strides = array<i32>} : memref<128xf32, #tpu.memory_space<vmem>>, vector<16xf32>,
      %add3A_279 = arith.constant 0 : i32
      %add3A_280 = vector.broadcast %add3A_279 : i32 to vector<16xi32>
      %add3A_281 = arith.addi %add3A_280, %iota3A : vector<16xi32>
      %add3A_282 = arith.constant 1 : i32
      %add3A_283 = vector.broadcast %add3A_282 : i32 to vector<16xi32>
      %add3A_284 = arith.addi %add3A_281, %add3A_283 : vector<16xi32>
      %min3A = arith.constant 63 : i32
      %min3A_285 = vector.broadcast %min3A : i32 to vector<16xi32>
      %min3A_286 = arith.minsi %add3A_284, %min3A_285 : vector<16xi32>
      %add3A_287 = arith.constant 0 : i32
      %add3A_288 = vector.broadcast %add3A_287 : i32 to vector<16xi32>
      %add3A_289 = arith.addi %add3A_288, %iota3A : vector<16xi32>
      %sub3A = arith.constant 1 : i32
      %sub3A_290 = vector.broadcast %sub3A : i32 to vector<16xi32>
      %sub3A_291 = arith.subi %add3A_289, %sub3A_290 : vector<16xi32>
      %max3A = arith.constant 0 : i32
      %max3A_292 = vector.broadcast %max3A : i32 to vector<16xi32>
      %max3A_293 = arith.maxsi %sub3A_291, %max3A_292 : vector<16xi32>
      %gather3A_294 = tpu.vector_load_idx %arg17[%min3A_286] : memref<128xf32, #tpu.memory_space<vmem>>[vector<16xi32>], vector<16xf32>,
      %gather3A_295 = tpu.vector_load_idx %arg18[%min3A_286] : memref<128xi32, #tpu.memory_space<vmem>>[vector<16xi32>], vector<16xi32>,
      %gather3A_296 = tpu.vector_load_idx %arg17[%max3A_293] : memref<128xf32, #tpu.memory_space<vmem>>[vector<16xi32>], vector<16xf32>,
      %gather3A_297 = tpu.vector_load_idx %arg18[%max3A_293] : memref<128xi32, #tpu.memory_space<vmem>>[vector<16xi32>], vector<16xi32>,
      %eq3A_298 = arith.cmpf oeq, %get3A_278, %gather3A_294 : vector<16xf32>
      %gt3A = arith.cmpi sgt, %get3A_276, %gather3A_295 : vector<16xi32>
      %and3A_299 = arith.andi %eq3A_298, %gt3A : vector<16xi1>
      %select_n3A_300 = arith.select %and3A_299, %gather3A_295, %get3A_276 : vector<16xi1>, vector<16xi32>
      %eq3A_301 = arith.cmpf oeq, %get3A_278, %gather3A_296 : vector<16xf32>
      %lt3A_302 = arith.cmpi slt, %get3A_276, %gather3A_297 : vector<16xi32>
      %and3A_303 = arith.andi %eq3A_301, %lt3A_302 : vector<16xi1>
      %select_n3A_304 = arith.select %and3A_303, %gather3A_297, %select_n3A_300 : vector<16xi1>, vector<16xi32>
      %gather3A_305 = tpu.vector_load_idx %arg9[%select_n3A_304] : memref<16384xf32, #tpu.memory_space<vmem>>[vector<16xi32>], vector<16xf32>,
      %sub3A_306 = arith.subf %gather3A_305, %select_n3A : vector<16xf32>
      %gather3A_307 = tpu.vector_load_idx %arg10[%select_n3A_304] : memref<16384xf32, #tpu.memory_space<vmem>>[vector<16xi32>], vector<16xf32>,
      %sub3A_308 = arith.subf %gather3A_307, %select_n3A_39 : vector<16xf32>
      %gather3A_309 = tpu.vector_load_idx %arg11[%select_n3A_304] : memref<16384xf32, #tpu.memory_space<vmem>>[vector<16xi32>], vector<16xf32>,
      %sub3A_310 = arith.subf %gather3A_309, %select_n3A_43 : vector<16xf32>
      %mul3A_311 = arith.constant 64 : i32
      %mul3A_312 = arith.muli %scan3A_30, %mul3A_311 : i32
      %add3A_313 = arith.constant 0 : i32
      %add3A_314 = arith.addi %mul3A_312, %add3A_313 : i32
      %add3A_315 = vector.broadcast %add3A_314 : i32 to vector<16xi32>
      %add3A_316 = arith.addi %add3A_315, %iota3A : vector<16xi32>
      %mul3A_317 = arith.constant 3 : i32
      %mul3A_318 = vector.broadcast %mul3A_317 : i32 to vector<16xi32>
      %mul3A_319 = arith.muli %add3A_316, %mul3A_318 : vector<16xi32>
      tpu.vector_store_idx %arg21[%mul3A_319], %sub3A_306 : memref<6144xf32, #tpu.memory_space<vmem>>[vector<16xi32>], vector<16xf32>,
      %add3A_320 = arith.constant 1 : i32
      %add3A_321 = vector.broadcast %add3A_320 : i32 to vector<16xi32>
      %add3A_322 = arith.addi %mul3A_319, %add3A_321 : vector<16xi32>
      tpu.vector_store_idx %arg21[%add3A_322], %sub3A_308 : memref<6144xf32, #tpu.memory_space<vmem>>[vector<16xi32>], vector<16xf32>,
      %add3A_323 = arith.constant 2 : i32
      %add3A_324 = vector.broadcast %add3A_323 : i32 to vector<16xi32>
      %add3A_325 = arith.addi %mul3A_319, %add3A_324 : vector<16xi32>
      tpu.vector_store_idx %arg21[%add3A_325], %sub3A_310 : memref<6144xf32, #tpu.memory_space<vmem>>[vector<16xi32>], vector<16xf32>,
      %mul3A_326 = arith.constant 64 : i32
      %mul3A_327 = arith.muli %scan3A_30, %mul3A_326 : i32
      %add3A_328 = arith.constant 0 : i32
      %add3A_329 = arith.addi %mul3A_327, %add3A_328 : i32
      %swap3A_330 = arith.index_cast %add3A_329 : i32 to index
      %swap3A_331 = tpu.vector_load %arg23[%swap3A_330] {strides = array<i32>} : memref<2048xi32, #tpu.memory_space<vmem>>, vector<16xi32>,
      tpu.vector_store %arg23[%swap3A_330], %select_n3A_304 {strides = array<i32>} : memref<2048xi32, #tpu.memory_space<vmem>>, vector<16xi32>,
      %get3A_332 = arith.constant 16 : index
      %get3A_333 = tpu.vector_load %arg18[%get3A_332] {strides = array<i32>} : memref<128xi32, #tpu.memory_space<vmem>>, vector<16xi32>,
      %get3A_334 = arith.constant 16 : index
      %get3A_335 = tpu.vector_load %arg17[%get3A_334] {strides = array<i32>} : memref<128xf32, #tpu.memory_space<vmem>>, vector<16xf32>,
      %add3A_336 = arith.constant 16 : i32
      %add3A_337 = vector.broadcast %add3A_336 : i32 to vector<16xi32>
      %add3A_338 = arith.addi %add3A_337, %iota3A : vector<16xi32>
      %add3A_339 = arith.constant 1 : i32
      %add3A_340 = vector.broadcast %add3A_339 : i32 to vector<16xi32>
      %add3A_341 = arith.addi %add3A_338, %add3A_340 : vector<16xi32>
      %min3A_342 = arith.constant 63 : i32
      %min3A_343 = vector.broadcast %min3A_342 : i32 to vector<16xi32>
      %min3A_344 = arith.minsi %add3A_341, %min3A_343 : vector<16xi32>
      %add3A_345 = arith.constant 16 : i32
      %add3A_346 = vector.broadcast %add3A_345 : i32 to vector<16xi32>
      %add3A_347 = arith.addi %add3A_346, %iota3A : vector<16xi32>
      %sub3A_348 = arith.constant 1 : i32
      %sub3A_349 = vector.broadcast %sub3A_348 : i32 to vector<16xi32>
      %sub3A_350 = arith.subi %add3A_347, %sub3A_349 : vector<16xi32>
      %max3A_351 = arith.constant 0 : i32
      %max3A_352 = vector.broadcast %max3A_351 : i32 to vector<16xi32>
      %max3A_353 = arith.maxsi %sub3A_350, %max3A_352 : vector<16xi32>
      %gather3A_354 = tpu.vector_load_idx %arg17[%min3A_344] : memref<128xf32, #tpu.memory_space<vmem>>[vector<16xi32>], vector<16xf32>,
      %gather3A_355 = tpu.vector_load_idx %arg18[%min3A_344] : memref<128xi32, #tpu.memory_space<vmem>>[vector<16xi32>], vector<16xi32>,
      %gather3A_356 = tpu.vector_load_idx %arg17[%max3A_353] : memref<128xf32, #tpu.memory_space<vmem>>[vector<16xi32>], vector<16xf32>,
      %gather3A_357 = tpu.vector_load_idx %arg18[%max3A_353] : memref<128xi32, #tpu.memory_space<vmem>>[vector<16xi32>], vector<16xi32>,
      %eq3A_358 = arith.cmpf oeq, %get3A_335, %gather3A_354 : vector<16xf32>
      %gt3A_359 = arith.cmpi sgt, %get3A_333, %gather3A_355 : vector<16xi32>
      %and3A_360 = arith.andi %eq3A_358, %gt3A_359 : vector<16xi1>
      %select_n3A_361 = arith.select %and3A_360, %gather3A_355, %get3A_333 : vector<16xi1>, vector<16xi32>
      %eq3A_362 = arith.cmpf oeq, %get3A_335, %gather3A_356 : vector<16xf32>
      %lt3A_363 = arith.cmpi slt, %get3A_333, %gather3A_357 : vector<16xi32>
      %and3A_364 = arith.andi %eq3A_362, %lt3A_363 : vector<16xi1>
      %select_n3A_365 = arith.select %and3A_364, %gather3A_357, %select_n3A_361 : vector<16xi1>, vector<16xi32>
      %gather3A_366 = tpu.vector_load_idx %arg9[%select_n3A_365] : memref<16384xf32, #tpu.memory_space<vmem>>[vector<16xi32>], vector<16xf32>,
      %sub3A_367 = arith.subf %gather3A_366, %select_n3A : vector<16xf32>
      %gather3A_368 = tpu.vector_load_idx %arg10[%select_n3A_365] : memref<16384xf32, #tpu.memory_space<vmem>>[vector<16xi32>], vector<16xf32>,
      %sub3A_369 = arith.subf %gather3A_368, %select_n3A_39 : vector<16xf32>
      %gather3A_370 = tpu.vector_load_idx %arg11[%select_n3A_365] : memref<16384xf32, #tpu.memory_space<vmem>>[vector<16xi32>], vector<16xf32>,
      %sub3A_371 = arith.subf %gather3A_370, %select_n3A_43 : vector<16xf32>
      %mul3A_372 = arith.constant 64 : i32
      %mul3A_373 = arith.muli %scan3A_30, %mul3A_372 : i32
      %add3A_374 = arith.constant 16 : i32
      %add3A_375 = arith.addi %mul3A_373, %add3A_374 : i32
      %add3A_376 = vector.broadcast %add3A_375 : i32 to vector<16xi32>
      %add3A_377 = arith.addi %add3A_376, %iota3A : vector<16xi32>
      %mul3A_378 = arith.constant 3 : i32
      %mul3A_379 = vector.broadcast %mul3A_378 : i32 to vector<16xi32>
      %mul3A_380 = arith.muli %add3A_377, %mul3A_379 : vector<16xi32>
      tpu.vector_store_idx %arg21[%mul3A_380], %sub3A_367 : memref<6144xf32, #tpu.memory_space<vmem>>[vector<16xi32>], vector<16xf32>,
      %add3A_381 = arith.constant 1 : i32
      %add3A_382 = vector.broadcast %add3A_381 : i32 to vector<16xi32>
      %add3A_383 = arith.addi %mul3A_380, %add3A_382 : vector<16xi32>
      tpu.vector_store_idx %arg21[%add3A_383], %sub3A_369 : memref<6144xf32, #tpu.memory_space<vmem>>[vector<16xi32>], vector<16xf32>,
      %add3A_384 = arith.constant 2 : i32
      %add3A_385 = vector.broadcast %add3A_384 : i32 to vector<16xi32>
      %add3A_386 = arith.addi %mul3A_380, %add3A_385 : vector<16xi32>
      tpu.vector_store_idx %arg21[%add3A_386], %sub3A_371 : memref<6144xf32, #tpu.memory_space<vmem>>[vector<16xi32>], vector<16xf32>,
      %mul3A_387 = arith.constant 64 : i32
      %mul3A_388 = arith.muli %scan3A_30, %mul3A_387 : i32
      %add3A_389 = arith.constant 16 : i32
      %add3A_390 = arith.addi %mul3A_388, %add3A_389 : i32
      %swap3A_391 = arith.index_cast %add3A_390 : i32 to index
      %swap3A_392 = tpu.vector_load %arg23[%swap3A_391] {strides = array<i32>} : memref<2048xi32, #tpu.memory_space<vmem>>, vector<16xi32>,
      tpu.vector_store %arg23[%swap3A_391], %select_n3A_365 {strides = array<i32>} : memref<2048xi32, #tpu.memory_space<vmem>>, vector<16xi32>,
      %get3A_393 = arith.constant 32 : index
      %get3A_394 = tpu.vector_load %arg18[%get3A_393] {strides = array<i32>} : memref<128xi32, #tpu.memory_space<vmem>>, vector<16xi32>,
      %get3A_395 = arith.constant 32 : index
      %get3A_396 = tpu.vector_load %arg17[%get3A_395] {strides = array<i32>} : memref<128xf32, #tpu.memory_space<vmem>>, vector<16xf32>,
      %add3A_397 = arith.constant 32 : i32
      %add3A_398 = vector.broadcast %add3A_397 : i32 to vector<16xi32>
      %add3A_399 = arith.addi %add3A_398, %iota3A : vector<16xi32>
      %add3A_400 = arith.constant 1 : i32
      %add3A_401 = vector.broadcast %add3A_400 : i32 to vector<16xi32>
      %add3A_402 = arith.addi %add3A_399, %add3A_401 : vector<16xi32>
      %min3A_403 = arith.constant 63 : i32
      %min3A_404 = vector.broadcast %min3A_403 : i32 to vector<16xi32>
      %min3A_405 = arith.minsi %add3A_402, %min3A_404 : vector<16xi32>
      %add3A_406 = arith.constant 32 : i32
      %add3A_407 = vector.broadcast %add3A_406 : i32 to vector<16xi32>
      %add3A_408 = arith.addi %add3A_407, %iota3A : vector<16xi32>
      %sub3A_409 = arith.constant 1 : i32
      %sub3A_410 = vector.broadcast %sub3A_409 : i32 to vector<16xi32>
      %sub3A_411 = arith.subi %add3A_408, %sub3A_410 : vector<16xi32>
      %max3A_412 = arith.constant 0 : i32
      %max3A_413 = vector.broadcast %max3A_412 : i32 to vector<16xi32>
      %max3A_414 = arith.maxsi %sub3A_411, %max3A_413 : vector<16xi32>
      %gather3A_415 = tpu.vector_load_idx %arg17[%min3A_405] : memref<128xf32, #tpu.memory_space<vmem>>[vector<16xi32>], vector<16xf32>,
      %gather3A_416 = tpu.vector_load_idx %arg18[%min3A_405] : memref<128xi32, #tpu.memory_space<vmem>>[vector<16xi32>], vector<16xi32>,
      %gather3A_417 = tpu.vector_load_idx %arg17[%max3A_414] : memref<128xf32, #tpu.memory_space<vmem>>[vector<16xi32>], vector<16xf32>,
      %gather3A_418 = tpu.vector_load_idx %arg18[%max3A_414] : memref<128xi32, #tpu.memory_space<vmem>>[vector<16xi32>], vector<16xi32>,
      %eq3A_419 = arith.cmpf oeq, %get3A_396, %gather3A_415 : vector<16xf32>
      %gt3A_420 = arith.cmpi sgt, %get3A_394, %gather3A_416 : vector<16xi32>
      %and3A_421 = arith.andi %eq3A_419, %gt3A_420 : vector<16xi1>
      %select_n3A_422 = arith.select %and3A_421, %gather3A_416, %get3A_394 : vector<16xi1>, vector<16xi32>
      %eq3A_423 = arith.cmpf oeq, %get3A_396, %gather3A_417 : vector<16xf32>
      %lt3A_424 = arith.cmpi slt, %get3A_394, %gather3A_418 : vector<16xi32>
      %and3A_425 = arith.andi %eq3A_423, %lt3A_424 : vector<16xi1>
      %select_n3A_426 = arith.select %and3A_425, %gather3A_418, %select_n3A_422 : vector<16xi1>, vector<16xi32>
      %gather3A_427 = tpu.vector_load_idx %arg9[%select_n3A_426] : memref<16384xf32, #tpu.memory_space<vmem>>[vector<16xi32>], vector<16xf32>,
      %sub3A_428 = arith.subf %gather3A_427, %select_n3A : vector<16xf32>
      %gather3A_429 = tpu.vector_load_idx %arg10[%select_n3A_426] : memref<16384xf32, #tpu.memory_space<vmem>>[vector<16xi32>], vector<16xf32>,
      %sub3A_430 = arith.subf %gather3A_429, %select_n3A_39 : vector<16xf32>
      %gather3A_431 = tpu.vector_load_idx %arg11[%select_n3A_426] : memref<16384xf32, #tpu.memory_space<vmem>>[vector<16xi32>], vector<16xf32>,
      %sub3A_432 = arith.subf %gather3A_431, %select_n3A_43 : vector<16xf32>
      %mul3A_433 = arith.constant 64 : i32
      %mul3A_434 = arith.muli %scan3A_30, %mul3A_433 : i32
      %add3A_435 = arith.constant 32 : i32
      %add3A_436 = arith.addi %mul3A_434, %add3A_435 : i32
      %add3A_437 = vector.broadcast %add3A_436 : i32 to vector<16xi32>
      %add3A_438 = arith.addi %add3A_437, %iota3A : vector<16xi32>
      %mul3A_439 = arith.constant 3 : i32
      %mul3A_440 = vector.broadcast %mul3A_439 : i32 to vector<16xi32>
      %mul3A_441 = arith.muli %add3A_438, %mul3A_440 : vector<16xi32>
      tpu.vector_store_idx %arg21[%mul3A_441], %sub3A_428 : memref<6144xf32, #tpu.memory_space<vmem>>[vector<16xi32>], vector<16xf32>,
      %add3A_442 = arith.constant 1 : i32
      %add3A_443 = vector.broadcast %add3A_442 : i32 to vector<16xi32>
      %add3A_444 = arith.addi %mul3A_441, %add3A_443 : vector<16xi32>
      tpu.vector_store_idx %arg21[%add3A_444], %sub3A_430 : memref<6144xf32, #tpu.memory_space<vmem>>[vector<16xi32>], vector<16xf32>,
      %add3A_445 = arith.constant 2 : i32
      %add3A_446 = vector.broadcast %add3A_445 : i32 to vector<16xi32>
      %add3A_447 = arith.addi %mul3A_441, %add3A_446 : vector<16xi32>
      tpu.vector_store_idx %arg21[%add3A_447], %sub3A_432 : memref<6144xf32, #tpu.memory_space<vmem>>[vector<16xi32>], vector<16xf32>,
      %mul3A_448 = arith.constant 64 : i32
      %mul3A_449 = arith.muli %scan3A_30, %mul3A_448 : i32
      %add3A_450 = arith.constant 32 : i32
      %add3A_451 = arith.addi %mul3A_449, %add3A_450 : i32
      %swap3A_452 = arith.index_cast %add3A_451 : i32 to index
      %swap3A_453 = tpu.vector_load %arg23[%swap3A_452] {strides = array<i32>} : memref<2048xi32, #tpu.memory_space<vmem>>, vector<16xi32>,
      tpu.vector_store %arg23[%swap3A_452], %select_n3A_426 {strides = array<i32>} : memref<2048xi32, #tpu.memory_space<vmem>>, vector<16xi32>,
      %get3A_454 = arith.constant 48 : index
      %get3A_455 = tpu.vector_load %arg18[%get3A_454] {strides = array<i32>} : memref<128xi32, #tpu.memory_space<vmem>>, vector<16xi32>,
      %get3A_456 = arith.constant 48 : index
      %get3A_457 = tpu.vector_load %arg17[%get3A_456] {strides = array<i32>} : memref<128xf32, #tpu.memory_space<vmem>>, vector<16xf32>,
      %add3A_458 = arith.constant 48 : i32
      %add3A_459 = vector.broadcast %add3A_458 : i32 to vector<16xi32>
      %add3A_460 = arith.addi %add3A_459, %iota3A : vector<16xi32>
      %add3A_461 = arith.constant 1 : i32
      %add3A_462 = vector.broadcast %add3A_461 : i32 to vector<16xi32>
      %add3A_463 = arith.addi %add3A_460, %add3A_462 : vector<16xi32>
      %min3A_464 = arith.constant 63 : i32
      %min3A_465 = vector.broadcast %min3A_464 : i32 to vector<16xi32>
      %min3A_466 = arith.minsi %add3A_463, %min3A_465 : vector<16xi32>
      %add3A_467 = arith.constant 48 : i32
      %add3A_468 = vector.broadcast %add3A_467 : i32 to vector<16xi32>
      %add3A_469 = arith.addi %add3A_468, %iota3A : vector<16xi32>
      %sub3A_470 = arith.constant 1 : i32
      %sub3A_471 = vector.broadcast %sub3A_470 : i32 to vector<16xi32>
      %sub3A_472 = arith.subi %add3A_469, %sub3A_471 : vector<16xi32>
      %max3A_473 = arith.constant 0 : i32
      %max3A_474 = vector.broadcast %max3A_473 : i32 to vector<16xi32>
      %max3A_475 = arith.maxsi %sub3A_472, %max3A_474 : vector<16xi32>
      %gather3A_476 = tpu.vector_load_idx %arg17[%min3A_466] : memref<128xf32, #tpu.memory_space<vmem>>[vector<16xi32>], vector<16xf32>,
      %gather3A_477 = tpu.vector_load_idx %arg18[%min3A_466] : memref<128xi32, #tpu.memory_space<vmem>>[vector<16xi32>], vector<16xi32>,
      %gather3A_478 = tpu.vector_load_idx %arg17[%max3A_475] : memref<128xf32, #tpu.memory_space<vmem>>[vector<16xi32>], vector<16xf32>,
      %gather3A_479 = tpu.vector_load_idx %arg18[%max3A_475] : memref<128xi32, #tpu.memory_space<vmem>>[vector<16xi32>], vector<16xi32>,
      %eq3A_480 = arith.cmpf oeq, %get3A_457, %gather3A_476 : vector<16xf32>
      %gt3A_481 = arith.cmpi sgt, %get3A_455, %gather3A_477 : vector<16xi32>
      %and3A_482 = arith.andi %eq3A_480, %gt3A_481 : vector<16xi1>
      %select_n3A_483 = arith.select %and3A_482, %gather3A_477, %get3A_455 : vector<16xi1>, vector<16xi32>
      %eq3A_484 = arith.cmpf oeq, %get3A_457, %gather3A_478 : vector<16xf32>
      %lt3A_485 = arith.cmpi slt, %get3A_455, %gather3A_479 : vector<16xi32>
      %and3A_486 = arith.andi %eq3A_484, %lt3A_485 : vector<16xi1>
      %select_n3A_487 = arith.select %and3A_486, %gather3A_479, %select_n3A_483 : vector<16xi1>, vector<16xi32>
      %gather3A_488 = tpu.vector_load_idx %arg9[%select_n3A_487] : memref<16384xf32, #tpu.memory_space<vmem>>[vector<16xi32>], vector<16xf32>,
      %sub3A_489 = arith.subf %gather3A_488, %select_n3A : vector<16xf32>
      %gather3A_490 = tpu.vector_load_idx %arg10[%select_n3A_487] : memref<16384xf32, #tpu.memory_space<vmem>>[vector<16xi32>], vector<16xf32>,
      %sub3A_491 = arith.subf %gather3A_490, %select_n3A_39 : vector<16xf32>
      %gather3A_492 = tpu.vector_load_idx %arg11[%select_n3A_487] : memref<16384xf32, #tpu.memory_space<vmem>>[vector<16xi32>], vector<16xf32>,
      %sub3A_493 = arith.subf %gather3A_492, %select_n3A_43 : vector<16xf32>
      %mul3A_494 = arith.constant 64 : i32
      %mul3A_495 = arith.muli %scan3A_30, %mul3A_494 : i32
      %add3A_496 = arith.constant 48 : i32
      %add3A_497 = arith.addi %mul3A_495, %add3A_496 : i32
      %add3A_498 = vector.broadcast %add3A_497 : i32 to vector<16xi32>
      %add3A_499 = arith.addi %add3A_498, %iota3A : vector<16xi32>
      %mul3A_500 = arith.constant 3 : i32
      %mul3A_501 = vector.broadcast %mul3A_500 : i32 to vector<16xi32>
      %mul3A_502 = arith.muli %add3A_499, %mul3A_501 : vector<16xi32>
      tpu.vector_store_idx %arg21[%mul3A_502], %sub3A_489 : memref<6144xf32, #tpu.memory_space<vmem>>[vector<16xi32>], vector<16xf32>,
      %add3A_503 = arith.constant 1 : i32
      %add3A_504 = vector.broadcast %add3A_503 : i32 to vector<16xi32>
      %add3A_505 = arith.addi %mul3A_502, %add3A_504 : vector<16xi32>
      tpu.vector_store_idx %arg21[%add3A_505], %sub3A_491 : memref<6144xf32, #tpu.memory_space<vmem>>[vector<16xi32>], vector<16xf32>,
      %add3A_506 = arith.constant 2 : i32
      %add3A_507 = vector.broadcast %add3A_506 : i32 to vector<16xi32>
      %add3A_508 = arith.addi %mul3A_502, %add3A_507 : vector<16xi32>
      tpu.vector_store_idx %arg21[%add3A_508], %sub3A_493 : memref<6144xf32, #tpu.memory_space<vmem>>[vector<16xi32>], vector<16xf32>,
      %mul3A_509 = arith.constant 64 : i32
      %mul3A_510 = arith.muli %scan3A_30, %mul3A_509 : i32
      %add3A_511 = arith.constant 48 : i32
      %add3A_512 = arith.addi %mul3A_510, %add3A_511 : i32
      %swap3A_513 = arith.index_cast %add3A_512 : i32 to index
      %swap3A_514 = tpu.vector_load %arg23[%swap3A_513] {strides = array<i32>} : memref<2048xi32, #tpu.memory_space<vmem>>, vector<16xi32>,
      tpu.vector_store %arg23[%swap3A_513], %select_n3A_487 {strides = array<i32>} : memref<2048xi32, #tpu.memory_space<vmem>>, vector<16xi32>,
      %eq3A_515 = arith.constant 0 : i32
      %eq3A_516 = vector.broadcast %eq3A_515 : i32 to vector<16xi32>
      %eq3A_517 = arith.cmpi eq, %iota3A, %eq3A_516 : vector<16xi32>
      %mul3A_518 = arith.constant 3 : i32
      %mul3A_519 = arith.muli %mul3A_518, %scan3A_30 : i32
      %broadcast_in_dim3A_520 = vector.broadcast %mul3A_519 : i32 to vector<16xi32>
      tpu.vector_store_idx %arg22[%broadcast_in_dim3A_520], %select_n3A masked %eq3A_517 : memref<128xf32, #tpu.memory_space<vmem>>[vector<16xi32>], vector<16xf32>, vector<16xi1>
      %mul3A_521 = arith.constant 3 : i32
      %mul3A_522 = arith.muli %mul3A_521, %scan3A_30 : i32
      %add3A_523 = arith.constant 1 : i32
      %add3A_524 = arith.addi %mul3A_522, %add3A_523 : i32
      %broadcast_in_dim3A_525 = vector.broadcast %add3A_524 : i32 to vector<16xi32>
      tpu.vector_store_idx %arg22[%broadcast_in_dim3A_525], %select_n3A_39 masked %eq3A_517 : memref<128xf32, #tpu.memory_space<vmem>>[vector<16xi32>], vector<16xf32>, vector<16xi1>
      %mul3A_526 = arith.constant 3 : i32
      %mul3A_527 = arith.muli %mul3A_526, %scan3A_30 : i32
      %add3A_528 = arith.constant 2 : i32
      %add3A_529 = arith.addi %mul3A_527, %add3A_528 : i32
      %broadcast_in_dim3A_530 = vector.broadcast %add3A_529 : i32 to vector<16xi32>
      tpu.vector_store_idx %arg22[%broadcast_in_dim3A_530], %select_n3A_43 masked %eq3A_517 : memref<128xf32, #tpu.memory_space<vmem>>[vector<16xi32>], vector<16xf32>, vector<16xi1>
      %scan3A_531 = arith.constant 0 : i32
      scf.yield %scan3A_531 : i32
    }
    %scan3A_15 = arith.constant 32 : i32
    %mul3A_16 = arith.constant 32 : i32
    %mul3A_17 = arith.muli %add3A, %mul3A_16 : i32
    %mul3A_18 = arith.constant 64 : i32
    %mul3A_19 = arith.muli %mul3A_17, %mul3A_18 : i32
    %mul3A_20 = arith.constant 3 : i32
    %mul3A_21 = arith.muli %mul3A_19, %mul3A_20 : i32
    "tpu.region"() ({
      %run_scoped3A = tpu.sem_alloc : memref<!tpu.dma_semaphore, #tpu.memory_space<semaphore_mem>>
      %dma_start3A = tpu.memref_slice %arg6[%mul3A_21] : memref<196608xf32, #tpu.memory_space<hbm>> -> memref<6144xf32, #tpu.memory_space<hbm>>
      %dma_start3A_30 = tpu.memref_slice %arg6[%mul3A_21] : memref<196608xf32, #tpu.memory_space<hbm>> -> memref<6144xf32, #tpu.memory_space<hbm>>
      tpu.enqueue_dma source(%arg21 : memref<6144xf32, #tpu.memory_space<vmem>>) target(%dma_start3A_30 : memref<6144xf32, #tpu.memory_space<hbm>>) target_semaphore(%run_scoped3A : memref<!tpu.dma_semaphore, #tpu.memory_space<semaphore_mem>>)
      %dma_wait3A = tpu.memref_slice %arg6[%mul3A_21] : memref<196608xf32, #tpu.memory_space<hbm>> -> memref<6144xf32, #tpu.memory_space<hbm>>
      %dma_wait3A_31 = tpu.memref_slice %arg6[%mul3A_21] : memref<196608xf32, #tpu.memory_space<hbm>> -> memref<6144xf32, #tpu.memory_space<hbm>>
      tpu.wait_dma2 semaphore(%run_scoped3A : memref<!tpu.dma_semaphore, #tpu.memory_space<semaphore_mem>>) src(%arg21 : memref<6144xf32, #tpu.memory_space<vmem>>) dst(%dma_wait3A_31 : memref<6144xf32, #tpu.memory_space<hbm>>)
      tpu.yield
    }) : () -> ()
    %mul3A_22 = arith.constant 32 : i32
    %mul3A_23 = arith.muli %add3A, %mul3A_22 : i32
    %mul3A_24 = arith.constant 3 : i32
    %mul3A_25 = arith.muli %mul3A_23, %mul3A_24 : i32
    "tpu.region"() ({
      %run_scoped3A = tpu.sem_alloc : memref<!tpu.dma_semaphore, #tpu.memory_space<semaphore_mem>>
      %dma_start3A = arith.constant 0 : i32
      %dma_start3A_30 = tpu.memref_slice %arg22[%dma_start3A] : memref<128xf32, #tpu.memory_space<vmem>> -> memref<96xf32, #tpu.memory_space<vmem>>
      %dma_start3A_31 = tpu.memref_slice %arg7[%mul3A_25] : memref<3072xf32, #tpu.memory_space<hbm>> -> memref<96xf32, #tpu.memory_space<hbm>>
      %dma_start3A_32 = tpu.memref_slice %arg7[%mul3A_25] : memref<3072xf32, #tpu.memory_space<hbm>> -> memref<96xf32, #tpu.memory_space<hbm>>
      %dma_start3A_33 = arith.constant 0 : i32
      %dma_start3A_34 = tpu.memref_slice %arg22[%dma_start3A_33] : memref<128xf32, #tpu.memory_space<vmem>> -> memref<96xf32, #tpu.memory_space<vmem>>
      tpu.enqueue_dma source(%dma_start3A_34 : memref<96xf32, #tpu.memory_space<vmem>>) target(%dma_start3A_32 : memref<96xf32, #tpu.memory_space<hbm>>) target_semaphore(%run_scoped3A : memref<!tpu.dma_semaphore, #tpu.memory_space<semaphore_mem>>)
      %dma_wait3A = arith.constant 0 : i32
      %dma_wait3A_35 = tpu.memref_slice %arg22[%dma_wait3A] : memref<128xf32, #tpu.memory_space<vmem>> -> memref<96xf32, #tpu.memory_space<vmem>>
      %dma_wait3A_36 = tpu.memref_slice %arg7[%mul3A_25] : memref<3072xf32, #tpu.memory_space<hbm>> -> memref<96xf32, #tpu.memory_space<hbm>>
      %dma_wait3A_37 = tpu.memref_slice %arg7[%mul3A_25] : memref<3072xf32, #tpu.memory_space<hbm>> -> memref<96xf32, #tpu.memory_space<hbm>>
      %dma_wait3A_38 = arith.constant 0 : i32
      %dma_wait3A_39 = tpu.memref_slice %arg22[%dma_wait3A_38] : memref<128xf32, #tpu.memory_space<vmem>> -> memref<96xf32, #tpu.memory_space<vmem>>
      tpu.wait_dma2 semaphore(%run_scoped3A : memref<!tpu.dma_semaphore, #tpu.memory_space<semaphore_mem>>) src(%dma_wait3A_39 : memref<96xf32, #tpu.memory_space<vmem>>) dst(%dma_wait3A_37 : memref<96xf32, #tpu.memory_space<hbm>>)
      tpu.yield
    }) : () -> ()
    %mul3A_26 = arith.constant 32 : i32
    %mul3A_27 = arith.muli %add3A, %mul3A_26 : i32
    %mul3A_28 = arith.constant 64 : i32
    %mul3A_29 = arith.muli %mul3A_27, %mul3A_28 : i32
    "tpu.region"() ({
      %run_scoped3A = tpu.sem_alloc : memref<!tpu.dma_semaphore, #tpu.memory_space<semaphore_mem>>
      %dma_start3A = tpu.memref_slice %arg8[%mul3A_29] : memref<65536xi32, #tpu.memory_space<hbm>> -> memref<2048xi32, #tpu.memory_space<hbm>>
      %dma_start3A_30 = tpu.memref_slice %arg8[%mul3A_29] : memref<65536xi32, #tpu.memory_space<hbm>> -> memref<2048xi32, #tpu.memory_space<hbm>>
      tpu.enqueue_dma source(%arg23 : memref<2048xi32, #tpu.memory_space<vmem>>) target(%dma_start3A_30 : memref<2048xi32, #tpu.memory_space<hbm>>) target_semaphore(%run_scoped3A : memref<!tpu.dma_semaphore, #tpu.memory_space<semaphore_mem>>)
      %dma_wait3A = tpu.memref_slice %arg8[%mul3A_29] : memref<65536xi32, #tpu.memory_space<hbm>> -> memref<2048xi32, #tpu.memory_space<hbm>>
      %dma_wait3A_31 = tpu.memref_slice %arg8[%mul3A_29] : memref<65536xi32, #tpu.memory_space<hbm>> -> memref<2048xi32, #tpu.memory_space<hbm>>
      tpu.wait_dma2 semaphore(%run_scoped3A : memref<!tpu.dma_semaphore, #tpu.memory_space<semaphore_mem>>) src(%arg23 : memref<2048xi32, #tpu.memory_space<vmem>>) dst(%dma_wait3A_31 : memref<2048xi32, #tpu.memory_space<hbm>>)
      tpu.yield
    }) : () -> ()
    return
  }
}

</mosaic_0001>

<sc_bundles>
// kernel: kernel.3.cloned.1.call-start
scs
__scs_entry_jumppad:
0x0: {  	(pc) =	sbr.rel $0x88, $3  }
0x1: {  	(tag) =	ssettag $0x0;
	lr =	simm.s32 $0x1  }
0x2: {  	[smem:$0x3F9F] =	sst lr;
	_ =	strace $0xD0000000  }
0x3: {  	_ = 	snop  }
0x4: {  	_ = 	snop  }
0x5: {  	_ = 	snop  }
0x6: {  	_ = 	snop  }
0x7: {  	_ = 	snop  }
__scs_overlays_trampoline_lowered:
0x8: {  	[smem:$0x3FAE] =	sst s0  }
0x9: {  	[smem:$0x3FAF] =	sst s1  }
0xa: {  	[smem:$0x3FB0] =	sst s2  }
0xb: {  	[smem:$0x3FB1] =	sst s3  }
0xc: {  	[smem:$0x3FB2] =	sst s4  }
0xd: {  	[smem:$0x3FB3] =	sst s5  }
0xe: {  	[smem:$0x3FB4] =	sst s6  }
0xf: {  	[smem:$0x3FB5] =	sst s7  }
0x10: {  	[smem:$0x3FB6] =	sst s8  }
0x11: {  	[smem:$0x3FB7] =	sst s9;
	s0 =	simm.s32 @!p0 $0x0  }
0x12: {  	s1 =	sld [smem:$0x3F9D];
	s0 =	simm.s32 @p0 $0x1  }
0x13: {  	[smem:$0x3FB8] =	sst s0;
	s0 =	simm.s32 @!p1 $0x0  }
0x14: {  	s2 =	sld [smem:$0x3F9C];
	s0 =	simm.s32 @p1 $0x1  }
0x15: {  	[smem:$0x3FB9] =	sst s0;
	s0 =	simm.s32 @!p2 $0x0  }
0x16: {  	s3 =	sld [smem:$0x3FDB];
	s0 =	simm.s32 @p2 $0x1  }
0x17: {  	s4 =	simm.s32 $0x1BF5;
	[smem:$0x3FBB] =	sst s0  }
0x18: {  	s0 =	sld [smem:$0x3F9E];
	_ =	swait.ge [sflag:s4], $0x0  }
0x19: {  	s7 =	sld [smem:$0x3F9F]  }
0x1a: {  	s8 =	sadd.s32 $0xFFFFE003, lr  }
0x1b: {  	s9 =	sadd.s32 $0xFFFFFEF7, lr;
	s5 =	simm.s32 $0xFFFFFFFF;
	p2 =	slt.u32 s8, $0xFFFFF086  }
0x1c: {  	p1 =	slt.u32 s9, $0xF7A;
	s5 =	simm.s32 @!p2 $0x0  }
0x1d: {  	s5 =	simm.s32 @p1 $0x1;
	p0 =	seq.s32 s7, s2  }
0x1e: {  	s7 =	smul.u32 @!p0 $0xF7A, s2;
	p2 =	seq.s32 @!p0 s5, $0x0  }
0x1f: {  	s9 =	smul.u32 $0xF7A, s1;
	s8 =	simm.s32 @!p0 $0x1BF5;
	p2 =	por !p2, p0  }
0x20: {  	[sflag:s8] =	ssyncset.s32 @!p0 $0xFFFFF086;
	s6 =	sadd.s32 @!p0 s3, s7;
	s7 =	simm.s32 @!p0 $0x108  }
0x21: {  	s3 =	sadd.s32 s3, s9;
	s6 =	sadd.s32 @!p0 $0x88, s6;
	s7 =	simm.s32 @p2 $0x1082  }
0x22: {  	[simem:s7], [sflag:s8] =	dma.local @!p0 [hbm:s6], $0xF7A  }
0x23: {  	s9 =	sor.u32 $0xD0000000, s2;
	s6 =	simm.s32 $0x108;
	_ =	swait.ge @!p0 [sflag:s8], $0x0  }
0x24: {  	s3 =	sadd.s32 $0x88, s3;
	s6 =	simm.s32 @!p1 $0x1082;
	[sflag:s4] =	ssyncset.s32 $0xFFFFF086  }
0x25: {  	[simem:s6], [sflag:s4] =	dma.local [hbm:s3], $0xF7A  }
0x26: {  	[smem:$0x3F9F] =	sst s1;
	(tag) =	ssettag s2;
	_ =	strace s9  }
0x27: {  	s1 =	sld [smem:$0x3FAF]  }
0x28: {  	s2 =	sld [smem:$0x3FB0]  }
0x29: {  	s4 =	sld [smem:$0x3FB2]  }
0x2a: {  	p0 =	seq.s32 s5, $0x0;
	s5 =	sld [smem:$0x3FB3]  }
0x2b: {  	s6 =	sld [smem:$0x3FB4]  }
0x2c: {  	s7 =	sld [smem:$0x3FB5]  }
0x2d: {  	s3 =	simm.s32 $0x108;
	s8 =	sld [smem:$0x3FB6]  }
0x2e: {  	s3 =	simm.s32 @!p0 $0x1082;
	s9 =	sld [smem:$0x3FB7]  }
0x2f: {  	lr =	sadd.s32 s0, s3;
	s0 =	sld [smem:$0x3FAE]  }
0x30: {  	s3 =	sld [smem:$0x3FB1]  }
0x31: {  	[smem:$0x3FBA] =	sst s10  }
0x32: {  	s10 =	sld [smem:$0x3FB8];
	_ =	sdelay $0x3  }
0x33: {  	p0 =	seq.s32 s10, $0x1;
	s10 =	sld [smem:$0x3FBA];
	_ =	sdelay $0x3  }
0x34: {  	[smem:$0x3FBA] =	sst s10  }
0x35: {  	s10 =	sld [smem:$0x3FB9];
	_ =	sdelay $0x3  }
0x36: {  	p1 =	seq.s32 s10, $0x1;
	s10 =	sld [smem:$0x3FBA];
	_ =	sdelay $0x3  }
0x37: {  	[smem:$0x3FBA] =	sst s10  }
0x38: {  	s10 =	sld [smem:$0x3FBB]  }
0x39: {  	_ = 	snop;
	(pc) =	sbr.ind lr, $3  }
0x3a: {  	_ = 	snop  }
0x3b: {  	_ = 	snop  }
0x3c: {  	p2 =	seq.s32 s10, $0x1;
	s10 =	sld [smem:$0x3FBA]  }
0x3d: {  	_ =	shalt  }
0x3e: {  	_ =	shalt  }
0x3f: {  	_ =	shalt  }
0x40: {  	_ =	shalt  }
0x41: {  	_ =	shalt  }
0x42: {  	_ =	shalt  }
0x43: {  	_ =	shalt  }
0x44: {  	_ =	shalt  }
0x45: {  	_ =	shalt  }
0x46: {  	_ =	shalt  }
0x47: {  	_ =	shalt  }
0x48: {  	_ =	shalt  }
0x49: {  	_ =	shalt  }
0x4a: {  	_ =	shalt  }
0x4b: {  	_ =	shalt  }
0x4c: {  	_ =	shalt  }
0x4d: {  	_ =	shalt  }
0x4e: {  	_ =	shalt  }
0x4f: {  	_ =	shalt  }
0x50: {  	_ =	shalt  }
0x51: {  	_ =	shalt  }
0x52: {  	_ =	shalt  }
0x53: {  	_ =	shalt  }
0x54: {  	_ =	shalt  }
0x55: {  	_ =	shalt  }
0x56: {  	_ =	shalt  }
0x57: {  	_ =	shalt  }
0x58: {  	_ =	shalt  }
0x59: {  	_ =	shalt  }
0x5a: {  	_ =	shalt  }
0x5b: {  	_ =	shalt  }
0x5c: {  	_ =	shalt  }
0x5d: {  	_ =	shalt  }
0x5e: {  	_ =	shalt  }
0x5f: {  	_ =	shalt  }
0x60: {  	_ =	shalt  }
0x61: {  	_ =	shalt  }
0x62: {  	_ =	shalt  }
0x63: {  	_ =	shalt  }
0x64: {  	_ =	shalt  }
0x65: {  	_ =	shalt  }
0x66: {  	_ =	shalt  }
0x67: {  	_ =	shalt  }
0x68: {  	_ =	shalt  }
0x69: {  	_ =	shalt  }
0x6a: {  	_ =	shalt  }
0x6b: {  	_ =	shalt  }
0x6c: {  	_ =	shalt  }
0x6d: {  	_ =	shalt  }
0x6e: {  	_ =	shalt  }
0x6f: {  	_ =	shalt  }
0x70: {  	_ =	shalt  }
0x71: {  	_ =	shalt  }
0x72: {  	_ =	shalt  }
0x73: {  	_ =	shalt  }
0x74: {  	_ =	shalt  }
0x75: {  	_ =	shalt  }
0x76: {  	_ =	shalt  }
0x77: {  	_ =	shalt  }
0x78: {  	_ =	shalt  }
0x79: {  	_ =	shalt  }
0x7a: {  	_ =	shalt  }
0x7b: {  	_ =	shalt  }
0x7c: {  	_ =	shalt  }
0x7d: {  	_ =	shalt  }
0x7e: {  	_ =	shalt  }
0x7f: {  	_ =	shalt  }
0x80: {  	_ =	shalt  }
0x81: {  	_ =	shalt  }
0x82: {  	_ =	shalt  }
0x83: {  	_ =	shalt  }
0x84: {  	_ =	shalt  }
0x85: {  	_ =	shalt  }
0x86: {  	_ =	shalt  }
0x87: {  	_ =	shalt  }
.Lfunc_end0:
.L_simem_size_0:
called_computation_lowered:
.L_overlay_start_0:
0x88: {  	s2 =	sld [smem:$0x3FD9]  }
0x89: {  	s3 =	sld [smem:$0x3FFE];
	_ =	sdelay $0x1  }
0x8a: {  	s1 =	srdreg.scid  }
0x8b: {  	s0 =	sand.u32 $0x1, s1  }
0x8c: {  	s14 =	sshll.u32 s0, $0xA;
	s2 =	sadd.s32 s3, s2  }
0x8d: {  	s2 =	sadd.s32 s2, s14  }
0x8e: {  	[smem:$0x3FC6] =	sst s2  }
0x8f: {  	_ = 	snop  }
0x90: {  	s2 =	sld [smem:$0x3FD0];
	_ =	sdelay $0x2  }
0x91: {  	s4 =	simm.s32 $0xA;
	s5 =	simm.s32 $0x10;
	s15 =	sld [smem:$0x3FC8]  }
0x92: {  	[smem:s5], [sflag:s4] =	dma.local [hbm:s2], $0x1  }
0x93: {  	_ =	swait.eq [sflag:s4], $0x1  }
0x94: {  	s16 =	sld [smem:$0x10];
	[sflag:s4] =	ssyncset.done $0x0  }
0x95: {  	s17 =	sld [smem:$0x11];
	[sflag:s4] =	ssyncadd.s32 $0xFFFFFFFF  }
0x96: {  	s18 =	sld [smem:$0x12];
	(tm) =	ssettm $0x1  }
0x97: {  	s6 =	sld [smem:$0x3FFB];
	_ =	sdelay $0x3  }
0x98: {  	_ =	strace s6  }
0x99: {  	s6 =	sld [smem:$0x3FFC];
	_ =	sdelay $0x3  }
0x9a: {  	_ =	strace s6  }
0x9b: {  	s6 =	sld [smem:$0x3FFD];
	_ =	sdelay $0x3  }
0x9c: {  	_ =	strace s6  }
0x9d: {  	_ =	strace $0x8FFFFFFF  }
0x9e: {  	s19 =	sld [smem:$0x3FDB];
	_ =	sdelay $0x1  }
0x9f: {  	s7 =	simm.s32 $_scs_section_size  }
0xa0: {  	s8 =	simm.s32 $_size__tile_overlayer_lowered;
	s9 =	simm.s32 $_tile_overlayer_lowered  }
0xa1: {  	s22 =	simm.s32 $0x1BFF;
	s21 =	sshll.u32 s9, $0x1;
	s6 =	sadd.s32 s7, s19  }
0xa2: {  	s10 =	simm.s32 $0x0;
	s20 =	sshll.u32 s8, $0x1;
	s8 =	sadd.s32 s21, s6  }
0xa3: {  	[timem:s10], [sflag:s22] =	dma.local [hbm:s8], s20  }
0xa4: {  	_ =	swait.ge [sflag:s22], s20  }
0xa5: {  	s7 =	ssub.s32 $0x0, s20;
	[sflag:s22] =	ssyncset.done $0x0  }
0xa6: {  	[sflag:s22] =	ssyncadd.s32 s7;
	_ =	sdelay $0x1  }
0xa7: {  	s23 =	simm.s32 $0x1B8B  }
0xa8: {  	_ =	swait.ge [sflag:s23], $0x1  }
0xa9: {  	[sflag:s23] =	ssyncset.done $0x0  }
0xaa: {  	s25 =	simm.s32 $0x1B8E;
	s24 =	sld [smem:$0x3FFE];
	[sflag:s23] =	ssyncadd.s32 $0xFFFFFFFF  }
0xab: {  	s26 =	simm.s32 $execute0_lowered;
	[smem:$0x3FD2] =	sst s25  }
0xac: {  	s8 =	sshll.u32 s26, $0x1;
	_ =	strace $0x80000046;
	[dreg:$0x1] =	wrdreg $0xFFFFFFFF  }
0xad: {  	s28 =	simm.s32 $_size_execute0_lowered;
	s6 =	sadd.s32 s6, s8;
	[dreg:$0x0] =	wrdreg $0x0  }
0xae: {  	s8 =	sshll.u32 s28, $0x1;
	[dreg:$0x2] =	wrdreg s6  }
0xaf: {  	[dreg:$0x3] =	wrdreg s8  }
0xb0: {  	[dreg:$0x4] =	wrdreg $0xC0  }
0xb1: {  	_ =	task [dreg:s10], $0x5FFFF  }
0xb2: {  	[dreg:$0x1] =	wrdreg $0xFFFFFFFF  }
0xb3: {  	[dreg:$0x0] =	wrdreg $0x60  }
0xb4: {  	[dreg:$0x2] =	wrdreg s24  }
0xb5: {  	[dreg:$0x3] =	wrdreg s15  }
0xb6: {  	[dreg:$0x4] =	wrdreg s16  }
0xb7: {  	[dreg:$0x5] =	wrdreg s17  }
0xb8: {  	[dreg:$0x6] =	wrdreg s18  }
0xb9: {  	[dreg:$0x7] =	wrdreg $0x9  }
0xba: {  	_ =	task.clear_ibuf [dreg:s10], $0x8FFFF;
	_ =	strace $0x90000046  }
0xbb: {  	s29 =	simm.s32 $0x9;
	_ =	strace $0x80000048  }
0xbc: {  	_ =	swait.ge [sflag:s29], $0x1  }
0xbd: {  	[sflag:s29] =	ssyncadd.s32 $0xFFFFFFFF  }
0xbe: {  	_ =	strace $0x90000048  }
0xbf: {  	_ =	sfence  }
0xc0: {  	s30 =	sld [smem:$0x0];
	_ =	sdelay $0x2  }
0xc1: {  	s31 =	sshll.u32 s1, $0xD;
	s1 =	sshrl.u32 s1, $0x2  }
0xc2: {  	s3 =	sand.u32 $0x4000, s31;
	s1 =	sadd.s32 s1, s30  }
0xc3: {  	s0 =	sor.u32 s3, s0;
	s1 =	sshll.u32 s1, $0x11  }
0xc4: {  	s0 =	sor.u32 s1, s0  }
0xc5: {  	s0 =	sadd.s32 $0x8F2B, s0  }
0xc6: {  	[sflag:s0] =	ssyncadd.remote.s32 $0x1  }
0xc7: {  	_ =	sfence.sel $0xFFFF  }
0xc8: {  	[dreg:$0x0] =	wrdreg $0xFFFFFFFF;
	(pc) =	sbr.abs _section_cstart, $3  }
0xc9: {  	[dreg:$0x1] =	wrdreg $0xFFFFFFFF  }
0xca: {  	_ =	task.clear_ibuf [dreg:s10], $0x2FFFF;
	_ =	strace $0x9FFFFFFF  }
0xcb: {  	(tm) =	ssettm $0x7FFFFFFF  }
tec
execute0_lowered:
.L_overlay_start_1:
0x0: {  	(tag) =	ssettag $0x1  }
0x1: {  	s5 =	rddreg [dreg:$0x0]  }
0x2: {  	s6 =	rddreg [dreg:$0x1]  }
0x3: {  	s7 =	rddreg [dreg:$0x2]  }
0x4: {  	s8 =	rddreg [dreg:$0x3]  }
0x5: {  	s9 =	rddreg [dreg:$0x4]  }
0x6: {  	s0 =	rddreg [dreg:$0x5]  }
0x7: {  	s2 =	simm.s32 $0x0;
	s4 =	srdreg.scid;
	s1 =	stileid.u32  }
0x8: {  	s15 =	simm.s32 $0x1C180;
	s16 =	simm.s32 $0x1C300;
	s17 =	simm.s32 $0x1C080  }
0x9: {  	s18 =	simm.s32 $0x1C100;
	s19 =	simm.s32 $0x1C480;
	s20 =	simm.s32 $0x1DC80  }
0xa: {  	v1 =	vimm.s32 $0xEDCBA987;
	s21 =	simm.s32 $0x1DD00;
	s22 =	simm.s32 $0x0;
	[smem:$0x7FF] =	sst s2  }
0xb: {  	v0 =	vimm.s32 $0x7FFFFFFF;
	v2 =	vimm.s32 $0x65432100;
	s3 =	sadd.s32 $0x2000, s5;
	s10 =	sand.u32 $0x1, s4;
	s11 =	sshll.u32 s1, $0x1;
	v3 =	vunpack.c.l.s4.s8 v1  }
0xc: {  	v7 =	vimm.s32 $0x38373635;
	s4 =	sadd.s32 $0x1800, s5;
	v4 =	vunpack.c.l.s4.s8 v2;
	v2 =	vimm.s32 $0x3C3B3A39;
	s12 =	ssub.s32 $0x2, s10;
	s10 =	sor.u32 s10, s11  }
0xd: {  	s5 =	sadd.s32 $0x1000, s5;
	_ =	strace $0x80000047;
	s13 =	smul.u32 $0x300, s10;
	v5 =	vunpack.c.0.s8.s32 v3;
	v3 =	vunpack.c.0.s8.s32 v2;
	v2 =	vimm.s32 $0x3F3F3E3D  }
.Ltmp0:
0xe: {  	vm0 =	vcmask $0x1F10;
	s30 =	sshrl.u32 s12, $0x1;
	s31 =	sshll.u32 s10, $0x2;
	v6 =	vunpack.c.0.s8.s32 v2;
	v2 =	vimm.s32 $0x34333231;
	(pc) =	sbr.rel .LBB2_1-.Ltmp0, $4  }
0xf: {  	v1 =	vimm.s32 $0x0;
	v7 =	vunpack.c.0.s8.s32 v7;
	s14 =	smul.u32 $0xC, s10;
	s10 =	sshll.u32 s10, $0x8;
	s11 =	ssub.s32 s12, s30;
	v8 =	vunpack.c.0.s8.s32 v2  }
0x10: {  	v9 =	vunpack.c.0.s8.s32 v4;
	v4 =	vimm.s32 $0x3F;
	s6 =	sadd.s32 s6, s31;
	s9 =	sadd.s32 s9, s10;
	s12 =	simm.s32 $0x4000;
	v2 =	vlaneseq.u32  }
0x11: {  	s7 =	sadd.s32 s7, s13;
	s8 =	sadd.s32 s8, s14;
	s10 =	smax.u32 s11, $0x1;
	v5 =	vand.u32 $0xF, v5;
	v6 =	vsel vm0, v6, v3;
	v7 =	vsel vm0, v7, v8  }
0x12: {  	s11 =	simm.s32 $0x1;
	s13 =	simm.s32 $0x8000;
	s14 =	simm.s32 $0x1C000;
	v3 =	vimm.f32 $0.0e+00;
	v5 =	vcombine.low v9, v5;
	v6 =	vcombine.low v7, v6  }
.LBB2_9:
0x13: {  	[hbm4b:s7+s2] =	stream.linear.scatter [tilespmem:s19], [sflag:$0x1], $0x1800, $0x38;
	[tilespmem:$0x1E500] =	vst v63  }
0x14: {  	_ =	swait.ge [sflag:s11], $0x1800  }
0x15: {  	[sflag:s11] =	ssyncset.done $0x0  }
0x16: {  	[sflag:s11] =	ssyncadd.s32 $0xFFFFE800  }
0x17: {  	[hbm4b:s8+s2] =	stream.linear.scatter [tilespmem:s20], [sflag:$0x1], $0x60, $0x38;
	[tilespmem:$0x1E500] =	vst v63  }
0x18: {  	s22 =	sadd.s32 $0x1, s22;
	_ =	swait.ge [sflag:s11], $0x60  }
0x19: {  	p0 =	sne.s32 s22, s10;
	[sflag:s11] =	ssyncset.done $0x0  }
.Ltmp1:
0x1a: {  	[sflag:s11] =	ssyncadd.s32 $0xFFFFFFA0;
	(pc) =	sbr.rel @!p0 .LBB2_10-.Ltmp1, $4  }
0x1b: {  	[hbm4b:s9+s2] =	stream.linear.scatter [tilespmem:s21], [sflag:$0x1], $0x800, $0x38;
	[tilespmem:$0x1E500] =	vst v63  }
0x1c: {  	_ =	swait.ge [sflag:s11], $0x800  }
0x1d: {  	[sflag:s11] =	ssyncset.done $0x0  }
0x1e: {  	[sflag:s11] =	ssyncadd.s32 $0xFFFFF800  }
.LBB2_1:
0x1f: {  	[tilespmem:s2], [sflag:$0x1] =	stream.linear.gather [hbm4b:s3+s2], $0x4000, $0x38;
	[tilespmem:$0x1E500] =	vst v63  }
0x20: {  	_ =	swait.ge [sflag:s11], $0x4000  }
0x21: {  	[sflag:s11] =	ssyncset.done $0x0  }
0x22: {  	[sflag:s11] =	ssyncadd.s32 $0xFFFFC000  }
0x23: {  	[tilespmem:s12], [sflag:$0x1] =	stream.linear.gather [hbm4b:s4+s2], $0x4000, $0x38;
	[tilespmem:$0x1E500] =	vst v63  }
0x24: {  	_ =	swait.ge [sflag:s11], $0x4000  }
0x25: {  	[sflag:s11] =	ssyncset.done $0x0  }
0x26: {  	[sflag:s11] =	ssyncadd.s32 $0xFFFFC000  }
0x27: {  	[tilespmem:s13], [sflag:$0x1] =	stream.linear.gather [hbm4b:s5+s2], $0x4000, $0x38;
	[tilespmem:$0x1E500] =	vst v63  }
0x28: {  	_ =	swait.ge [sflag:s11], $0x4000  }
0x29: {  	[sflag:s11] =	ssyncset.done $0x0  }
0x2a: {  	[sflag:s11] =	ssyncadd.s32 $0xFFFFC000  }
0x2b: {  	[tilespmem:s14], [sflag:$0x1] =	stream.linear.gather [hbm4b:s6+s2], $0x20, $0x38;
	[tilespmem:$0x1E500] =	vst v63  }
0x2c: {  	_ =	swait.ge [sflag:s11], $0x20  }
0x2d: {  	[sflag:s11] =	ssyncset.done $0x0  }
0x2e: {  	s24 =	simm.s32 $0x0;
	[sflag:s11] =	ssyncadd.s32 $0xFFFFFFE0  }
0x2f: {  	v7 =	vld [tilespmem:s24+$0x0]  }
0x30: {  	v8 =	vld [tilespmem:s24+$0x4000]  }
0x31: {  	v11 =	vld [tilespmem:s24+$0x8000];
	_ =	sdelay $0x3  }
0x32: {  	s23 =	simm.s32 $0x10;
	v10 =	vmul.f32 v7, v7;
	v12 =	vmul.f32 v8, v8;
	v13 =	vshrl.u32 v7, $0x10  }
0x33: {  	v9 =	vld [tilespmem:s23+$0x0];
	v14 =	vshrl.u32 v8, $0x10;
	v15 =	vmul.f32 v11, v11;
	v16 =	vshrl.u32 v11, $0x10  }
0x34: {  	v13 =	vand.u32 $0x1, v13;
	v14 =	vand.u32 $0x1, v14;
	v12 =	vadd.f32 v12, v10;
	v10 =	vld [tilespmem:s23+$0x4000]  }
0x35: {  	v13 =	vadd.s32 v13, v7;
	v8 =	vadd.s32 v14, v8;
	v14 =	vand.u32 $0x1, v16  }
0x36: {  	v7 =	vld [tilespmem:s23+$0x8000];
	v13 =	vadd.s32 $0x7FFF, v13;
	v11 =	vadd.s32 v14, v11  }
0x37: {  	v8 =	vadd.s32 $0x7FFF, v8;
	v12 =	vadd.f32 v15, v12;
	v13 =	vand.u32 $0xFFFF0000, v13  }
0x38: {  	v14 =	vshrl.u32 v9, $0x10;
	v11 =	vadd.s32 $0x7FFF, v11;
	v16 =	vand.u32 $0xFFFF0000, v8;
	[tilespmem:s24+$0x10000] =	vst v13  }
0x39: {  	s25 =	simm.s32 $0x20;
	[tilespmem:s24+$0xC000] =	vst v12;
	v12 =	vmul.f32 v9, v9;
	v13 =	vshrl.u32 v10, $0x10;
	v15 =	vmul.f32 v10, v10  }
0x3a: {  	s26 =	simm.s32 $0xC0;
	v14 =	vand.u32 $0x1, v14;
	v11 =	vand.u32 $0xFFFF0000, v11;
	v8 =	vld [tilespmem:s25+$0x0];
	[tilespmem:s24+$0x14000] =	vst v16;
	v13 =	vand.u32 $0x1, v13  }
.LBB2_2:
0x3b: {  	p0 =	sne.s32 s26, $0xFFC0;
	v16 =	vld [tilespmem:s25+$0x4000];
	v12 =	vadd.f32 v15, v12;
	v15 =	vmul.f32 v7, v7;
	v17 =	vshrl.u32 v7, $0x10;
	[tilespmem:s24+$0x18000] =	vst v11;
	s24 =	smov.u32 s23;
	s23 =	smov.u32 s25  }
0x3c: {  	v9 =	vadd.s32 v14, v9;
	v10 =	vadd.s32 v13, v10;
	v11 =	vand.u32 $0x1, v17  }
.Ltmp2:
0x3d: {  	v18 =	vadd.s32 $0x7FFF, v9;
	v12 =	vadd.f32 v15, v12;
	v11 =	vadd.s32 v11, v7;
	v7 =	vld [tilespmem:s23+$0x8000];
	(pc) =	sbr.rel @p0 .LBB2_2-.Ltmp2, $4  }
0x3e: {  	v13 =	vand.u32 $0xFFFF0000, v18;
	v15 =	vadd.s32 $0x7FFF, v10;
	v19 =	vadd.s32 $0x7FFF, v11  }
0x3f: {  	v17 =	vand.u32 $0xFFFF0000, v15;
	v14 =	vshrl.u32 v8, $0x10;
	[tilespmem:s24+$0xC000] =	vst v12;
	v11 =	vand.u32 $0xFFFF0000, v19;
	v9 =	vmovc v8  }
0x40: {  	s25 =	sshra.s32 s26, $0x2;
	v12 =	vmul.f32 v8, v9;
	v15 =	vmul.f32 v16, v16;
	v18 =	vshrl.u32 v16, $0x10;
	[tilespmem:s24+$0x10000] =	vst v13;
	v10 =	vmovc v16  }
0x41: {  	s26 =	sadd.s32 $0x40, s26;
	v14 =	vand.u32 $0x1, v14;
	v8 =	vld [tilespmem:s25+$0x0];
	v13 =	vand.u32 $0x1, v18;
	[tilespmem:s24+$0x14000] =	vst v17  }
0x42: {  	v16 =	vld [tilespmem:s25+$0x4000];
	v12 =	vadd.f32 v15, v12;
	[tilespmem:s24+$0x18000] =	vst v11;
	v51 =	vmul.f32 v7, v7  }
0x43: {  	v52 =	vshrl.u32 v7, $0x10;
	v9 =	vadd.s32 v14, v9;
	v10 =	vadd.s32 v13, v10;
	v53 =	vld [tilespmem:s25+$0x8000]  }
0x44: {  	v54 =	vand.u32 $0x1, v52;
	v9 =	vadd.s32 $0x7FFF, v9;
	v10 =	vadd.s32 $0x7FFF, v10  }
0x45: {  	v11 =	vadd.f32 v51, v12;
	v7 =	vadd.s32 v54, v7;
	v9 =	vand.u32 $0xFFFF0000, v9  }
0x46: {  	v10 =	vand.u32 $0xFFFF0000, v10;
	v7 =	vadd.s32 $0x7FFF, v7;
	v55 =	vmul.f32 v8, v8  }
0x47: {  	v57 =	vshrl.u32 v8, $0x10;
	v7 =	vand.u32 $0xFFFF0000, v7;
	v56 =	vmul.f32 v16, v16  }
0x48: {  	[tilespmem:s23+$0x10000] =	vst v9;
	v58 =	vshrl.u32 v16, $0x10;
	v60 =	vand.u32 $0x1, v57;
	v59 =	vmul.f32 v53, v53  }
0x49: {  	[tilespmem:s23+$0xC000] =	vst v11;
	v11 =	vand.u32 $0x1, v58;
	v61 =	vshrl.u32 v53, $0x10;
	v8 =	vadd.s32 v60, v8  }
0x4a: {  	[tilespmem:s23+$0x18000] =	vst v7;
	v12 =	vadd.f32 v56, v55;
	v7 =	vadd.s32 v11, v16;
	v8 =	vadd.s32 $0x7FFF, v8  }
.Ltmp3:
0x4b: {  	[tilespmem:s23+$0x14000] =	vst v10;
	v10 =	vand.u32 $0x1, v61;
	v8 =	vand.u32 $0xFFFF0000, v8;
	v7 =	vadd.s32 $0x7FFF, v7;
	(pc) =	sbr.rel .LBB2_4-.Ltmp3, $4  }
0x4c: {  	v10 =	vadd.s32 v10, v53;
	v62 =	vadd.f32 v59, v12;
	v7 =	vand.u32 $0xFFFF0000, v7;
	[tilespmem:s25+$0x10000] =	vst v8  }
0x4d: {  	v63 =	vadd.s32 $0x7FFF, v10;
	[tilespmem:s25+$0x14000] =	vst v7  }
0x4e: {  	v8 =	vand.u32 $0xFFFF0000, v63;
	[tilespmem:s25+$0xC000] =	vst v62  }
0x4f: {  	s24 =	simm.s32 $0x0;
	s23 =	simm.s32 $0x0;
	[tilespmem:s25+$0x18000] =	vst v8  }
.LBB2_8:
0x50: {  	v10 =	vld [tilespmem:$0x1C180]  }
0x51: {  	v11 =	vld [tilespmem:$0x1C300];
	_ =	sdelay $0x3  }
0x52: {  	vm0 =	vgt.s32 v15, v2  }
0x53: {  	v10 =	vnsel vm0, $0x7F800000, v10;
	v11 =	vnsel vm0, $0x7FFFFFFF, v11  }
0x54: {  	(xrf1) =	vsort.ascd.msk.f32 $0xffff, v10, v11;
	_ =	sdelay $0xa  }
0x55: {  	v50 =	vld [tilespmem:$0x1C080]  }
0x56: {  	v51 =	vld [tilespmem:$0x1C100];
	v12 =	vmul.u32 $0xFFFFFFFF, v2;
	_ =	sdelay $0x1  }
0x57: {  	v12 =	vadd.s32 $0xF, v12;
	v13, v14, _ =	vpop (xrf1)  }
0x58: {  	v13 =	vperm.xlane v13, v12;
	v14 =	vperm.xlane v14, v12;
	_ =	sdelay $0x1  }
0x59: {  	vm10 =	veq.f32 v50, v13;
	vm1 =	vlt.s32 v51, v14  }
0x5a: {  	vm2 =	vlt.f32 v50, v13;
	vm0 =	vmand vm10, vm1  }
0x5b: {  	vm0 =	vmor vm2, vm0  }
0x5c: {  	v52 =	vsel vm0, v50, v13;
	v16 =	vsel vm0, v51, v14  }
0x5d: {  	v10 =	vsel vm0, v13, v50;
	v11 =	vsel vm0, v14, v51;
	(xrf1) =	vsort.ascd.msk.f32 $0xffff, v52, v16  }
0x5e: {  	(xrf1) =	vsort.ascd.msk.f32 $0xffff, v10, v11;
	_ =	sdelay $0xa  }
0x5f: {  	v53 =	vld [tilespmem:$0x1C090]  }
0x60: {  	v54 =	vld [tilespmem:$0x1C110]  }
0x61: {  	v55, v56, _ =	vpop (xrf1)  }
0x62: {  	v15, v16, _ =	vpop (xrf1)  }
0x63: {  	v15 =	vperm.xlane v15, v12;
	v16 =	vperm.xlane v16, v12;
	_ =	sdelay $0x1  }
0x64: {  	vm11 =	veq.f32 v53, v15;
	vm12 =	vlt.s32 v54, v16  }
0x65: {  	vm13 =	vlt.f32 v53, v15;
	vm0 =	vmand vm11, vm12  }
0x66: {  	vm0 =	vmor vm13, vm0  }
0x67: {  	v17 =	vsel vm0, v53, v15;
	v18 =	vsel vm0, v54, v16  }
0x68: {  	v10 =	vsel vm0, v15, v53;
	v11 =	vsel vm0, v16, v54;
	(xrf1) =	vsort.ascd.msk.f32 $0xffff, v17, v18  }
0x69: {  	(xrf1) =	vsort.ascd.msk.f32 $0xffff, v10, v11;
	_ =	sdelay $0xa  }
0x6a: {  	v57 =	vld [tilespmem:$0x1C0A0]  }
0x6b: {  	v58 =	vld [tilespmem:$0x1C120]  }
0x6c: {  	v59, v60, _ =	vpop (xrf1)  }
0x6d: {  	v17, v18, _ =	vpop (xrf1)  }
0x6e: {  	v17 =	vperm.xlane v17, v12;
	v18 =	vperm.xlane v18, v12;
	_ =	sdelay $0x1  }
0x6f: {  	vm14 =	veq.f32 v57, v17;
	vm15 =	vlt.s32 v58, v18  }
0x70: {  	vm4 =	vlt.f32 v57, v17;
	vm0 =	vmand vm14, vm15  }
0x71: {  	vm0 =	vmor vm4, vm0  }
0x72: {  	v19 =	vsel vm0, v57, v17;
	v20 =	vsel vm0, v58, v18  }
0x73: {  	v10 =	vsel vm0, v17, v57;
	v11 =	vsel vm0, v18, v58;
	(xrf1) =	vsort.ascd.msk.f32 $0xffff, v19, v20  }
0x74: {  	(xrf1) =	vsort.ascd.msk.f32 $0xffff, v10, v11;
	_ =	sdelay $0xa  }
0x75: {  	v61 =	vld [tilespmem:$0x1C0B0]  }
0x76: {  	v62 =	vld [tilespmem:$0x1C130]  }
0x77: {  	v63, v24, _ =	vpop (xrf1)  }
0x78: {  	v19, v20, _ =	vpop (xrf1)  }
0x79: {  	v19 =	vperm.xlane v19, v12;
	v12 =	vperm.xlane v20, v12;
	_ =	sdelay $0x1  }
0x7a: {  	vm5 =	veq.f32 v61, v19;
	vm6 =	vlt.s32 v62, v12  }
0x7b: {  	vm7 =	vlt.f32 v61, v19;
	vm0 =	vmand vm5, vm6  }
0x7c: {  	vm0 =	vmor vm7, vm0  }
0x7d: {  	v10 =	vsel vm0, v61, v19;
	v11 =	vsel vm0, v62, v12  }
0x7e: {  	(xrf1) =	vsort.ascd.msk.f32 $0xffff, v10, v11;
	_ =	sdelay $0x8  }
0x7f: {  	[tilespmem:$0x1C080] =	vst v55  }
0x80: {  	[tilespmem:$0x1C100] =	vst v56  }
0x81: {  	[tilespmem:$0x1C090] =	vst v59  }
0x82: {  	v25 =	vadd.s32 $0x1, v2;
	[tilespmem:$0x1C110] =	vst v60  }
0x83: {  	[tilespmem:$0x1C0A0] =	vst v63  }
0x84: {  	[tilespmem:$0x1C120] =	vst v24;
	v11, v12, _ =	vpop (xrf1)  }
0x85: {  	v26 =	vld [tilespmem:$0x1C100];
	[tilespmem:$0x1C0B0] =	vst v11  }
0x86: {  	v27 =	vld [tilespmem:$0x1C080];
	[tilespmem:$0x1C130] =	vst v12  }
0x87: {  	v13 =	vld.idx.msk [tilespmem:v25+s17+$0x0], $0xffff  }
0x88: {  	v10 =	vld.idx.msk [tilespmem:v25+s18+$0x0], $0xffff  }
0x89: {  	v14 =	vld.idx.msk [tilespmem:v5+s17+$0x0], $0xffff  }
0x8a: {  	v15 =	vld.idx.msk [tilespmem:v5+s18+$0x0], $0xffff;
	_ =	sdelay $0x3  }
0x8b: {  	vm8 =	veq.f32 v27, v13;
	vm9 =	vlt.s32 v26, v10  }
0x8c: {  	vm10 =	veq.f32 v27, v14;
	vm11 =	vlt.s32 v26, v15;
	v10 =	vsel vm9, v26, v10  }
0x8d: {  	vm12 =	vmand vm10, vm11;
	v10 =	vsel vm8, v10, v26  }
0x8e: {  	v10 =	vsel vm12, v15, v10  }
0x8f: {  	s25 =	sshll.u32 s24, $0x6  }
0x90: {  	v28 =	vmov s25  }
0x91: {  	v11 =	vmul.u32 $0x3, v28;
	_ =	sdelay $0x1  }
0x92: {  	v30 =	vmul.u32 $0x3, v2;
	v11 =	vbroadcast v11, $0x0;
	v29 =	vld.idx.msk [tilespmem:v10+s2+$0x0], $0xffff  }
0x93: {  	v31 =	vld.idx.msk [tilespmem:v10+s12+$0x0], $0xffff  }
0x94: {  	v33 =	vadd.s32 $0x1, v30;
	v32 =	vor.u32 v30, v11;
	v15 =	vld.idx.msk [tilespmem:v10+s13+$0x0], $0xffff  }
0x95: {  	v35 =	vadd.s32 $0x2, v30;
	v34 =	vor.u32 v33, v11  }
0x96: {  	v11 =	vor.u32 v35, v11  }
0x97: {  	v12 =	vsub.f32 v29, v8  }
0x98: {  	v14 =	vsub.f32 v31, v9  }
0x99: {  	v15 =	vsub.f32 v15, v7;
	[tilespmem:v32+s19+$0x0] =	vst.idx.msk $0xffff, v12  }
0x9a: {  	v36 =	vadd.s32 $0x11, v2;
	[tilespmem:v34+s19+$0x0] =	vst.idx.msk $0xffff, v14  }
0x9b: {  	[tilespmem:v11+s19+$0x0] =	vst.idx.msk $0xffff, v15  }
0x9c: {  	v37 =	vadd.s32 $0xF, v2;
	[tilespmem:s25+$0x1DD00] =	vst v10  }
0x9d: {  	v11 =	vld [tilespmem:$0x1C110]  }
0x9e: {  	v14 =	vld [tilespmem:$0x1C090]  }
0x9f: {  	v15 =	vld.idx.msk [tilespmem:v36+s17+$0x0], $0xffff  }
0xa0: {  	v12 =	vld.idx.msk [tilespmem:v36+s18+$0x0], $0xffff  }
0xa1: {  	v16 =	vld.idx.msk [tilespmem:v37+s17+$0x0], $0xffff  }
0xa2: {  	v10 =	vld.idx.msk [tilespmem:v37+s18+$0x0], $0xffff;
	_ =	sdelay $0x3  }
0xa3: {  	vm13 =	veq.f32 v14, v15;
	vm14 =	vlt.s32 v11, v12  }
0xa4: {  	vm15 =	veq.f32 v14, v16;
	vm4 =	vlt.s32 v11, v10;
	v12 =	vsel vm14, v11, v12  }
0xa5: {  	vm5 =	vmand vm15, vm4;
	v11 =	vsel vm13, v12, v11  }
0xa6: {  	v10 =	vsel vm5, v10, v11  }
0xa7: {  	s26 =	sor.u32 $0x10, s25  }
0xa8: {  	v38 =	vmov s26  }
0xa9: {  	v11 =	vmul.u32 $0x3, v38;
	_ =	sdelay $0x1  }
0xaa: {  	v11 =	vbroadcast v11, $0x0;
	v39 =	vld.idx.msk [tilespmem:v10+s2+$0x0], $0xffff  }
0xab: {  	v40 =	vld.idx.msk [tilespmem:v10+s12+$0x0], $0xffff  }
0xac: {  	v42 =	vadd.s32 v30, v11;
	v41 =	vld.idx.msk [tilespmem:v10+s13+$0x0], $0xffff  }
0xad: {  	v43 =	vadd.s32 v33, v11  }
0xae: {  	v11 =	vadd.s32 v35, v11  }
0xaf: {  	v12 =	vsub.f32 v39, v8  }
0xb0: {  	v14 =	vsub.f32 v40, v9  }
0xb1: {  	v15 =	vsub.f32 v41, v7;
	[tilespmem:v42+s19+$0x0] =	vst.idx.msk $0xffff, v12  }
0xb2: {  	v44 =	vadd.s32 $0x21, v2;
	[tilespmem:v43+s19+$0x0] =	vst.idx.msk $0xffff, v14  }
0xb3: {  	[tilespmem:v11+s19+$0x0] =	vst.idx.msk $0xffff, v15  }
0xb4: {  	v45 =	vadd.s32 $0x1F, v2;
	[tilespmem:s25+$0x1DD10] =	vst v10  }
0xb5: {  	v11 =	vld [tilespmem:$0x1C120]  }
0xb6: {  	v14 =	vld [tilespmem:$0x1C0A0]  }
0xb7: {  	v15 =	vld.idx.msk [tilespmem:v44+s17+$0x0], $0xffff  }
0xb8: {  	v12 =	vld.idx.msk [tilespmem:v44+s18+$0x0], $0xffff  }
0xb9: {  	v16 =	vld.idx.msk [tilespmem:v45+s17+$0x0], $0xffff  }
0xba: {  	v10 =	vld.idx.msk [tilespmem:v45+s18+$0x0], $0xffff;
	_ =	sdelay $0x3  }
0xbb: {  	vm6 =	veq.f32 v14, v15;
	vm7 =	vlt.s32 v11, v12  }
0xbc: {  	vm8 =	veq.f32 v14, v16;
	vm9 =	vlt.s32 v11, v10;
	v12 =	vsel vm7, v11, v12  }
0xbd: {  	vm10 =	vmand vm8, vm9;
	v11 =	vsel vm6, v12, v11  }
0xbe: {  	v10 =	vsel vm10, v10, v11  }
0xbf: {  	s29 =	sor.u32 $0x20, s25  }
0xc0: {  	v46 =	vmov s29  }
0xc1: {  	v11 =	vmul.u32 $0x3, v46;
	_ =	sdelay $0x1  }
0xc2: {  	v11 =	vbroadcast v11, $0x0;
	v47 =	vld.idx.msk [tilespmem:v10+s2+$0x0], $0xffff  }
0xc3: {  	v48 =	vld.idx.msk [tilespmem:v10+s12+$0x0], $0xffff  }
0xc4: {  	v50 =	vadd.s32 v30, v11;
	v49 =	vld.idx.msk [tilespmem:v10+s13+$0x0], $0xffff  }
0xc5: {  	v51 =	vadd.s32 v33, v11  }
0xc6: {  	v11 =	vadd.s32 v35, v11  }
0xc7: {  	v12 =	vsub.f32 v47, v8  }
0xc8: {  	v14 =	vsub.f32 v48, v9  }
0xc9: {  	v52 =	vsub.f32 v49, v7;
	[tilespmem:v50+s19+$0x0] =	vst.idx.msk $0xffff, v12  }
0xca: {  	[tilespmem:v51+s19+$0x0] =	vst.idx.msk $0xffff, v14  }
0xcb: {  	[tilespmem:v11+s19+$0x0] =	vst.idx.msk $0xffff, v52  }
0xcc: {  	v53 =	vadd.s32 $0x2F, v2;
	[tilespmem:s25+$0x1DD20] =	vst v10  }
0xcd: {  	v11 =	vld [tilespmem:$0x1C130]  }
0xce: {  	v12 =	vld [tilespmem:$0x1C0B0]  }
0xcf: {  	v14 =	vld.idx.msk [tilespmem:v6+s17+$0x0], $0xffff  }
0xd0: {  	v54 =	vld.idx.msk [tilespmem:v6+s18+$0x0], $0xffff  }
0xd1: {  	v16 =	vld.idx.msk [tilespmem:v53+s17+$0x0], $0xffff  }
0xd2: {  	v10 =	vld.idx.msk [tilespmem:v53+s18+$0x0], $0xffff;
	_ =	sdelay $0x3  }
0xd3: {  	vm11 =	veq.f32 v12, v14;
	vm12 =	vlt.s32 v11, v54  }
0xd4: {  	vm13 =	veq.f32 v12, v16;
	vm14 =	vlt.s32 v11, v10;
	v55 =	vsel vm12, v11, v54  }
0xd5: {  	vm15 =	vmand vm13, vm14;
	v11 =	vsel vm11, v55, v11  }
0xd6: {  	v10 =	vsel vm15, v10, v11  }
0xd7: {  	s30 =	sor.u32 $0x30, s25  }
0xd8: {  	v56 =	vmov s30  }
0xd9: {  	v11 =	vmul.u32 $0x3, v56;
	_ =	sdelay $0x1  }
0xda: {  	v11 =	vbroadcast v11, $0x0;
	v57 =	vld.idx.msk [tilespmem:v10+s2+$0x0], $0xffff  }
0xdb: {  	v58 =	vld.idx.msk [tilespmem:v10+s12+$0x0], $0xffff  }
0xdc: {  	v13 =	vadd.s32 v30, v11;
	v59 =	vld.idx.msk [tilespmem:v10+s13+$0x0], $0xffff  }
0xdd: {  	v60 =	vadd.s32 v33, v11  }
0xde: {  	s31 =	smul.u32 $0x3, s24;
	v11 =	vadd.s32 v35, v11  }
0xdf: {  	v12 =	vsub.f32 v57, v8  }
0xe0: {  	s28 =	sadd.s32 $0x1, s31;
	v61 =	vmov s31;
	v14 =	vsub.f32 v58, v9  }
0xe1: {  	s24 =	sadd.s32 $0x1, s24;
	s26 =	sadd.s32 $0x2, s31;
	v62 =	vmov s28;
	v15 =	vsub.f32 v59, v7;
	[tilespmem:v13+s19+$0x0] =	vst.idx.msk $0xffff, v12  }
0xe2: {  	p0 =	sne.s32 s24, $0x20;
	v63 =	vmov s26;
	[tilespmem:v60+s19+$0x0] =	vst.idx.msk $0xffff, v14  }
.Ltmp4:
0xe3: {  	[tilespmem:v11+s19+$0x0] =	vst.idx.msk $0xffff, v15;
	(pc) =	sbr.rel @!p0 .LBB2_9-.Ltmp4, $4  }
0xe4: {  	[tilespmem:s25+$0x1DD30] =	vst v10  }
0xe5: {  	[tilespmem:v61+s20+$0x0] =	vst.idx.msk $0x1, v8  }
0xe6: {  	[tilespmem:v62+s20+$0x0] =	vst.idx.msk $0x1, v9  }
0xe7: {  	[tilespmem:v63+s20+$0x0] =	vst.idx.msk $0x1, v7  }
.LBB2_4:
0xe8: {  	v7 =	vmov s24;
	_ =	sdelay $0x4  }
0xe9: {  	v9 =	vld.idx.msk [tilespmem:v7+s14+$0x0], $0xffff;
	_ =	sdelay $0x7  }
0xea: {  	v8 =	vld.idx.msk [tilespmem:v9+s23+$0x0], $0xffff  }
0xeb: {  	v7 =	vld.idx.msk [tilespmem:v9+s13+$0x0], $0xffff;
	_ =	sdelay $0x1  }
0xec: {  	v9 =	vld.idx.msk [tilespmem:v9+s12+$0x0], $0xffff;
	_ =	sdelay $0x2  }
0xed: {  	v14 =	vimm.f32 $+Inf;
	v10 =	vmul.f32 v8, v8;
	v11 =	vmul.f32 v7, v7  }
0xee: {  	[tilespmem:$0x1C080] =	vst v14  }
0xef: {  	[tilespmem:$0x1C100] =	vst v0;
	v10 =	vadd.f32 v11, v10;
	v11 =	vmul.f32 v9, v9  }
0xf0: {  	v15 =	vimm.s32 $0x0;
	[tilespmem:$0x1C090] =	vst v14;
	v12 =	vshrl.u32 v9, $0x10  }
.Ltmp5:
0xf1: {  	[tilespmem:$0x1C110] =	vst v0;
	v13 =	vshrl.u32 v7, $0x10;
	v10 =	vadd.f32 v10, v11;
	v11 =	vshrl.u32 v8, $0x10;
	(pc) =	sbr.rel .LBB2_5-.Ltmp5, $4  }
0xf2: {  	[tilespmem:$0x1C0A0] =	vst v14;
	v12 =	vand.u32 $0x1, v12;
	v13 =	vand.u32 $0x1, v13;
	v11 =	vand.u32 $0x1, v11  }
0xf3: {  	[tilespmem:$0x1C120] =	vst v0;
	v12 =	vadd.s32 v12, v9;
	v13 =	vadd.s32 v13, v7;
	v11 =	vadd.s32 v11, v8  }
0xf4: {  	[tilespmem:$0x1C0B0] =	vst v14;
	v12 =	vadd.s32 $0x7FFF, v12;
	v13 =	vadd.s32 $0x7FFF, v13;
	v11 =	vadd.s32 $0x7FFF, v11  }
0xf5: {  	s25 =	simm.s32 $0x0;
	[tilespmem:$0x1C130] =	vst v0;
	v12 =	vand.u32 $0xFFFF0000, v12;
	v13 =	vand.u32 $0xFFFF0000, v13;
	v11 =	vand.u32 $0xFFFF0000, v11  }
.LBB2_7:
0xf6: {  	s25 =	sadd.s32 $0x1, s25  }
0xf7: {  	p0 =	sne.s32 s25, $0x40  }
.Ltmp6:
0xf8: {  	_ = 	snop;
	(pc) =	sbr.rel @!p0 .LBB2_8-.Ltmp6, $1  }
0xf9: {  	_ =	sdelay $0x3  }
.LBB2_5:
0xfa: {  	s26 =	sshll.u32 s25, $0x8  }
0xfb: {  	v16 =	vld [tilespmem:s26+$0x10000]  }
0xfc: {  	v17 =	vld [tilespmem:s26+$0x14000];
	_ =	sdelay $0x1  }
0xfd: {  	v18 =	vld [tilespmem:s26+$0x18000];
	_ =	sdelay $0x2  }
0xfe: {  	v16 =	vmul.f32 v11, v16;
	v17 =	vmul.f32 v12, v17  }
0xff: {  	v19 =	vld [tilespmem:s26+$0xC000]  }
0x100: {  	v16 =	vadd.f32 v17, v16;
	v17 =	vmul.f32 v13, v18;
	_ =	sdelay $0x1  }
0x101: {  	v16 =	vadd.f32 v17, v16;
	_ =	sdelay $0x1  }
0x102: {  	v17 =	vadd.f32 v19, v10;
	v16 =	vadd.f32 v16, v16;
	_ =	sdelay $0x1  }
0x103: {  	v16 =	vsub.f32 v17, v16;
	_ =	sdelay $0x1  }
0x104: {  	vm0 =	vle.f32 v16, v14  }
0x105: {  	v17 =	vsel vm0, $0x1, v1  }
0x106: {  	(xrf0) =	vadd.scan.msk.s32 $0xffff, v17;
	_ =	sdelay $0x5  }
0x107: {  	v17, _, _ =	vpop (xrf0)  }
0x108: {  	v17 =	vadd.s32 v17, v15  }
0x109: {  	v17 =	vadd.s32 $0xFFFFFFFF, v17;
	_ =	sdelay $0x4  }
0x10a: {  	[tilespmem:v17+s15+$0x0] =	vst.idx.msk vm0, v16;
	v16 =	vor.u32 s26, v2  }
0x10b: {  	[tilespmem:v17+s16+$0x0] =	vst.idx.msk vm0, v16  }
0x10c: {  	v16 =	vld [tilespmem:s26+$0x10010]  }
0x10d: {  	v17 =	vld [tilespmem:s26+$0x14010];
	_ =	sdelay $0x1  }
0x10e: {  	v31 =	vld [tilespmem:s26+$0x18010];
	_ =	sdelay $0x2  }
0x10f: {  	v16 =	vmul.f32 v11, v16;
	v17 =	vmul.f32 v12, v17  }
0x110: {  	v32 =	vld [tilespmem:s26+$0xC010]  }
0x111: {  	v16 =	vadd.f32 v17, v16;
	v17 =	vmul.f32 v13, v31;
	_ =	sdelay $0x1  }
0x112: {  	v16 =	vadd.f32 v17, v16;
	_ =	sdelay $0x1  }
0x113: {  	v17 =	vadd.f32 v32, v10;
	v16 =	vadd.f32 v16, v16;
	_ =	sdelay $0x1  }
0x114: {  	v16 =	vsub.f32 v17, v16;
	_ =	sdelay $0x1  }
0x115: {  	vm1 =	vle.f32 v16, v14  }
0x116: {  	v17 =	vsel vm1, $0x1, v1  }
0x117: {  	(xrf0) =	vadd.scan.msk.s32 $0xffff, v17;
	_ =	sdelay $0x1  }
0x118: {  	v17 =	vmpcnt.ones.xlane vm0;
	_ =	sdelay $0x3  }
0x119: {  	v15 =	vadd.s32 v15, v17;
	v17, _, _ =	vpop (xrf0)  }
0x11a: {  	v17 =	vadd.s32 v17, v15  }
0x11b: {  	v17 =	vadd.s32 $0xFFFFFFFF, v17;
	_ =	sdelay $0x3  }
0x11c: {  	s28 =	sor.u32 $0x10, s26  }
0x11d: {  	[tilespmem:v17+s15+$0x0] =	vst.idx.msk vm1, v16;
	v16 =	vor.u32 s28, v2  }
0x11e: {  	[tilespmem:v17+s16+$0x0] =	vst.idx.msk vm1, v16  }
0x11f: {  	v16 =	vld [tilespmem:s26+$0x10020]  }
0x120: {  	v17 =	vld [tilespmem:s26+$0x14020];
	_ =	sdelay $0x1  }
0x121: {  	v33 =	vld [tilespmem:s26+$0x18020];
	_ =	sdelay $0x2  }
0x122: {  	v16 =	vmul.f32 v11, v16;
	v17 =	vmul.f32 v12, v17  }
0x123: {  	v34 =	vld [tilespmem:s26+$0xC020]  }
0x124: {  	v16 =	vadd.f32 v17, v16;
	v17 =	vmul.f32 v13, v33;
	_ =	sdelay $0x1  }
0x125: {  	v16 =	vadd.f32 v17, v16;
	_ =	sdelay $0x1  }
0x126: {  	v17 =	vadd.f32 v34, v10;
	v16 =	vadd.f32 v16, v16;
	_ =	sdelay $0x1  }
0x127: {  	v16 =	vsub.f32 v17, v16;
	_ =	sdelay $0x1  }
0x128: {  	vm13 =	vle.f32 v16, v14  }
0x129: {  	v17 =	vsel vm13, $0x1, v1  }
0x12a: {  	(xrf0) =	vadd.scan.msk.s32 $0xffff, v17;
	_ =	sdelay $0x1  }
0x12b: {  	v17 =	vmpcnt.ones.xlane vm1;
	_ =	sdelay $0x3  }
0x12c: {  	v15 =	vadd.s32 v15, v17;
	v17, _, _ =	vpop (xrf0)  }
0x12d: {  	v17 =	vadd.s32 v17, v15  }
0x12e: {  	v17 =	vadd.s32 $0xFFFFFFFF, v17;
	_ =	sdelay $0x3  }
0x12f: {  	s30 =	sor.u32 $0x20, s26  }
0x130: {  	[tilespmem:v17+s15+$0x0] =	vst.idx.msk vm13, v16;
	v16 =	vor.u32 s30, v2  }
0x131: {  	[tilespmem:v17+s16+$0x0] =	vst.idx.msk vm13, v16  }
0x132: {  	v16 =	vld [tilespmem:s26+$0x10030]  }
0x133: {  	v17 =	vld [tilespmem:s26+$0x14030];
	_ =	sdelay $0x1  }
0x134: {  	v35 =	vld [tilespmem:s26+$0x18030];
	_ =	sdelay $0x2  }
0x135: {  	v16 =	vmul.f32 v11, v16;
	v17 =	vmul.f32 v12, v17  }
0x136: {  	v36 =	vld [tilespmem:s26+$0xC030]  }
0x137: {  	v16 =	vadd.f32 v17, v16;
	v17 =	vmul.f32 v13, v35;
	_ =	sdelay $0x1  }
0x138: {  	v16 =	vadd.f32 v17, v16;
	_ =	sdelay $0x1  }
0x139: {  	v17 =	vadd.f32 v36, v10;
	v16 =	vadd.f32 v16, v16;
	_ =	sdelay $0x1  }
0x13a: {  	v16 =	vsub.f32 v17, v16;
	_ =	sdelay $0x1  }
0x13b: {  	vm14 =	vle.f32 v16, v14  }
0x13c: {  	v17 =	vsel vm14, $0x1, v1  }
0x13d: {  	(xrf0) =	vadd.scan.msk.s32 $0xffff, v17;
	_ =	sdelay $0x1  }
0x13e: {  	v17 =	vmpcnt.ones.xlane vm13;
	_ =	sdelay $0x3  }
0x13f: {  	v15 =	vadd.s32 v15, v17;
	v17, _, _ =	vpop (xrf0)  }
0x140: {  	v17 =	vadd.s32 v17, v15  }
0x141: {  	v17 =	vadd.s32 $0xFFFFFFFF, v17;
	_ =	sdelay $0x3  }
0x142: {  	s31 =	sor.u32 $0x30, s26  }
0x143: {  	[tilespmem:v17+s15+$0x0] =	vst.idx.msk vm14, v16;
	v16 =	vor.u32 s31, v2  }
0x144: {  	[tilespmem:v17+s16+$0x0] =	vst.idx.msk vm14, v16  }
0x145: {  	v16 =	vld [tilespmem:s26+$0x10040]  }
0x146: {  	v17 =	vld [tilespmem:s26+$0x14040];
	_ =	sdelay $0x1  }
0x147: {  	v37 =	vld [tilespmem:s26+$0x18040];
	_ =	sdelay $0x2  }
0x148: {  	v16 =	vmul.f32 v11, v16;
	v17 =	vmul.f32 v12, v17  }
0x149: {  	v38 =	vld [tilespmem:s26+$0xC040]  }
0x14a: {  	v16 =	vadd.f32 v17, v16;
	v17 =	vmul.f32 v13, v37;
	_ =	sdelay $0x1  }
0x14b: {  	v16 =	vadd.f32 v17, v16;
	_ =	sdelay $0x1  }
0x14c: {  	v17 =	vadd.f32 v38, v10;
	v16 =	vadd.f32 v16, v16;
	_ =	sdelay $0x1  }
0x14d: {  	v16 =	vsub.f32 v17, v16;
	_ =	sdelay $0x1  }
0x14e: {  	vm15 =	vle.f32 v16, v14  }
0x14f: {  	v17 =	vsel vm15, $0x1, v1  }
0x150: {  	(xrf0) =	vadd.scan.msk.s32 $0xffff, v17;
	_ =	sdelay $0x1  }
0x151: {  	v17 =	vmpcnt.ones.xlane vm14;
	_ =	sdelay $0x3  }
0x152: {  	v15 =	vadd.s32 v15, v17;
	v17, _, _ =	vpop (xrf0)  }
0x153: {  	v17 =	vadd.s32 v17, v15  }
0x154: {  	v17 =	vadd.s32 $0xFFFFFFFF, v17;
	_ =	sdelay $0x3  }
0x155: {  	s29 =	sor.u32 $0x40, s26  }
0x156: {  	[tilespmem:v17+s15+$0x0] =	vst.idx.msk vm15, v16;
	v16 =	vor.u32 s29, v2  }
0x157: {  	[tilespmem:v17+s16+$0x0] =	vst.idx.msk vm15, v16  }
0x158: {  	v16 =	vld [tilespmem:s26+$0x10050]  }
0x159: {  	v17 =	vld [tilespmem:s26+$0x14050];
	_ =	sdelay $0x1  }
0x15a: {  	v39 =	vld [tilespmem:s26+$0x18050];
	_ =	sdelay $0x2  }
0x15b: {  	v16 =	vmul.f32 v11, v16;
	v17 =	vmul.f32 v12, v17  }
0x15c: {  	v40 =	vld [tilespmem:s26+$0xC050]  }
0x15d: {  	v16 =	vadd.f32 v17, v16;
	v17 =	vmul.f32 v13, v39;
	_ =	sdelay $0x1  }
0x15e: {  	v16 =	vadd.f32 v17, v16;
	_ =	sdelay $0x1  }
0x15f: {  	v17 =	vadd.f32 v40, v10;
	v16 =	vadd.f32 v16, v16;
	_ =	sdelay $0x1  }
0x160: {  	v16 =	vsub.f32 v17, v16;
	_ =	sdelay $0x1  }
0x161: {  	vm4 =	vle.f32 v16, v14  }
0x162: {  	v17 =	vsel vm4, $0x1, v1  }
0x163: {  	(xrf0) =	vadd.scan.msk.s32 $0xffff, v17;
	_ =	sdelay $0x1  }
0x164: {  	v17 =	vmpcnt.ones.xlane vm15;
	_ =	sdelay $0x3  }
0x165: {  	v15 =	vadd.s32 v15, v17;
	v17, _, _ =	vpop (xrf0)  }
0x166: {  	v17 =	vadd.s32 v17, v15  }
0x167: {  	v17 =	vadd.s32 $0xFFFFFFFF, v17;
	_ =	sdelay $0x3  }
0x168: {  	s30 =	sor.u32 $0x50, s26  }
0x169: {  	[tilespmem:v17+s15+$0x0] =	vst.idx.msk vm4, v16;
	v16 =	vor.u32 s30, v2  }
0x16a: {  	[tilespmem:v17+s16+$0x0] =	vst.idx.msk vm4, v16  }
0x16b: {  	v16 =	vld [tilespmem:s26+$0x10060]  }
0x16c: {  	v17 =	vld [tilespmem:s26+$0x14060];
	_ =	sdelay $0x1  }
0x16d: {  	v41 =	vld [tilespmem:s26+$0x18060];
	_ =	sdelay $0x2  }
0x16e: {  	v16 =	vmul.f32 v11, v16;
	v17 =	vmul.f32 v12, v17  }
0x16f: {  	v42 =	vld [tilespmem:s26+$0xC060]  }
0x170: {  	v16 =	vadd.f32 v17, v16;
	v17 =	vmul.f32 v13, v41;
	_ =	sdelay $0x1  }
0x171: {  	v16 =	vadd.f32 v17, v16;
	_ =	sdelay $0x1  }
0x172: {  	v17 =	vadd.f32 v42, v10;
	v16 =	vadd.f32 v16, v16;
	_ =	sdelay $0x1  }
0x173: {  	v16 =	vsub.f32 v17, v16;
	_ =	sdelay $0x1  }
0x174: {  	vm5 =	vle.f32 v16, v14  }
0x175: {  	v17 =	vsel vm5, $0x1, v1  }
0x176: {  	(xrf0) =	vadd.scan.msk.s32 $0xffff, v17;
	_ =	sdelay $0x1  }
0x177: {  	v17 =	vmpcnt.ones.xlane vm4;
	_ =	sdelay $0x3  }
0x178: {  	v15 =	vadd.s32 v15, v17;
	v17, _, _ =	vpop (xrf0)  }
0x179: {  	v17 =	vadd.s32 v17, v15  }
0x17a: {  	v17 =	vadd.s32 $0xFFFFFFFF, v17;
	_ =	sdelay $0x3  }
0x17b: {  	s31 =	sor.u32 $0x60, s26  }
0x17c: {  	[tilespmem:v17+s15+$0x0] =	vst.idx.msk vm5, v16;
	v16 =	vor.u32 s31, v2  }
0x17d: {  	[tilespmem:v17+s16+$0x0] =	vst.idx.msk vm5, v16  }
0x17e: {  	v16 =	vld [tilespmem:s26+$0x10070]  }
0x17f: {  	v17 =	vld [tilespmem:s26+$0x14070];
	_ =	sdelay $0x1  }
0x180: {  	v43 =	vld [tilespmem:s26+$0x18070];
	_ =	sdelay $0x2  }
0x181: {  	v16 =	vmul.f32 v11, v16;
	v17 =	vmul.f32 v12, v17  }
0x182: {  	v44 =	vld [tilespmem:s26+$0xC070]  }
0x183: {  	v16 =	vadd.f32 v17, v16;
	v17 =	vmul.f32 v13, v43;
	_ =	sdelay $0x1  }
0x184: {  	v16 =	vadd.f32 v17, v16;
	_ =	sdelay $0x1  }
0x185: {  	v17 =	vadd.f32 v44, v10;
	v16 =	vadd.f32 v16, v16;
	_ =	sdelay $0x1  }
0x186: {  	v16 =	vsub.f32 v17, v16;
	_ =	sdelay $0x1  }
0x187: {  	vm6 =	vle.f32 v16, v14  }
0x188: {  	v17 =	vsel vm6, $0x1, v1  }
0x189: {  	(xrf0) =	vadd.scan.msk.s32 $0xffff, v17;
	_ =	sdelay $0x1  }
0x18a: {  	v17 =	vmpcnt.ones.xlane vm5;
	_ =	sdelay $0x3  }
0x18b: {  	v15 =	vadd.s32 v15, v17;
	v17, _, _ =	vpop (xrf0)  }
0x18c: {  	v17 =	vadd.s32 v17, v15  }
0x18d: {  	v17 =	vadd.s32 $0xFFFFFFFF, v17;
	_ =	sdelay $0x3  }
0x18e: {  	s29 =	sor.u32 $0x70, s26  }
0x18f: {  	[tilespmem:v17+s15+$0x0] =	vst.idx.msk vm6, v16;
	v16 =	vor.u32 s29, v2  }
0x190: {  	[tilespmem:v17+s16+$0x0] =	vst.idx.msk vm6, v16  }
0x191: {  	v16 =	vld [tilespmem:s26+$0x10080]  }
0x192: {  	v17 =	vld [tilespmem:s26+$0x14080];
	_ =	sdelay $0x1  }
0x193: {  	v45 =	vld [tilespmem:s26+$0x18080];
	_ =	sdelay $0x2  }
0x194: {  	v16 =	vmul.f32 v11, v16;
	v17 =	vmul.f32 v12, v17  }
0x195: {  	v46 =	vld [tilespmem:s26+$0xC080]  }
0x196: {  	v16 =	vadd.f32 v17, v16;
	v17 =	vmul.f32 v13, v45;
	_ =	sdelay $0x1  }
0x197: {  	v16 =	vadd.f32 v17, v16;
	_ =	sdelay $0x1  }
0x198: {  	v17 =	vadd.f32 v46, v10;
	v16 =	vadd.f32 v16, v16;
	_ =	sdelay $0x1  }
0x199: {  	v16 =	vsub.f32 v17, v16;
	_ =	sdelay $0x1  }
0x19a: {  	vm7 =	vle.f32 v16, v14  }
0x19b: {  	v17 =	vsel vm7, $0x1, v1  }
0x19c: {  	(xrf0) =	vadd.scan.msk.s32 $0xffff, v17;
	_ =	sdelay $0x1  }
0x19d: {  	v17 =	vmpcnt.ones.xlane vm6;
	_ =	sdelay $0x3  }
0x19e: {  	v15 =	vadd.s32 v15, v17;
	v17, _, _ =	vpop (xrf0)  }
0x19f: {  	v17 =	vadd.s32 v17, v15  }
0x1a0: {  	v17 =	vadd.s32 $0xFFFFFFFF, v17;
	_ =	sdelay $0x3  }
0x1a1: {  	s30 =	sor.u32 $0x80, s26  }
0x1a2: {  	[tilespmem:v17+s15+$0x0] =	vst.idx.msk vm7, v16;
	v16 =	vor.u32 s30, v2  }
0x1a3: {  	[tilespmem:v17+s16+$0x0] =	vst.idx.msk vm7, v16  }
0x1a4: {  	v16 =	vld [tilespmem:s26+$0x10090]  }
0x1a5: {  	v17 =	vld [tilespmem:s26+$0x14090];
	_ =	sdelay $0x1  }
0x1a6: {  	v47 =	vld [tilespmem:s26+$0x18090];
	_ =	sdelay $0x2  }
0x1a7: {  	v16 =	vmul.f32 v11, v16;
	v17 =	vmul.f32 v12, v17  }
0x1a8: {  	v48 =	vld [tilespmem:s26+$0xC090]  }
0x1a9: {  	v16 =	vadd.f32 v17, v16;
	v17 =	vmul.f32 v13, v47;
	_ =	sdelay $0x1  }
0x1aa: {  	v16 =	vadd.f32 v17, v16;
	_ =	sdelay $0x1  }
0x1ab: {  	v17 =	vadd.f32 v48, v10;
	v16 =	vadd.f32 v16, v16;
	_ =	sdelay $0x1  }
0x1ac: {  	v16 =	vsub.f32 v17, v16;
	_ =	sdelay $0x1  }
0x1ad: {  	vm8 =	vle.f32 v16, v14  }
0x1ae: {  	v17 =	vsel vm8, $0x1, v1  }
0x1af: {  	(xrf0) =	vadd.scan.msk.s32 $0xffff, v17;
	_ =	sdelay $0x1  }
0x1b0: {  	v17 =	vmpcnt.ones.xlane vm7;
	_ =	sdelay $0x3  }
0x1b1: {  	v15 =	vadd.s32 v15, v17;
	v17, _, _ =	vpop (xrf0)  }
0x1b2: {  	v17 =	vadd.s32 v17, v15  }
0x1b3: {  	v17 =	vadd.s32 $0xFFFFFFFF, v17;
	_ =	sdelay $0x3  }
0x1b4: {  	s31 =	sor.u32 $0x90, s26  }
0x1b5: {  	[tilespmem:v17+s15+$0x0] =	vst.idx.msk vm8, v16;
	v16 =	vor.u32 s31, v2  }
0x1b6: {  	[tilespmem:v17+s16+$0x0] =	vst.idx.msk vm8, v16  }
0x1b7: {  	v16 =	vld [tilespmem:s26+$0x100A0]  }
0x1b8: {  	v17 =	vld [tilespmem:s26+$0x140A0];
	_ =	sdelay $0x1  }
0x1b9: {  	v49 =	vld [tilespmem:s26+$0x180A0];
	_ =	sdelay $0x2  }
0x1ba: {  	v16 =	vmul.f32 v11, v16;
	v17 =	vmul.f32 v12, v17  }
0x1bb: {  	v50 =	vld [tilespmem:s26+$0xC0A0]  }
0x1bc: {  	v16 =	vadd.f32 v17, v16;
	v17 =	vmul.f32 v13, v49;
	_ =	sdelay $0x1  }
0x1bd: {  	v16 =	vadd.f32 v17, v16;
	_ =	sdelay $0x1  }
0x1be: {  	v17 =	vadd.f32 v50, v10;
	v16 =	vadd.f32 v16, v16;
	_ =	sdelay $0x1  }
0x1bf: {  	v16 =	vsub.f32 v17, v16;
	_ =	sdelay $0x1  }
0x1c0: {  	vm9 =	vle.f32 v16, v14  }
0x1c1: {  	v17 =	vsel vm9, $0x1, v1  }
0x1c2: {  	(xrf0) =	vadd.scan.msk.s32 $0xffff, v17;
	_ =	sdelay $0x1  }
0x1c3: {  	v17 =	vmpcnt.ones.xlane vm8;
	_ =	sdelay $0x3  }
0x1c4: {  	v15 =	vadd.s32 v15, v17;
	v17, _, _ =	vpop (xrf0)  }
0x1c5: {  	v17 =	vadd.s32 v17, v15  }
0x1c6: {  	v17 =	vadd.s32 $0xFFFFFFFF, v17;
	_ =	sdelay $0x3  }
0x1c7: {  	s29 =	sor.u32 $0xA0, s26  }
0x1c8: {  	[tilespmem:v17+s15+$0x0] =	vst.idx.msk vm9, v16;
	v16 =	vor.u32 s29, v2  }
0x1c9: {  	[tilespmem:v17+s16+$0x0] =	vst.idx.msk vm9, v16  }
0x1ca: {  	v16 =	vld [tilespmem:s26+$0x100B0]  }
0x1cb: {  	v17 =	vld [tilespmem:s26+$0x140B0];
	_ =	sdelay $0x1  }
0x1cc: {  	v51 =	vld [tilespmem:s26+$0x180B0];
	_ =	sdelay $0x2  }
0x1cd: {  	v16 =	vmul.f32 v11, v16;
	v17 =	vmul.f32 v12, v17  }
0x1ce: {  	v52 =	vld [tilespmem:s26+$0xC0B0]  }
0x1cf: {  	v16 =	vadd.f32 v17, v16;
	v17 =	vmul.f32 v13, v51;
	_ =	sdelay $0x1  }
0x1d0: {  	v16 =	vadd.f32 v17, v16;
	_ =	sdelay $0x1  }
0x1d1: {  	v17 =	vadd.f32 v52, v10;
	v16 =	vadd.f32 v16, v16;
	_ =	sdelay $0x1  }
0x1d2: {  	v16 =	vsub.f32 v17, v16;
	_ =	sdelay $0x1  }
0x1d3: {  	vm10 =	vle.f32 v16, v14  }
0x1d4: {  	v17 =	vsel vm10, $0x1, v1  }
0x1d5: {  	(xrf0) =	vadd.scan.msk.s32 $0xffff, v17;
	_ =	sdelay $0x1  }
0x1d6: {  	v17 =	vmpcnt.ones.xlane vm9;
	_ =	sdelay $0x3  }
0x1d7: {  	v15 =	vadd.s32 v15, v17;
	v17, _, _ =	vpop (xrf0)  }
0x1d8: {  	v17 =	vadd.s32 v17, v15  }
0x1d9: {  	v17 =	vadd.s32 $0xFFFFFFFF, v17;
	_ =	sdelay $0x3  }
0x1da: {  	s30 =	sor.u32 $0xB0, s26  }
0x1db: {  	[tilespmem:v17+s15+$0x0] =	vst.idx.msk vm10, v16;
	v16 =	vor.u32 s30, v2  }
0x1dc: {  	[tilespmem:v17+s16+$0x0] =	vst.idx.msk vm10, v16  }
0x1dd: {  	v16 =	vld [tilespmem:s26+$0x100C0]  }
0x1de: {  	v17 =	vld [tilespmem:s26+$0x140C0];
	_ =	sdelay $0x1  }
0x1df: {  	v53 =	vld [tilespmem:s26+$0x180C0];
	_ =	sdelay $0x2  }
0x1e0: {  	v16 =	vmul.f32 v11, v16;
	v17 =	vmul.f32 v12, v17  }
0x1e1: {  	v54 =	vld [tilespmem:s26+$0xC0C0]  }
0x1e2: {  	v16 =	vadd.f32 v17, v16;
	v17 =	vmul.f32 v13, v53;
	_ =	sdelay $0x1  }
0x1e3: {  	v16 =	vadd.f32 v17, v16;
	_ =	sdelay $0x1  }
0x1e4: {  	v17 =	vadd.f32 v54, v10;
	v16 =	vadd.f32 v16, v16;
	_ =	sdelay $0x1  }
0x1e5: {  	v16 =	vsub.f32 v17, v16;
	_ =	sdelay $0x1  }
0x1e6: {  	vm11 =	vle.f32 v16, v14  }
0x1e7: {  	v17 =	vsel vm11, $0x1, v1  }
0x1e8: {  	(xrf0) =	vadd.scan.msk.s32 $0xffff, v17;
	_ =	sdelay $0x1  }
0x1e9: {  	v17 =	vmpcnt.ones.xlane vm10;
	_ =	sdelay $0x3  }
0x1ea: {  	v15 =	vadd.s32 v15, v17;
	v17, _, _ =	vpop (xrf0)  }
0x1eb: {  	v17 =	vadd.s32 v17, v15  }
0x1ec: {  	v17 =	vadd.s32 $0xFFFFFFFF, v17;
	_ =	sdelay $0x3  }
0x1ed: {  	s31 =	sor.u32 $0xC0, s26  }
0x1ee: {  	[tilespmem:v17+s15+$0x0] =	vst.idx.msk vm11, v16;
	v16 =	vor.u32 s31, v2  }
0x1ef: {  	[tilespmem:v17+s16+$0x0] =	vst.idx.msk vm11, v16  }
0x1f0: {  	v16 =	vld [tilespmem:s26+$0x100D0]  }
0x1f1: {  	v17 =	vld [tilespmem:s26+$0x140D0];
	_ =	sdelay $0x1  }
0x1f2: {  	v55 =	vld [tilespmem:s26+$0x180D0];
	_ =	sdelay $0x2  }
0x1f3: {  	v16 =	vmul.f32 v11, v16;
	v17 =	vmul.f32 v12, v17  }
0x1f4: {  	v56 =	vld [tilespmem:s26+$0xC0D0]  }
0x1f5: {  	v16 =	vadd.f32 v17, v16;
	v17 =	vmul.f32 v13, v55;
	_ =	sdelay $0x1  }
0x1f6: {  	v16 =	vadd.f32 v17, v16;
	_ =	sdelay $0x1  }
0x1f7: {  	v17 =	vadd.f32 v56, v10;
	v16 =	vadd.f32 v16, v16;
	_ =	sdelay $0x1  }
0x1f8: {  	v16 =	vsub.f32 v17, v16;
	_ =	sdelay $0x1  }
0x1f9: {  	vm12 =	vle.f32 v16, v14  }
0x1fa: {  	v17 =	vsel vm12, $0x1, v1  }
0x1fb: {  	(xrf0) =	vadd.scan.msk.s32 $0xffff, v17;
	_ =	sdelay $0x1  }
0x1fc: {  	v17 =	vmpcnt.ones.xlane vm11;
	_ =	sdelay $0x3  }
0x1fd: {  	v15 =	vadd.s32 v15, v17;
	v17, _, _ =	vpop (xrf0)  }
0x1fe: {  	v17 =	vadd.s32 v17, v15  }
0x1ff: {  	v17 =	vadd.s32 $0xFFFFFFFF, v17;
	_ =	sdelay $0x3  }
0x200: {  	s29 =	sor.u32 $0xD0, s26  }
0x201: {  	[tilespmem:v17+s15+$0x0] =	vst.idx.msk vm12, v16;
	v16 =	vor.u32 s29, v2  }
0x202: {  	[tilespmem:v17+s16+$0x0] =	vst.idx.msk vm12, v16  }
0x203: {  	v16 =	vld [tilespmem:s26+$0x100E0]  }
0x204: {  	v17 =	vld [tilespmem:s26+$0x140E0];
	_ =	sdelay $0x1  }
0x205: {  	v57 =	vld [tilespmem:s26+$0x180E0];
	_ =	sdelay $0x2  }
0x206: {  	v16 =	vmul.f32 v11, v16;
	v17 =	vmul.f32 v12, v17  }
0x207: {  	v58 =	vld [tilespmem:s26+$0xC0E0]  }
0x208: {  	v16 =	vadd.f32 v17, v16;
	v17 =	vmul.f32 v13, v57;
	_ =	sdelay $0x1  }
0x209: {  	v16 =	vadd.f32 v17, v16;
	_ =	sdelay $0x1  }
0x20a: {  	v17 =	vadd.f32 v58, v10;
	v16 =	vadd.f32 v16, v16;
	_ =	sdelay $0x1  }
0x20b: {  	v16 =	vsub.f32 v17, v16;
	_ =	sdelay $0x1  }
0x20c: {  	vm13 =	vle.f32 v16, v14  }
0x20d: {  	v17 =	vsel vm13, $0x1, v1  }
0x20e: {  	(xrf0) =	vadd.scan.msk.s32 $0xffff, v17;
	_ =	sdelay $0x1  }
0x20f: {  	v17 =	vmpcnt.ones.xlane vm12;
	_ =	sdelay $0x3  }
0x210: {  	v15 =	vadd.s32 v15, v17;
	v17, _, _ =	vpop (xrf0)  }
0x211: {  	v17 =	vadd.s32 v17, v15  }
0x212: {  	v17 =	vadd.s32 $0xFFFFFFFF, v17;
	_ =	sdelay $0x3  }
0x213: {  	s30 =	sor.u32 $0xE0, s26  }
0x214: {  	[tilespmem:v17+s15+$0x0] =	vst.idx.msk vm13, v16;
	v16 =	vor.u32 s30, v2  }
0x215: {  	[tilespmem:v17+s16+$0x0] =	vst.idx.msk vm13, v16  }
0x216: {  	v16 =	vld [tilespmem:s26+$0x100F0]  }
0x217: {  	v17 =	vld [tilespmem:s26+$0x140F0];
	_ =	sdelay $0x1  }
0x218: {  	v59 =	vld [tilespmem:s26+$0x180F0];
	_ =	sdelay $0x2  }
0x219: {  	v16 =	vmul.f32 v11, v16;
	v17 =	vmul.f32 v12, v17  }
0x21a: {  	v60 =	vld [tilespmem:s26+$0xC0F0]  }
0x21b: {  	v16 =	vadd.f32 v17, v16;
	v17 =	vmul.f32 v13, v59;
	_ =	sdelay $0x1  }
0x21c: {  	v16 =	vadd.f32 v17, v16;
	_ =	sdelay $0x1  }
0x21d: {  	v17 =	vadd.f32 v60, v10;
	v16 =	vadd.f32 v16, v16;
	_ =	sdelay $0x1  }
0x21e: {  	v16 =	vsub.f32 v17, v16;
	_ =	sdelay $0x1  }
0x21f: {  	v17 =	vmpcnt.ones.xlane vm13;
	vm14 =	vle.f32 v16, v14  }
0x220: {  	v61 =	vmpcnt.ones.xlane vm14  }
0x221: {  	v17 =	vadd.s32 v15, v17  }
0x222: {  	v15 =	vadd.s32 v17, v61  }
0x223: {  	v62 =	vsel vm14, $0x1, v1;
	vm15 =	vgt.s32 v15, $0xF  }
0x224: {  	(xrf0) =	vadd.scan.msk.s32 $0xffff, v62;
	v63 =	vsel vm15, $0x3F800000, v3  }
0x225: {  	(xrf0) =	vmax.scan.msk.f32 $0xffff, v63;
	_ =	sdelay $0x4  }
0x226: {  	v18, _, _ =	vpop (xrf0)  }
0x227: {  	v19, _, _ =	vpop (xrf0)  }
0x228: {  	(v2sf) =	vpush v19, $0xF;
	_ =	sdelay $0xd  }
0x229: {  	v17 =	vadd.s32 v18, v17  }
0x22a: {  	v17 =	vadd.s32 $0xFFFFFFFF, v17;
	s31 =	spop (v2sf)  }
0x22b: {  	p0 =	sgt.f32 s31, $0.0e+00  }
.Ltmp7:
0x22c: {  	_ = 	snop;
	(pc) =	sbr.rel @!p0 .LBB2_7-.Ltmp7, $4  }
0x22d: {  	_ = 	snop  }
0x22e: {  	s26 =	sor.u32 $0xF0, s26  }
0x22f: {  	[tilespmem:v17+s15+$0x0] =	vst.idx.msk vm14, v16;
	v16 =	vor.u32 s26, v2  }
0x230: {  	[tilespmem:v17+s16+$0x0] =	vst.idx.msk vm14, v16  }
.LBB2_6:
0x231: {  	v14 =	vld [tilespmem:$0x1C180]  }
0x232: {  	v16 =	vld [tilespmem:$0x1C300];
	_ =	sdelay $0x4  }
0x233: {  	(xrf1) =	vsort.ascd.msk.f32 $0xffff, v14, v16;
	_ =	sdelay $0xa  }
0x234: {  	v14 =	vld [tilespmem:$0x1C080]  }
0x235: {  	v17 =	vmul.u32 $0xFFFFFFFF, v2;
	v16 =	vld [tilespmem:$0x1C100];
	_ =	sdelay $0x1  }
0x236: {  	v17 =	vadd.s32 $0xF, v17;
	v18, v19, _ =	vpop (xrf1)  }
0x237: {  	v18 =	vperm.xlane v18, v17;
	v19 =	vperm.xlane v19, v17;
	_ =	sdelay $0x1  }
0x238: {  	vm0 =	veq.f32 v14, v18;
	vm1 =	vlt.s32 v16, v19  }
0x239: {  	vm2 =	vlt.f32 v14, v18;
	vm0 =	vmand vm0, vm1  }
0x23a: {  	vm0 =	vmor vm2, vm0  }
0x23b: {  	v20 =	vsel vm0, v14, v18;
	v21 =	vsel vm0, v16, v19  }
0x23c: {  	v14 =	vsel vm0, v18, v14;
	v16 =	vsel vm0, v19, v16;
	(xrf1) =	vsort.ascd.msk.f32 $0xffff, v20, v21  }
0x23d: {  	(xrf1) =	vsort.ascd.msk.f32 $0xffff, v14, v16;
	_ =	sdelay $0xa  }
0x23e: {  	v14 =	vld [tilespmem:$0x1C090]  }
0x23f: {  	v16 =	vld [tilespmem:$0x1C110]  }
0x240: {  	v43, v44, _ =	vpop (xrf1)  }
0x241: {  	v20, v21, _ =	vpop (xrf1)  }
0x242: {  	v20 =	vperm.xlane v20, v17;
	v21 =	vperm.xlane v21, v17;
	_ =	sdelay $0x1  }
0x243: {  	vm6 =	veq.f32 v14, v20;
	vm7 =	vlt.s32 v16, v21  }
0x244: {  	vm8 =	vlt.f32 v14, v20;
	vm0 =	vmand vm6, vm7  }
0x245: {  	vm0 =	vmor vm8, vm0  }
0x246: {  	v22 =	vsel vm0, v14, v20;
	v23 =	vsel vm0, v16, v21  }
0x247: {  	v14 =	vsel vm0, v20, v14;
	v16 =	vsel vm0, v21, v16;
	(xrf1) =	vsort.ascd.msk.f32 $0xffff, v22, v23  }
0x248: {  	(xrf1) =	vsort.ascd.msk.f32 $0xffff, v14, v16;
	_ =	sdelay $0xa  }
0x249: {  	v14 =	vld [tilespmem:$0x1C0A0]  }
0x24a: {  	v16 =	vld [tilespmem:$0x1C120]  }
0x24b: {  	v45, v46, _ =	vpop (xrf1)  }
0x24c: {  	v22, v23, _ =	vpop (xrf1)  }
0x24d: {  	v22 =	vperm.xlane v22, v17;
	v23 =	vperm.xlane v23, v17;
	_ =	sdelay $0x1  }
0x24e: {  	vm9 =	veq.f32 v14, v22;
	vm10 =	vlt.s32 v16, v23  }
0x24f: {  	vm11 =	vlt.f32 v14, v22;
	vm0 =	vmand vm9, vm10  }
0x250: {  	vm0 =	vmor vm11, vm0  }
0x251: {  	v24 =	vsel vm0, v14, v22;
	v25 =	vsel vm0, v16, v23  }
0x252: {  	v14 =	vsel vm0, v22, v14;
	v16 =	vsel vm0, v23, v16;
	(xrf1) =	vsort.ascd.msk.f32 $0xffff, v24, v25  }
0x253: {  	(xrf1) =	vsort.ascd.msk.f32 $0xffff, v14, v16;
	_ =	sdelay $0xa  }
0x254: {  	v14 =	vld [tilespmem:$0x1C0B0]  }
0x255: {  	v16 =	vld [tilespmem:$0x1C130]  }
0x256: {  	v47, v48, _ =	vpop (xrf1)  }
0x257: {  	v24, v25, _ =	vpop (xrf1)  }
0x258: {  	v24 =	vperm.xlane v24, v17;
	v17 =	vperm.xlane v25, v17;
	_ =	sdelay $0x1  }
0x259: {  	vm12 =	veq.f32 v14, v24;
	vm13 =	vlt.s32 v16, v17  }
0x25a: {  	vm14 =	vlt.f32 v14, v24;
	vm0 =	vmand vm12, vm13  }
0x25b: {  	vm0 =	vmor vm14, vm0  }
0x25c: {  	v14 =	vsel vm0, v14, v24;
	v16 =	vsel vm0, v16, v17  }
0x25d: {  	(xrf1) =	vsort.ascd.msk.f32 $0xffff, v14, v16  }
0x25e: {  	v50 =	vld [tilespmem:$0x1C1A0]  }
0x25f: {  	v51 =	vld [tilespmem:$0x1C1B0]  }
0x260: {  	v52 =	vld [tilespmem:$0x1C340]  }
0x261: {  	v53 =	vld [tilespmem:$0x1C350]  }
0x262: {  	v54 =	vld [tilespmem:$0x1C1F0]  }
0x263: {  	v56 =	vld [tilespmem:$0x1C200]  }
0x264: {  	v58 =	vld [tilespmem:$0x1C3A0]  }
0x265: {  	v60 =	vld [tilespmem:$0x1C250]  }
0x266: {  	v62 =	vld [tilespmem:$0x1C3F0];
	[tilespmem:$0x1C1A0] =	vst v51  }
0x267: {  	v57 =	vld [tilespmem:$0x1C390];
	[tilespmem:$0x1C340] =	vst v53  }
0x268: {  	v59 =	vld [tilespmem:$0x1C240];
	[tilespmem:$0x1C1F0] =	vst v56  }
0x269: {  	[tilespmem:$0x1C390] =	vst v58;
	v16 =	vld [tilespmem:$0x1C310]  }
0x26a: {  	v61 =	vld [tilespmem:$0x1C3E0];
	[tilespmem:$0x1C240] =	vst v60  }
0x26b: {  	[tilespmem:$0x1C3E0] =	vst v62;
	v14 =	vld [tilespmem:$0x1C190];
	v17, v49, _ =	vpop (xrf1)  }
0x26c: {  	[tilespmem:$0x1C0B0] =	vst v17;
	v17 =	vld [tilespmem:$0x1C320]  }
0x26d: {  	[tilespmem:$0x1C080] =	vst v43  }
0x26e: {  	[tilespmem:$0x1C300] =	vst v16;
	v16 =	vld [tilespmem:$0x1C1C0]  }
0x26f: {  	[tilespmem:$0x1C100] =	vst v44  }
0x270: {  	[tilespmem:$0x1C180] =	vst v14;
	v14 =	vld [tilespmem:$0x1C330]  }
0x271: {  	v15 =	vadd.s32 $0xFFFFFFF0, v15;
	[tilespmem:$0x1C310] =	vst v17;
	v17 =	vld [tilespmem:$0x1C1D0]  }
0x272: {  	vm15 =	vgt.s32 v15, $0xF;
	[tilespmem:$0x1C090] =	vst v45  }
0x273: {  	v55 =	vsel vm15, $0x3F800000, v3;
	[tilespmem:$0x1C1B0] =	vst v16;
	v16 =	vld [tilespmem:$0x1C360]  }
0x274: {  	(xrf0) =	vmax.scan.msk.f32 $0xffff, v55;
	[tilespmem:$0x1C110] =	vst v46  }
0x275: {  	[tilespmem:$0x1C320] =	vst v14;
	v14 =	vld [tilespmem:$0x1C1E0]  }
0x276: {  	[tilespmem:$0x1C1C0] =	vst v17;
	v17 =	vld [tilespmem:$0x1C370]  }
0x277: {  	[tilespmem:$0x1C0A0] =	vst v47  }
0x278: {  	[tilespmem:$0x1C350] =	vst v16;
	v16 =	vld [tilespmem:$0x1C210]  }
0x279: {  	[tilespmem:$0x1C120] =	vst v48  }
0x27a: {  	v20, _, _ =	vpop (xrf0);
	[tilespmem:$0x1C1D0] =	vst v14;
	v14 =	vld [tilespmem:$0x1C380]  }
0x27b: {  	(v2sf) =	vpush v20, $0xF;
	[tilespmem:$0x1C360] =	vst v17;
	v17 =	vld [tilespmem:$0x1C220]  }
0x27c: {  	[tilespmem:$0x1C190] =	vst v50  }
0x27d: {  	[tilespmem:$0x1C200] =	vst v16;
	v16 =	vld [tilespmem:$0x1C3B0]  }
0x27e: {  	[tilespmem:$0x1C330] =	vst v52  }
0x27f: {  	[tilespmem:$0x1C370] =	vst v14;
	v14 =	vld [tilespmem:$0x1C230]  }
0x280: {  	[tilespmem:$0x1C210] =	vst v17;
	v17 =	vld [tilespmem:$0x1C3C0]  }
0x281: {  	[tilespmem:$0x1C130] =	vst v49  }
0x282: {  	[tilespmem:$0x1C3A0] =	vst v16;
	v16 =	vld [tilespmem:$0x1C260]  }
0x283: {  	[tilespmem:$0x1C1E0] =	vst v54  }
0x284: {  	[tilespmem:$0x1C220] =	vst v14;
	v14 =	vld [tilespmem:$0x1C3D0]  }
0x285: {  	[tilespmem:$0x1C3B0] =	vst v17;
	v17 =	vld [tilespmem:$0x1C270]  }
0x286: {  	[tilespmem:$0x1C380] =	vst v57  }
0x287: {  	[tilespmem:$0x1C250] =	vst v16;
	v16 =	vld [tilespmem:$0x1C400]  }
0x288: {  	v63 =	vld [tilespmem:$0x1C290];
	[tilespmem:$0x1C230] =	vst v59  }
0x289: {  	[tilespmem:$0x1C3C0] =	vst v14;
	v14 =	vld [tilespmem:$0x1C280]  }
0x28a: {  	s26 =	spop (v2sf);
	[tilespmem:$0x1C260] =	vst v17;
	v17 =	vld [tilespmem:$0x1C410]  }
0x28b: {  	p0 =	sgt.f32 s26, $0.0e+00;
	[tilespmem:$0x1C3D0] =	vst v61  }
.Ltmp8:
0x28c: {  	[tilespmem:$0x1C3F0] =	vst v16;
	(pc) =	sbr.rel @p0 .LBB2_6-.Ltmp8, $4  }
0x28d: {  	[tilespmem:$0x1C280] =	vst v63  }
0x28e: {  	[tilespmem:$0x1C270] =	vst v14  }
0x28f: {  	[tilespmem:$0x1C400] =	vst v17  }
0x290: {  	v14 =	vld.idx.msk [tilespmem:v4+s17+$0x0], $0xffff  }
.Ltmp9:
0x291: {  	_ = 	snop;
	(pc) =	sbr.rel .LBB2_7-.Ltmp9, $1  }
0x292: {  	_ =	sdelay $0x3  }
.LBB2_10:
0x293: {  	_ =	sfence.sel $0x180000  }
0x294: {  	[bflag:$0x0] =	sbarrier.arrive $0xFFFF  }
0x295: {  	p0 =	sne.s32 s1, $0x0;
	_ =	strace $0x90000047  }
0x296: {  	s0 =	sadd.s32 @!p0 $0x100000, s0;
	[bflag:$0x2] =	sbarrier.arrive $0xFFFF  }
0x297: {  	[sflag:s0] =	ssyncadd.tile.s32 @!p0 $0x1;
	_ =	shalt  }
.Lfunc_end2:
_tile_overlayer_lowered:
.L_overlay_start_2:
0x298: {  	(tag) =	ssettag $0x2  }
0x299: {  	s0 =	rddreg [dreg:$0x0];
	s2 =	stileid.u32  }
0x29a: {  	s1 =	rddreg [dreg:$0x1];
	p0 =	sne.s32 s2, $0x0  }
0x29b: {  	s3 =	rddreg [dreg:$0x2];
	[bflag:$0x3] =	sbarrier.arrive $0xFFFF;
	s2 =	simm.s32 @!p0 $0x1C01  }
0x29c: {  	[timem:s3], [sflag:s2] =	dma.local @!p0 [hbm:s0], s1  }
0x29d: {  	s0 =	simm.s32 @!p0 $0x1  }
0x29e: {  	_ =	swait.ge @!p0 [sflag:s0], s1  }
0x29f: {  	s1 =	ssub.s32 @!p0 $0x0, s1;
	[sflag:s0] =	ssyncset.done @!p0 $0x0  }
0x2a0: {  	[sflag:s0] =	ssyncadd.s32 @!p0 s1  }
0x2a1: {  	[bflag:$0x3] =	sbarrier.arrive $0xFFFF  }
0x2a2: {  	_ =	shalt  }

</sc_bundles>
